<compile_context>
chip_gen: v7x
topology: tpu7x:2x2x1
jax: 0.10.2.dev20260603
libtpu: 0.0.44.dev20260713+nightly
codegen_flags: <defaults>
</compile_context>

<pallas_src>
import functools

import jax
import jax.numpy as jnp
from jax import lax
from jax.experimental import pallas as pl
from jax.experimental.pallas import tpu as pltpu
from jax.experimental.pallas import tpu_sc as plsc

N = 10000
E = 320000
D = 128
NC, NS = 2, 16
NW = NC * NS
EPW = E // NW
CH = 40
NCH = EPW // CH
NKC = 10
KC = NCH // NKC
RPT = N // NS
NP = 10240
RPTA = NP // NS
DG = 16

_MESH = plsc.VectorSubcoreMesh(core_axis_name="c", subcore_axis_name="s")

def _sc_segment_sum():
    scratch = [
        pltpu.VMEM((KC, CH), jnp.int32),
        pltpu.VMEM((KC, CH), jnp.int32),
        pltpu.VMEM((CH, D), jnp.float32),
        pltpu.VMEM_SHARED((NP, D), jnp.float32),
        pltpu.SemaphoreType.DMA,
        pltpu.VMEM((CH, DG), jnp.float32),
        pltpu.VMEM((CH, DG), jnp.float32),
        pltpu.VMEM((CH, DG), jnp.float32),
        pltpu.VMEM((CH, DG), jnp.float32),
        pltpu.VMEM((CH, DG), jnp.float32),
        pltpu.VMEM((CH, DG), jnp.float32),
        pltpu.VMEM_SHARED((N, DG), jnp.float32),
    ]

    def body(src_hbm, dst_hbm, g_hbm, acc_out,
             src_v, dst_v, buf0, acc_s, sem0, x1, x2, x3, x4, x5, x6, x7):
        cid = lax.axis_index("c")
        sid = lax.axis_index("s")
        wid = sid * NC + cid
        base = sid * RPTA
        zvec = jnp.zeros((16,), jnp.float32)

        def zrow(i, _):
            for jj in range(D // 16):
                buf0[i, pl.ds(jj * 16, 16)] = zvec
            return 0
        lax.fori_loop(0, CH, zrow, 0)
        for k in range(RPTA // CH):
            pltpu.sync_copy(buf0, acc_s.at[pl.ds(base + k * CH, CH)])

        plsc.subcore_barrier()

        def chunk(k, _):
            pltpu.sync_copy(src_hbm.at[wid, k], src_v)
            pltpu.sync_copy(dst_hbm.at[wid, k], dst_v)

            def step(j, _):
                pltpu.async_copy(g_hbm.at[src_v.at[j]], buf0, sem0).wait()
                pltpu.sync_copy(buf0, acc_s.at[dst_v.at[j]], add=True)
                return 0
            lax.fori_loop(0, KC, step, 0)
            return 0
        lax.fori_loop(0, NKC, chunk, 0)

        plsc.subcore_barrier()

        pltpu.sync_copy(acc_s.at[pl.ds(base, RPTA)], acc_out.at[cid, sid])

    return pl.kernel(
        body, out_type=jax.ShapeDtypeStruct((NC, NS, RPTA, D), jnp.float32),
        mesh=_MESH, scratch_types=tuple(scratch))


def _sc_degree():
    scratch = [
        pltpu.VMEM((KC, CH), jnp.int32),
        pltpu.VMEM((CH, DG), jnp.float32),
        pltpu.VMEM((CH, DG), jnp.float32),
        pltpu.VMEM_SHARED((N, DG), jnp.float32),
    ]

    def body(dst_hbm, deg_out, dst_v, ones_v, dzero, deg_s):
        cid = lax.axis_index("c")
        sid = lax.axis_index("s")
        wid = sid * NC + cid
        base = sid * RPT

        zvec = jnp.zeros((16,), jnp.float32)

        def zrow(i, _):
            dzero[i, :] = zvec
            ones_v[i, :] = zvec + 1.0
            return 0
        lax.fori_loop(0, CH, zrow, 0)
        nfull = RPT // CH
        rem = RPT - nfull * CH
        for k in range(nfull):
            pltpu.sync_copy(dzero, deg_s.at[pl.ds(base + k * CH, CH)])
        pltpu.sync_copy(dzero.at[pl.ds(0, rem)],
                        deg_s.at[pl.ds(base + nfull * CH, rem)])

        plsc.subcore_barrier()

        def chunk(k, _):
            pltpu.sync_copy(dst_hbm.at[wid, k], dst_v)

            def step(j, _):
                pltpu.sync_copy(ones_v, deg_s.at[dst_v.at[j]], add=True)
                return 0
            lax.fori_loop(0, KC, step, 0)
            return 0
        lax.fori_loop(0, NKC, chunk, 0)

        plsc.subcore_barrier()
        pltpu.sync_copy(deg_s.at[pl.ds(base, RPT)], deg_out.at[cid, sid])

    return pl.kernel(
        body, out_type=jax.ShapeDtypeStruct((NC, NS, RPT, DG), jnp.float32),
        mesh=_MESH, scratch_types=tuple(scratch))


_sc_pass = _sc_segment_sum()
_sc_deg = _sc_degree()



_R = 1000


def _row_spec():
    return pl.BlockSpec((_R, D), lambda i: (i, 0))


def _full_spec(shape):
    return pl.BlockSpec(shape, lambda i: tuple(0 for _ in shape))


def _stage_pre(x, W_pre, b_pre, Wl1, Wr1, b1):
    def body(x_r, wp_r, bp_r, wl_r, wr_r, b1_r, g_r, r_r):
        h = jnp.dot(x_r[...], wp_r[...],
                    preferred_element_type=jnp.float32) + bp_r[...]
        g_r[...] = jnp.dot(h, wl_r[...], preferred_element_type=jnp.float32)
        r_r[...] = jnp.dot(h, wr_r[...],
                           preferred_element_type=jnp.float32) + b1_r[...]

    return pl.pallas_call(
        body,
        grid=(N // _R,),
        in_specs=[_row_spec(), _full_spec((D, D)), _full_spec((1, D)),
                  _full_spec((D, D)), _full_spec((D, D)), _full_spec((1, D))],
        out_specs=[_row_spec(), _row_spec()],
        out_shape=[jax.ShapeDtypeStruct((N, D), jnp.float32),
                   jax.ShapeDtypeStruct((N, D), jnp.float32)],
    )(x, W_pre, b_pre.reshape(1, D), Wl1, Wr1, b1.reshape(1, D))


def _stage_mid(a0, a1, d0, d1, r0, Wl2, Wr2, b2):
    def body(a0_r, a1_r, d0_r, d1_r, r0_r, wl_r, wr_r, b2_r, g_r, r_r):
        deg = jnp.maximum(d0_r[:, 0:1] + d1_r[:, 0:1], 1.0)
        h = jnp.maximum((a0_r[...] + a1_r[...]) / deg + r0_r[...], 0.0)
        g_r[...] = jnp.dot(h, wl_r[...], preferred_element_type=jnp.float32)
        r_r[...] = jnp.dot(h, wr_r[...],
                           preferred_element_type=jnp.float32) + b2_r[...]

    dspec = pl.BlockSpec((_R, DG), lambda i: (i, 0))
    return pl.pallas_call(
        body,
        grid=(N // _R,),
        in_specs=[_row_spec(), _row_spec(), dspec, dspec, _row_spec(),
                  _full_spec((D, D)), _full_spec((D, D)), _full_spec((1, D))],
        out_specs=[_row_spec(), _row_spec()],
        out_shape=[jax.ShapeDtypeStruct((N, D), jnp.float32),
                   jax.ShapeDtypeStruct((N, D), jnp.float32)],
    )(a0, a1, d0, d1, r0, Wl2, Wr2, b2.reshape(1, D))


def _stage_out(a0, a1, d0, d1, r1):
    def body(a0_r, a1_r, d0_r, d1_r, r1_r, o_r):
        deg = jnp.maximum(d0_r[:, 0:1] + d1_r[:, 0:1], 1.0)
        h = (a0_r[...] + a1_r[...]) / deg + r1_r[...]
        nrm = jnp.sqrt(jnp.sum(h * h, axis=1, keepdims=True))
        o_r[...] = h / jnp.maximum(nrm, 1e-12)

    dspec = pl.BlockSpec((_R, DG), lambda i: (i, 0))
    return pl.pallas_call(
        body,
        grid=(N // _R,),
        in_specs=[_row_spec(), _row_spec(), dspec, dspec, _row_spec()],
        out_specs=_row_spec(),
        out_shape=jax.ShapeDtypeStruct((N, D), jnp.float32),
    )(a0, a1, d0, d1, r1)


def kernel(x, edge_index, W_pre, b_pre, Wl1, Wr1, b1, Wl2, Wr2, b2):
    ei = edge_index.astype(jnp.int32)
    src4d = ei[0].reshape(NW, NKC, KC, CH)
    dst4d = ei[1].reshape(NW, NKC, KC, CH)

    g0, r0 = _stage_pre(x, W_pre, b_pre, Wl1, Wr1, b1)
    deg = _sc_deg(dst4d)
    d0, d1 = deg[0].reshape(N, DG), deg[1].reshape(N, DG)
    a = _sc_pass(src4d, dst4d, g0)
    a0, a1 = a[0].reshape(NS * RPTA, D)[:N], a[1].reshape(NS * RPTA, D)[:N]
    g1, r1 = _stage_mid(a0, a1, d0, d1, r0, Wl2, Wr2, b2)
    b = _sc_pass(src4d, dst4d, g1)
    b0, b1r = b[0].reshape(NS * RPTA, D)[:N], b[1].reshape(NS * RPTA, D)[:N]
    return _stage_out(b0, b1r, d0, d1, r1)

# --- scband reference (transcript-rebuilt; emitter-appended) ---
"""Pipeline reference for scband-sage-50757923504416 (READ-ONLY COPY).

The authoritative reference and input builder live on the scoring server;
editing this copy changes nothing except your own understanding.
"""

import jax, jax.numpy as jnp
import numpy as np

N_NODES = 10000
N_EDGES = 320000
D = 128

def _sage_conv(x, src, dst, Wl, Wr, b, n):
    # PyG SAGEConv with mean aggregation: out = lin_l(mean_j x_j) + lin_r(x) + bias
    ones = jnp.ones((src.shape[0],), dtype=x.dtype)
    deg = jax.ops.segment_sum(ones, dst, num_segments=n)
    agg = jax.ops.segment_sum(jnp.take(x, src, axis=0), dst, num_segments=n)
    agg = agg / jnp.clip(deg, 1.0)[:, None]
    return agg @ Wl + x @ Wr + b

def setup_inputs(seed: int = 0) -> dict:
    key = jax.random.key(seed)
    ks = jax.random.split(key, 10)
    x = jax.random.normal(ks[0], (N_NODES, D), dtype=jnp.float32)
    edge_index = jax.random.randint(ks[1], (2, N_EDGES), 0, N_NODES, dtype=jnp.int64)
    s = 1.0 / np.sqrt(D)
    W_pre = jax.random.uniform(ks[2], (D, D), jnp.float32, -s, s)
    b_pre = jax.random.uniform(ks[3], (D,), jnp.float32, -s, s)
    Wl1 = jax.random.uniform(ks[4], (D, D), jnp.float32, -s, s)
    Wr1 = jax.random.uniform(ks[5], (D, D), jnp.float32, -s, s)
    b1 = jnp.zeros((D,), jnp.float32)
    Wl2 = jax.random.uniform(ks[6], (D, D), jnp.float32, -s, s)
    Wr2 = jax.random.uniform(ks[7], (D, D), jnp.float32, -s, s)
    b2 = jnp.zeros((D,), jnp.float32)
    return {"x": x, "edge_index": edge_index, "W_pre": W_pre, "b_pre": b_pre,
            "Wl1": Wl1, "Wr1": Wr1, "b1": b1, "Wl2": Wl2, "Wr2": Wr2, "b2": b2}

def reference(x, edge_index, W_pre, b_pre, Wl1, Wr1, b1, Wl2, Wr2, b2):
    src = edge_index[0]
    dst = edge_index[1]
    n = x.shape[0]
    # feature_pre linear
    h = x @ W_pre + b_pre
    # conv_first + relu (dropout skipped: eval-mode / deterministic reference)
    h = _sage_conv(h, src, dst, Wl1, Wr1, b1, n)
    h = jax.nn.relu(h)
    # layer_num=2 -> no hidden convs
    # conv_out
    h = _sage_conv(h, src, dst, Wl2, Wr2, b2, n)
    # F.normalize(p=2, dim=-1)
    norm = jnp.linalg.norm(h, axis=-1, keepdims=True)
    h = h / jnp.maximum(norm, 1e-12)
    return h

if __name__ == "__main__":
    import jax
    _d = setup_inputs()
    print(jax.jit(kernel)(*tuple(_d.values())))

</pallas_src>

<mosaic_0001>
#map = affine_map<(d0, d1) -> (0, 0, 0, 0)>
#map1 = affine_map<(d0, d1) -> (0, 0)>
module attributes {stable_mosaic.version = 14 : i64} {
  func.func @body(%arg0: i32, %arg1: i32, %arg2: memref<32x10x25x40xi32, #tpu.memory_space<hbm>>, %arg3: memref<32x10x25x40xi32, #tpu.memory_space<hbm>>, %arg4: memref<10000x128xf32, #tpu.memory_space<hbm>>, %arg5: memref<2x16x640x128xf32, #tpu.memory_space<hbm>>, %arg6: memref<25x40xi32, #tpu.memory_space<vmem>>, %arg7: memref<25x40xi32, #tpu.memory_space<vmem>>, %arg8: memref<40x128xf32, #tpu.memory_space<vmem>>, %arg9: memref<10240x128xf32, #tpu.memory_space<vmem_shared>>, %arg10: memref<!tpu.dma_semaphore, #tpu.memory_space<semaphore_mem>>, %arg11: memref<40x16xf32, #tpu.memory_space<vmem>>, %arg12: memref<40x16xf32, #tpu.memory_space<vmem>>, %arg13: memref<40x16xf32, #tpu.memory_space<vmem>>, %arg14: memref<40x16xf32, #tpu.memory_space<vmem>>, %arg15: memref<40x16xf32, #tpu.memory_space<vmem>>, %arg16: memref<40x16xf32, #tpu.memory_space<vmem>>, %arg17: memref<10000x16xf32, #tpu.memory_space<vmem_shared>>) attributes {dimension_semantics = [#tpu.dimension_semantics<core_parallel>, #tpu.dimension_semantics<subcore_parallel>], iteration_bounds = array<i64: 2, 16>, scalar_prefetch = 0 : i64, scratch_operands = 12 : i64, tpu.core_type = #tpu.core_type<sc_vector_subcore>, window_params = [{transform_indices = #map}, {transform_indices = #map}, {transform_indices = #map1}, {transform_indices = #map}]} {
    %mul3A = arith.constant 2 : i32
    %mul3A_0 = arith.muli %arg1, %mul3A : i32
    %add3A = arith.addi %mul3A_0, %arg0 : i32
    %mul3A_1 = arith.constant 640 : i32
    %mul3A_2 = arith.muli %arg1, %mul3A_1 : i32
    %broadcast_in_dim3A = arith.constant 0.000000e+00 : f32
    %broadcast_in_dim3A_3 = vector.broadcast %broadcast_in_dim3A : f32 to vector<16xf32>
    %scan3A = arith.constant 0 : i32
    %scan3A_4 = arith.constant 0 : i32
    %scan3A_5 = arith.constant 40 : i32
    %scan3A_6 = arith.addi %scan3A_4, %scan3A_5 : i32
    %scan3A_7 = arith.constant 1 : i32
    %scan3A_8 = scf.for %scan3A_50 = %scan3A_4 to %scan3A_6 step %scan3A_7 iter_args(%scan3A_51 = %scan3A) -> (i32)  : i32 {
      %swap3A = arith.index_cast %scan3A_50 : i32 to index
      %swap3A_52 = arith.constant 0 : index
      %swap3A_53 = tpu.vector_load %arg8[%swap3A, %swap3A_52] {strides = array<i32>} : memref<40x128xf32, #tpu.memory_space<vmem>>, vector<1x16xf32>,
      %swap3A_54 = vector.shape_cast %swap3A_53 : vector<1x16xf32> to vector<16xf32>
      %swap3A_55 = vector.shape_cast %broadcast_in_dim3A_3 : vector<16xf32> to vector<1x16xf32>
      tpu.vector_store %arg8[%swap3A, %swap3A_52], %swap3A_55 {strides = array<i32>} : memref<40x128xf32, #tpu.memory_space<vmem>>, vector<1x16xf32>,
      %swap3A_56 = arith.index_cast %scan3A_50 : i32 to index
      %swap3A_57 = arith.constant 16 : index
      %swap3A_58 = tpu.vector_load %arg8[%swap3A_56, %swap3A_57] {strides = array<i32>} : memref<40x128xf32, #tpu.memory_space<vmem>>, vector<1x16xf32>,
      %swap3A_59 = vector.shape_cast %swap3A_58 : vector<1x16xf32> to vector<16xf32>
      %swap3A_60 = vector.shape_cast %broadcast_in_dim3A_3 : vector<16xf32> to vector<1x16xf32>
      tpu.vector_store %arg8[%swap3A_56, %swap3A_57], %swap3A_60 {strides = array<i32>} : memref<40x128xf32, #tpu.memory_space<vmem>>, vector<1x16xf32>,
      %swap3A_61 = arith.index_cast %scan3A_50 : i32 to index
      %swap3A_62 = arith.constant 32 : index
      %swap3A_63 = tpu.vector_load %arg8[%swap3A_61, %swap3A_62] {strides = array<i32>} : memref<40x128xf32, #tpu.memory_space<vmem>>, vector<1x16xf32>,
      %swap3A_64 = vector.shape_cast %swap3A_63 : vector<1x16xf32> to vector<16xf32>
      %swap3A_65 = vector.shape_cast %broadcast_in_dim3A_3 : vector<16xf32> to vector<1x16xf32>
      tpu.vector_store %arg8[%swap3A_61, %swap3A_62], %swap3A_65 {strides = array<i32>} : memref<40x128xf32, #tpu.memory_space<vmem>>, vector<1x16xf32>,
      %swap3A_66 = arith.index_cast %scan3A_50 : i32 to index
      %swap3A_67 = arith.constant 48 : index
      %swap3A_68 = tpu.vector_load %arg8[%swap3A_66, %swap3A_67] {strides = array<i32>} : memref<40x128xf32, #tpu.memory_space<vmem>>, vector<1x16xf32>,
      %swap3A_69 = vector.shape_cast %swap3A_68 : vector<1x16xf32> to vector<16xf32>
      %swap3A_70 = vector.shape_cast %broadcast_in_dim3A_3 : vector<16xf32> to vector<1x16xf32>
      tpu.vector_store %arg8[%swap3A_66, %swap3A_67], %swap3A_70 {strides = array<i32>} : memref<40x128xf32, #tpu.memory_space<vmem>>, vector<1x16xf32>,
      %swap3A_71 = arith.index_cast %scan3A_50 : i32 to index
      %swap3A_72 = arith.constant 64 : index
      %swap3A_73 = tpu.vector_load %arg8[%swap3A_71, %swap3A_72] {strides = array<i32>} : memref<40x128xf32, #tpu.memory_space<vmem>>, vector<1x16xf32>,
      %swap3A_74 = vector.shape_cast %swap3A_73 : vector<1x16xf32> to vector<16xf32>
      %swap3A_75 = vector.shape_cast %broadcast_in_dim3A_3 : vector<16xf32> to vector<1x16xf32>
      tpu.vector_store %arg8[%swap3A_71, %swap3A_72], %swap3A_75 {strides = array<i32>} : memref<40x128xf32, #tpu.memory_space<vmem>>, vector<1x16xf32>,
      %swap3A_76 = arith.index_cast %scan3A_50 : i32 to index
      %swap3A_77 = arith.constant 80 : index
      %swap3A_78 = tpu.vector_load %arg8[%swap3A_76, %swap3A_77] {strides = array<i32>} : memref<40x128xf32, #tpu.memory_space<vmem>>, vector<1x16xf32>,
      %swap3A_79 = vector.shape_cast %swap3A_78 : vector<1x16xf32> to vector<16xf32>
      %swap3A_80 = vector.shape_cast %broadcast_in_dim3A_3 : vector<16xf32> to vector<1x16xf32>
      tpu.vector_store %arg8[%swap3A_76, %swap3A_77], %swap3A_80 {strides = array<i32>} : memref<40x128xf32, #tpu.memory_space<vmem>>, vector<1x16xf32>,
      %swap3A_81 = arith.index_cast %scan3A_50 : i32 to index
      %swap3A_82 = arith.constant 96 : index
      %swap3A_83 = tpu.vector_load %arg8[%swap3A_81, %swap3A_82] {strides = array<i32>} : memref<40x128xf32, #tpu.memory_space<vmem>>, vector<1x16xf32>,
      %swap3A_84 = vector.shape_cast %swap3A_83 : vector<1x16xf32> to vector<16xf32>
      %swap3A_85 = vector.shape_cast %broadcast_in_dim3A_3 : vector<16xf32> to vector<1x16xf32>
      tpu.vector_store %arg8[%swap3A_81, %swap3A_82], %swap3A_85 {strides = array<i32>} : memref<40x128xf32, #tpu.memory_space<vmem>>, vector<1x16xf32>,
      %swap3A_86 = arith.index_cast %scan3A_50 : i32 to index
      %swap3A_87 = arith.constant 112 : index
      %swap3A_88 = tpu.vector_load %arg8[%swap3A_86, %swap3A_87] {strides = array<i32>} : memref<40x128xf32, #tpu.memory_space<vmem>>, vector<1x16xf32>,
      %swap3A_89 = vector.shape_cast %swap3A_88 : vector<1x16xf32> to vector<16xf32>
      %swap3A_90 = vector.shape_cast %broadcast_in_dim3A_3 : vector<16xf32> to vector<1x16xf32>
      tpu.vector_store %arg8[%swap3A_86, %swap3A_87], %swap3A_90 {strides = array<i32>} : memref<40x128xf32, #tpu.memory_space<vmem>>, vector<1x16xf32>,
      %scan3A_91 = arith.constant 0 : i32
      scf.yield %scan3A_91 : i32
    }
    %scan3A_9 = arith.constant 40 : i32
    %add3A_10 = arith.constant 0 : i32
    %add3A_11 = arith.addi %mul3A_2, %add3A_10 : i32
    "tpu.region"() ({
      %run_scoped3A = tpu.sem_alloc : memref<!tpu.dma_semaphore, #tpu.memory_space<semaphore_mem>>
      %dma_start3A = arith.constant 0 : i32
      %dma_start3A_50 = tpu.memref_slice %arg9[%add3A_11, %dma_start3A] : memref<10240x128xf32, #tpu.memory_space<vmem_shared>> -> memref<40x128xf32, #tpu.memory_space<vmem_shared>>
      %dma_start3A_51 = arith.constant 0 : i32
      %dma_start3A_52 = tpu.memref_slice %arg9[%add3A_11, %dma_start3A_51] : memref<10240x128xf32, #tpu.memory_space<vmem_shared>> -> memref<40x128xf32, #tpu.memory_space<vmem_shared>>
      tpu.enqueue_dma source(%arg8 : memref<40x128xf32, #tpu.memory_space<vmem>>) target(%dma_start3A_52 : memref<40x128xf32, #tpu.memory_space<vmem_shared>>) target_semaphore(%run_scoped3A : memref<!tpu.dma_semaphore, #tpu.memory_space<semaphore_mem>>)
      %dma_wait3A = arith.constant 0 : i32
      %dma_wait3A_53 = tpu.memref_slice %arg9[%add3A_11, %dma_wait3A] : memref<10240x128xf32, #tpu.memory_space<vmem_shared>> -> memref<40x128xf32, #tpu.memory_space<vmem_shared>>
      %dma_wait3A_54 = arith.constant 0 : i32
      %dma_wait3A_55 = tpu.memref_slice %arg9[%add3A_11, %dma_wait3A_54] : memref<10240x128xf32, #tpu.memory_space<vmem_shared>> -> memref<40x128xf32, #tpu.memory_space<vmem_shared>>
      tpu.wait_dma2 semaphore(%run_scoped3A : memref<!tpu.dma_semaphore, #tpu.memory_space<semaphore_mem>>) src(%arg8 : memref<40x128xf32, #tpu.memory_space<vmem>>) dst(%dma_wait3A_55 : memref<40x128xf32, #tpu.memory_space<vmem_shared>>)
      tpu.yield
    }) : () -> ()
    %add3A_12 = arith.constant 40 : i32
    %add3A_13 = arith.addi %mul3A_2, %add3A_12 : i32
    "tpu.region"() ({
      %run_scoped3A = tpu.sem_alloc : memref<!tpu.dma_semaphore, #tpu.memory_space<semaphore_mem>>
      %dma_start3A = arith.constant 0 : i32
      %dma_start3A_50 = tpu.memref_slice %arg9[%add3A_13, %dma_start3A] : memref<10240x128xf32, #tpu.memory_space<vmem_shared>> -> memref<40x128xf32, #tpu.memory_space<vmem_shared>>
      %dma_start3A_51 = arith.constant 0 : i32
      %dma_start3A_52 = tpu.memref_slice %arg9[%add3A_13, %dma_start3A_51] : memref<10240x128xf32, #tpu.memory_space<vmem_shared>> -> memref<40x128xf32, #tpu.memory_space<vmem_shared>>
      tpu.enqueue_dma source(%arg8 : memref<40x128xf32, #tpu.memory_space<vmem>>) target(%dma_start3A_52 : memref<40x128xf32, #tpu.memory_space<vmem_shared>>) target_semaphore(%run_scoped3A : memref<!tpu.dma_semaphore, #tpu.memory_space<semaphore_mem>>)
      %dma_wait3A = arith.constant 0 : i32
      %dma_wait3A_53 = tpu.memref_slice %arg9[%add3A_13, %dma_wait3A] : memref<10240x128xf32, #tpu.memory_space<vmem_shared>> -> memref<40x128xf32, #tpu.memory_space<vmem_shared>>
      %dma_wait3A_54 = arith.constant 0 : i32
      %dma_wait3A_55 = tpu.memref_slice %arg9[%add3A_13, %dma_wait3A_54] : memref<10240x128xf32, #tpu.memory_space<vmem_shared>> -> memref<40x128xf32, #tpu.memory_space<vmem_shared>>
      tpu.wait_dma2 semaphore(%run_scoped3A : memref<!tpu.dma_semaphore, #tpu.memory_space<semaphore_mem>>) src(%arg8 : memref<40x128xf32, #tpu.memory_space<vmem>>) dst(%dma_wait3A_55 : memref<40x128xf32, #tpu.memory_space<vmem_shared>>)
      tpu.yield
    }) : () -> ()
    %add3A_14 = arith.constant 80 : i32
    %add3A_15 = arith.addi %mul3A_2, %add3A_14 : i32
    "tpu.region"() ({
      %run_scoped3A = tpu.sem_alloc : memref<!tpu.dma_semaphore, #tpu.memory_space<semaphore_mem>>
      %dma_start3A = arith.constant 0 : i32
      %dma_start3A_50 = tpu.memref_slice %arg9[%add3A_15, %dma_start3A] : memref<10240x128xf32, #tpu.memory_space<vmem_shared>> -> memref<40x128xf32, #tpu.memory_space<vmem_shared>>
      %dma_start3A_51 = arith.constant 0 : i32
      %dma_start3A_52 = tpu.memref_slice %arg9[%add3A_15, %dma_start3A_51] : memref<10240x128xf32, #tpu.memory_space<vmem_shared>> -> memref<40x128xf32, #tpu.memory_space<vmem_shared>>
      tpu.enqueue_dma source(%arg8 : memref<40x128xf32, #tpu.memory_space<vmem>>) target(%dma_start3A_52 : memref<40x128xf32, #tpu.memory_space<vmem_shared>>) target_semaphore(%run_scoped3A : memref<!tpu.dma_semaphore, #tpu.memory_space<semaphore_mem>>)
      %dma_wait3A = arith.constant 0 : i32
      %dma_wait3A_53 = tpu.memref_slice %arg9[%add3A_15, %dma_wait3A] : memref<10240x128xf32, #tpu.memory_space<vmem_shared>> -> memref<40x128xf32, #tpu.memory_space<vmem_shared>>
      %dma_wait3A_54 = arith.constant 0 : i32
      %dma_wait3A_55 = tpu.memref_slice %arg9[%add3A_15, %dma_wait3A_54] : memref<10240x128xf32, #tpu.memory_space<vmem_shared>> -> memref<40x128xf32, #tpu.memory_space<vmem_shared>>
      tpu.wait_dma2 semaphore(%run_scoped3A : memref<!tpu.dma_semaphore, #tpu.memory_space<semaphore_mem>>) src(%arg8 : memref<40x128xf32, #tpu.memory_space<vmem>>) dst(%dma_wait3A_55 : memref<40x128xf32, #tpu.memory_space<vmem_shared>>)
      tpu.yield
    }) : () -> ()
    %add3A_16 = arith.constant 120 : i32
    %add3A_17 = arith.addi %mul3A_2, %add3A_16 : i32
    "tpu.region"() ({
      %run_scoped3A = tpu.sem_alloc : memref<!tpu.dma_semaphore, #tpu.memory_space<semaphore_mem>>
      %dma_start3A = arith.constant 0 : i32
      %dma_start3A_50 = tpu.memref_slice %arg9[%add3A_17, %dma_start3A] : memref<10240x128xf32, #tpu.memory_space<vmem_shared>> -> memref<40x128xf32, #tpu.memory_space<vmem_shared>>
      %dma_start3A_51 = arith.constant 0 : i32
      %dma_start3A_52 = tpu.memref_slice %arg9[%add3A_17, %dma_start3A_51] : memref<10240x128xf32, #tpu.memory_space<vmem_shared>> -> memref<40x128xf32, #tpu.memory_space<vmem_shared>>
      tpu.enqueue_dma source(%arg8 : memref<40x128xf32, #tpu.memory_space<vmem>>) target(%dma_start3A_52 : memref<40x128xf32, #tpu.memory_space<vmem_shared>>) target_semaphore(%run_scoped3A : memref<!tpu.dma_semaphore, #tpu.memory_space<semaphore_mem>>)
      %dma_wait3A = arith.constant 0 : i32
      %dma_wait3A_53 = tpu.memref_slice %arg9[%add3A_17, %dma_wait3A] : memref<10240x128xf32, #tpu.memory_space<vmem_shared>> -> memref<40x128xf32, #tpu.memory_space<vmem_shared>>
      %dma_wait3A_54 = arith.constant 0 : i32
      %dma_wait3A_55 = tpu.memref_slice %arg9[%add3A_17, %dma_wait3A_54] : memref<10240x128xf32, #tpu.memory_space<vmem_shared>> -> memref<40x128xf32, #tpu.memory_space<vmem_shared>>
      tpu.wait_dma2 semaphore(%run_scoped3A : memref<!tpu.dma_semaphore, #tpu.memory_space<semaphore_mem>>) src(%arg8 : memref<40x128xf32, #tpu.memory_space<vmem>>) dst(%dma_wait3A_55 : memref<40x128xf32, #tpu.memory_space<vmem_shared>>)
      tpu.yield
    }) : () -> ()
    %add3A_18 = arith.constant 160 : i32
    %add3A_19 = arith.addi %mul3A_2, %add3A_18 : i32
    "tpu.region"() ({
      %run_scoped3A = tpu.sem_alloc : memref<!tpu.dma_semaphore, #tpu.memory_space<semaphore_mem>>
      %dma_start3A = arith.constant 0 : i32
      %dma_start3A_50 = tpu.memref_slice %arg9[%add3A_19, %dma_start3A] : memref<10240x128xf32, #tpu.memory_space<vmem_shared>> -> memref<40x128xf32, #tpu.memory_space<vmem_shared>>
      %dma_start3A_51 = arith.constant 0 : i32
      %dma_start3A_52 = tpu.memref_slice %arg9[%add3A_19, %dma_start3A_51] : memref<10240x128xf32, #tpu.memory_space<vmem_shared>> -> memref<40x128xf32, #tpu.memory_space<vmem_shared>>
      tpu.enqueue_dma source(%arg8 : memref<40x128xf32, #tpu.memory_space<vmem>>) target(%dma_start3A_52 : memref<40x128xf32, #tpu.memory_space<vmem_shared>>) target_semaphore(%run_scoped3A : memref<!tpu.dma_semaphore, #tpu.memory_space<semaphore_mem>>)
      %dma_wait3A = arith.constant 0 : i32
      %dma_wait3A_53 = tpu.memref_slice %arg9[%add3A_19, %dma_wait3A] : memref<10240x128xf32, #tpu.memory_space<vmem_shared>> -> memref<40x128xf32, #tpu.memory_space<vmem_shared>>
      %dma_wait3A_54 = arith.constant 0 : i32
      %dma_wait3A_55 = tpu.memref_slice %arg9[%add3A_19, %dma_wait3A_54] : memref<10240x128xf32, #tpu.memory_space<vmem_shared>> -> memref<40x128xf32, #tpu.memory_space<vmem_shared>>
      tpu.wait_dma2 semaphore(%run_scoped3A : memref<!tpu.dma_semaphore, #tpu.memory_space<semaphore_mem>>) src(%arg8 : memref<40x128xf32, #tpu.memory_space<vmem>>) dst(%dma_wait3A_55 : memref<40x128xf32, #tpu.memory_space<vmem_shared>>)
      tpu.yield
    }) : () -> ()
    %add3A_20 = arith.constant 200 : i32
    %add3A_21 = arith.addi %mul3A_2, %add3A_20 : i32
    "tpu.region"() ({
      %run_scoped3A = tpu.sem_alloc : memref<!tpu.dma_semaphore, #tpu.memory_space<semaphore_mem>>
      %dma_start3A = arith.constant 0 : i32
      %dma_start3A_50 = tpu.memref_slice %arg9[%add3A_21, %dma_start3A] : memref<10240x128xf32, #tpu.memory_space<vmem_shared>> -> memref<40x128xf32, #tpu.memory_space<vmem_shared>>
      %dma_start3A_51 = arith.constant 0 : i32
      %dma_start3A_52 = tpu.memref_slice %arg9[%add3A_21, %dma_start3A_51] : memref<10240x128xf32, #tpu.memory_space<vmem_shared>> -> memref<40x128xf32, #tpu.memory_space<vmem_shared>>
      tpu.enqueue_dma source(%arg8 : memref<40x128xf32, #tpu.memory_space<vmem>>) target(%dma_start3A_52 : memref<40x128xf32, #tpu.memory_space<vmem_shared>>) target_semaphore(%run_scoped3A : memref<!tpu.dma_semaphore, #tpu.memory_space<semaphore_mem>>)
      %dma_wait3A = arith.constant 0 : i32
      %dma_wait3A_53 = tpu.memref_slice %arg9[%add3A_21, %dma_wait3A] : memref<10240x128xf32, #tpu.memory_space<vmem_shared>> -> memref<40x128xf32, #tpu.memory_space<vmem_shared>>
      %dma_wait3A_54 = arith.constant 0 : i32
      %dma_wait3A_55 = tpu.memref_slice %arg9[%add3A_21, %dma_wait3A_54] : memref<10240x128xf32, #tpu.memory_space<vmem_shared>> -> memref<40x128xf32, #tpu.memory_space<vmem_shared>>
      tpu.wait_dma2 semaphore(%run_scoped3A : memref<!tpu.dma_semaphore, #tpu.memory_space<semaphore_mem>>) src(%arg8 : memref<40x128xf32, #tpu.memory_space<vmem>>) dst(%dma_wait3A_55 : memref<40x128xf32, #tpu.memory_space<vmem_shared>>)
      tpu.yield
    }) : () -> ()
    %add3A_22 = arith.constant 240 : i32
    %add3A_23 = arith.addi %mul3A_2, %add3A_22 : i32
    "tpu.region"() ({
      %run_scoped3A = tpu.sem_alloc : memref<!tpu.dma_semaphore, #tpu.memory_space<semaphore_mem>>
      %dma_start3A = arith.constant 0 : i32
      %dma_start3A_50 = tpu.memref_slice %arg9[%add3A_23, %dma_start3A] : memref<10240x128xf32, #tpu.memory_space<vmem_shared>> -> memref<40x128xf32, #tpu.memory_space<vmem_shared>>
      %dma_start3A_51 = arith.constant 0 : i32
      %dma_start3A_52 = tpu.memref_slice %arg9[%add3A_23, %dma_start3A_51] : memref<10240x128xf32, #tpu.memory_space<vmem_shared>> -> memref<40x128xf32, #tpu.memory_space<vmem_shared>>
      tpu.enqueue_dma source(%arg8 : memref<40x128xf32, #tpu.memory_space<vmem>>) target(%dma_start3A_52 : memref<40x128xf32, #tpu.memory_space<vmem_shared>>) target_semaphore(%run_scoped3A : memref<!tpu.dma_semaphore, #tpu.memory_space<semaphore_mem>>)
      %dma_wait3A = arith.constant 0 : i32
      %dma_wait3A_53 = tpu.memref_slice %arg9[%add3A_23, %dma_wait3A] : memref<10240x128xf32, #tpu.memory_space<vmem_shared>> -> memref<40x128xf32, #tpu.memory_space<vmem_shared>>
      %dma_wait3A_54 = arith.constant 0 : i32
      %dma_wait3A_55 = tpu.memref_slice %arg9[%add3A_23, %dma_wait3A_54] : memref<10240x128xf32, #tpu.memory_space<vmem_shared>> -> memref<40x128xf32, #tpu.memory_space<vmem_shared>>
      tpu.wait_dma2 semaphore(%run_scoped3A : memref<!tpu.dma_semaphore, #tpu.memory_space<semaphore_mem>>) src(%arg8 : memref<40x128xf32, #tpu.memory_space<vmem>>) dst(%dma_wait3A_55 : memref<40x128xf32, #tpu.memory_space<vmem_shared>>)
      tpu.yield
    }) : () -> ()
    %add3A_24 = arith.constant 280 : i32
    %add3A_25 = arith.addi %mul3A_2, %add3A_24 : i32
    "tpu.region"() ({
      %run_scoped3A = tpu.sem_alloc : memref<!tpu.dma_semaphore, #tpu.memory_space<semaphore_mem>>
      %dma_start3A = arith.constant 0 : i32
      %dma_start3A_50 = tpu.memref_slice %arg9[%add3A_25, %dma_start3A] : memref<10240x128xf32, #tpu.memory_space<vmem_shared>> -> memref<40x128xf32, #tpu.memory_space<vmem_shared>>
      %dma_start3A_51 = arith.constant 0 : i32
      %dma_start3A_52 = tpu.memref_slice %arg9[%add3A_25, %dma_start3A_51] : memref<10240x128xf32, #tpu.memory_space<vmem_shared>> -> memref<40x128xf32, #tpu.memory_space<vmem_shared>>
      tpu.enqueue_dma source(%arg8 : memref<40x128xf32, #tpu.memory_space<vmem>>) target(%dma_start3A_52 : memref<40x128xf32, #tpu.memory_space<vmem_shared>>) target_semaphore(%run_scoped3A : memref<!tpu.dma_semaphore, #tpu.memory_space<semaphore_mem>>)
      %dma_wait3A = arith.constant 0 : i32
      %dma_wait3A_53 = tpu.memref_slice %arg9[%add3A_25, %dma_wait3A] : memref<10240x128xf32, #tpu.memory_space<vmem_shared>> -> memref<40x128xf32, #tpu.memory_space<vmem_shared>>
      %dma_wait3A_54 = arith.constant 0 : i32
      %dma_wait3A_55 = tpu.memref_slice %arg9[%add3A_25, %dma_wait3A_54] : memref<10240x128xf32, #tpu.memory_space<vmem_shared>> -> memref<40x128xf32, #tpu.memory_space<vmem_shared>>
      tpu.wait_dma2 semaphore(%run_scoped3A : memref<!tpu.dma_semaphore, #tpu.memory_space<semaphore_mem>>) src(%arg8 : memref<40x128xf32, #tpu.memory_space<vmem>>) dst(%dma_wait3A_55 : memref<40x128xf32, #tpu.memory_space<vmem_shared>>)
      tpu.yield
    }) : () -> ()
    %add3A_26 = arith.constant 320 : i32
    %add3A_27 = arith.addi %mul3A_2, %add3A_26 : i32
    "tpu.region"() ({
      %run_scoped3A = tpu.sem_alloc : memref<!tpu.dma_semaphore, #tpu.memory_space<semaphore_mem>>
      %dma_start3A = arith.constant 0 : i32
      %dma_start3A_50 = tpu.memref_slice %arg9[%add3A_27, %dma_start3A] : memref<10240x128xf32, #tpu.memory_space<vmem_shared>> -> memref<40x128xf32, #tpu.memory_space<vmem_shared>>
      %dma_start3A_51 = arith.constant 0 : i32
      %dma_start3A_52 = tpu.memref_slice %arg9[%add3A_27, %dma_start3A_51] : memref<10240x128xf32, #tpu.memory_space<vmem_shared>> -> memref<40x128xf32, #tpu.memory_space<vmem_shared>>
      tpu.enqueue_dma source(%arg8 : memref<40x128xf32, #tpu.memory_space<vmem>>) target(%dma_start3A_52 : memref<40x128xf32, #tpu.memory_space<vmem_shared>>) target_semaphore(%run_scoped3A : memref<!tpu.dma_semaphore, #tpu.memory_space<semaphore_mem>>)
      %dma_wait3A = arith.constant 0 : i32
      %dma_wait3A_53 = tpu.memref_slice %arg9[%add3A_27, %dma_wait3A] : memref<10240x128xf32, #tpu.memory_space<vmem_shared>> -> memref<40x128xf32, #tpu.memory_space<vmem_shared>>
      %dma_wait3A_54 = arith.constant 0 : i32
      %dma_wait3A_55 = tpu.memref_slice %arg9[%add3A_27, %dma_wait3A_54] : memref<10240x128xf32, #tpu.memory_space<vmem_shared>> -> memref<40x128xf32, #tpu.memory_space<vmem_shared>>
      tpu.wait_dma2 semaphore(%run_scoped3A : memref<!tpu.dma_semaphore, #tpu.memory_space<semaphore_mem>>) src(%arg8 : memref<40x128xf32, #tpu.memory_space<vmem>>) dst(%dma_wait3A_55 : memref<40x128xf32, #tpu.memory_space<vmem_shared>>)
      tpu.yield
    }) : () -> ()
    %add3A_28 = arith.constant 360 : i32
    %add3A_29 = arith.addi %mul3A_2, %add3A_28 : i32
    "tpu.region"() ({
      %run_scoped3A = tpu.sem_alloc : memref<!tpu.dma_semaphore, #tpu.memory_space<semaphore_mem>>
      %dma_start3A = arith.constant 0 : i32
      %dma_start3A_50 = tpu.memref_slice %arg9[%add3A_29, %dma_start3A] : memref<10240x128xf32, #tpu.memory_space<vmem_shared>> -> memref<40x128xf32, #tpu.memory_space<vmem_shared>>
      %dma_start3A_51 = arith.constant 0 : i32
      %dma_start3A_52 = tpu.memref_slice %arg9[%add3A_29, %dma_start3A_51] : memref<10240x128xf32, #tpu.memory_space<vmem_shared>> -> memref<40x128xf32, #tpu.memory_space<vmem_shared>>
      tpu.enqueue_dma source(%arg8 : memref<40x128xf32, #tpu.memory_space<vmem>>) target(%dma_start3A_52 : memref<40x128xf32, #tpu.memory_space<vmem_shared>>) target_semaphore(%run_scoped3A : memref<!tpu.dma_semaphore, #tpu.memory_space<semaphore_mem>>)
      %dma_wait3A = arith.constant 0 : i32
      %dma_wait3A_53 = tpu.memref_slice %arg9[%add3A_29, %dma_wait3A] : memref<10240x128xf32, #tpu.memory_space<vmem_shared>> -> memref<40x128xf32, #tpu.memory_space<vmem_shared>>
      %dma_wait3A_54 = arith.constant 0 : i32
      %dma_wait3A_55 = tpu.memref_slice %arg9[%add3A_29, %dma_wait3A_54] : memref<10240x128xf32, #tpu.memory_space<vmem_shared>> -> memref<40x128xf32, #tpu.memory_space<vmem_shared>>
      tpu.wait_dma2 semaphore(%run_scoped3A : memref<!tpu.dma_semaphore, #tpu.memory_space<semaphore_mem>>) src(%arg8 : memref<40x128xf32, #tpu.memory_space<vmem>>) dst(%dma_wait3A_55 : memref<40x128xf32, #tpu.memory_space<vmem_shared>>)
      tpu.yield
    }) : () -> ()
    %add3A_30 = arith.constant 400 : i32
    %add3A_31 = arith.addi %mul3A_2, %add3A_30 : i32
    "tpu.region"() ({
      %run_scoped3A = tpu.sem_alloc : memref<!tpu.dma_semaphore, #tpu.memory_space<semaphore_mem>>
      %dma_start3A = arith.constant 0 : i32
      %dma_start3A_50 = tpu.memref_slice %arg9[%add3A_31, %dma_start3A] : memref<10240x128xf32, #tpu.memory_space<vmem_shared>> -> memref<40x128xf32, #tpu.memory_space<vmem_shared>>
      %dma_start3A_51 = arith.constant 0 : i32
      %dma_start3A_52 = tpu.memref_slice %arg9[%add3A_31, %dma_start3A_51] : memref<10240x128xf32, #tpu.memory_space<vmem_shared>> -> memref<40x128xf32, #tpu.memory_space<vmem_shared>>
      tpu.enqueue_dma source(%arg8 : memref<40x128xf32, #tpu.memory_space<vmem>>) target(%dma_start3A_52 : memref<40x128xf32, #tpu.memory_space<vmem_shared>>) target_semaphore(%run_scoped3A : memref<!tpu.dma_semaphore, #tpu.memory_space<semaphore_mem>>)
      %dma_wait3A = arith.constant 0 : i32
      %dma_wait3A_53 = tpu.memref_slice %arg9[%add3A_31, %dma_wait3A] : memref<10240x128xf32, #tpu.memory_space<vmem_shared>> -> memref<40x128xf32, #tpu.memory_space<vmem_shared>>
      %dma_wait3A_54 = arith.constant 0 : i32
      %dma_wait3A_55 = tpu.memref_slice %arg9[%add3A_31, %dma_wait3A_54] : memref<10240x128xf32, #tpu.memory_space<vmem_shared>> -> memref<40x128xf32, #tpu.memory_space<vmem_shared>>
      tpu.wait_dma2 semaphore(%run_scoped3A : memref<!tpu.dma_semaphore, #tpu.memory_space<semaphore_mem>>) src(%arg8 : memref<40x128xf32, #tpu.memory_space<vmem>>) dst(%dma_wait3A_55 : memref<40x128xf32, #tpu.memory_space<vmem_shared>>)
      tpu.yield
    }) : () -> ()
    %add3A_32 = arith.constant 440 : i32
    %add3A_33 = arith.addi %mul3A_2, %add3A_32 : i32
    "tpu.region"() ({
      %run_scoped3A = tpu.sem_alloc : memref<!tpu.dma_semaphore, #tpu.memory_space<semaphore_mem>>
      %dma_start3A = arith.constant 0 : i32
      %dma_start3A_50 = tpu.memref_slice %arg9[%add3A_33, %dma_start3A] : memref<10240x128xf32, #tpu.memory_space<vmem_shared>> -> memref<40x128xf32, #tpu.memory_space<vmem_shared>>
      %dma_start3A_51 = arith.constant 0 : i32
      %dma_start3A_52 = tpu.memref_slice %arg9[%add3A_33, %dma_start3A_51] : memref<10240x128xf32, #tpu.memory_space<vmem_shared>> -> memref<40x128xf32, #tpu.memory_space<vmem_shared>>
      tpu.enqueue_dma source(%arg8 : memref<40x128xf32, #tpu.memory_space<vmem>>) target(%dma_start3A_52 : memref<40x128xf32, #tpu.memory_space<vmem_shared>>) target_semaphore(%run_scoped3A : memref<!tpu.dma_semaphore, #tpu.memory_space<semaphore_mem>>)
      %dma_wait3A = arith.constant 0 : i32
      %dma_wait3A_53 = tpu.memref_slice %arg9[%add3A_33, %dma_wait3A] : memref<10240x128xf32, #tpu.memory_space<vmem_shared>> -> memref<40x128xf32, #tpu.memory_space<vmem_shared>>
      %dma_wait3A_54 = arith.constant 0 : i32
      %dma_wait3A_55 = tpu.memref_slice %arg9[%add3A_33, %dma_wait3A_54] : memref<10240x128xf32, #tpu.memory_space<vmem_shared>> -> memref<40x128xf32, #tpu.memory_space<vmem_shared>>
      tpu.wait_dma2 semaphore(%run_scoped3A : memref<!tpu.dma_semaphore, #tpu.memory_space<semaphore_mem>>) src(%arg8 : memref<40x128xf32, #tpu.memory_space<vmem>>) dst(%dma_wait3A_55 : memref<40x128xf32, #tpu.memory_space<vmem_shared>>)
      tpu.yield
    }) : () -> ()
    %add3A_34 = arith.constant 480 : i32
    %add3A_35 = arith.addi %mul3A_2, %add3A_34 : i32
    "tpu.region"() ({
      %run_scoped3A = tpu.sem_alloc : memref<!tpu.dma_semaphore, #tpu.memory_space<semaphore_mem>>
      %dma_start3A = arith.constant 0 : i32
      %dma_start3A_50 = tpu.memref_slice %arg9[%add3A_35, %dma_start3A] : memref<10240x128xf32, #tpu.memory_space<vmem_shared>> -> memref<40x128xf32, #tpu.memory_space<vmem_shared>>
      %dma_start3A_51 = arith.constant 0 : i32
      %dma_start3A_52 = tpu.memref_slice %arg9[%add3A_35, %dma_start3A_51] : memref<10240x128xf32, #tpu.memory_space<vmem_shared>> -> memref<40x128xf32, #tpu.memory_space<vmem_shared>>
      tpu.enqueue_dma source(%arg8 : memref<40x128xf32, #tpu.memory_space<vmem>>) target(%dma_start3A_52 : memref<40x128xf32, #tpu.memory_space<vmem_shared>>) target_semaphore(%run_scoped3A : memref<!tpu.dma_semaphore, #tpu.memory_space<semaphore_mem>>)
      %dma_wait3A = arith.constant 0 : i32
      %dma_wait3A_53 = tpu.memref_slice %arg9[%add3A_35, %dma_wait3A] : memref<10240x128xf32, #tpu.memory_space<vmem_shared>> -> memref<40x128xf32, #tpu.memory_space<vmem_shared>>
      %dma_wait3A_54 = arith.constant 0 : i32
      %dma_wait3A_55 = tpu.memref_slice %arg9[%add3A_35, %dma_wait3A_54] : memref<10240x128xf32, #tpu.memory_space<vmem_shared>> -> memref<40x128xf32, #tpu.memory_space<vmem_shared>>
      tpu.wait_dma2 semaphore(%run_scoped3A : memref<!tpu.dma_semaphore, #tpu.memory_space<semaphore_mem>>) src(%arg8 : memref<40x128xf32, #tpu.memory_space<vmem>>) dst(%dma_wait3A_55 : memref<40x128xf32, #tpu.memory_space<vmem_shared>>)
      tpu.yield
    }) : () -> ()
    %add3A_36 = arith.constant 520 : i32
    %add3A_37 = arith.addi %mul3A_2, %add3A_36 : i32
    "tpu.region"() ({
      %run_scoped3A = tpu.sem_alloc : memref<!tpu.dma_semaphore, #tpu.memory_space<semaphore_mem>>
      %dma_start3A = arith.constant 0 : i32
      %dma_start3A_50 = tpu.memref_slice %arg9[%add3A_37, %dma_start3A] : memref<10240x128xf32, #tpu.memory_space<vmem_shared>> -> memref<40x128xf32, #tpu.memory_space<vmem_shared>>
      %dma_start3A_51 = arith.constant 0 : i32
      %dma_start3A_52 = tpu.memref_slice %arg9[%add3A_37, %dma_start3A_51] : memref<10240x128xf32, #tpu.memory_space<vmem_shared>> -> memref<40x128xf32, #tpu.memory_space<vmem_shared>>
      tpu.enqueue_dma source(%arg8 : memref<40x128xf32, #tpu.memory_space<vmem>>) target(%dma_start3A_52 : memref<40x128xf32, #tpu.memory_space<vmem_shared>>) target_semaphore(%run_scoped3A : memref<!tpu.dma_semaphore, #tpu.memory_space<semaphore_mem>>)
      %dma_wait3A = arith.constant 0 : i32
      %dma_wait3A_53 = tpu.memref_slice %arg9[%add3A_37, %dma_wait3A] : memref<10240x128xf32, #tpu.memory_space<vmem_shared>> -> memref<40x128xf32, #tpu.memory_space<vmem_shared>>
      %dma_wait3A_54 = arith.constant 0 : i32
      %dma_wait3A_55 = tpu.memref_slice %arg9[%add3A_37, %dma_wait3A_54] : memref<10240x128xf32, #tpu.memory_space<vmem_shared>> -> memref<40x128xf32, #tpu.memory_space<vmem_shared>>
      tpu.wait_dma2 semaphore(%run_scoped3A : memref<!tpu.dma_semaphore, #tpu.memory_space<semaphore_mem>>) src(%arg8 : memref<40x128xf32, #tpu.memory_space<vmem>>) dst(%dma_wait3A_55 : memref<40x128xf32, #tpu.memory_space<vmem_shared>>)
      tpu.yield
    }) : () -> ()
    %add3A_38 = arith.constant 560 : i32
    %add3A_39 = arith.addi %mul3A_2, %add3A_38 : i32
    "tpu.region"() ({
      %run_scoped3A = tpu.sem_alloc : memref<!tpu.dma_semaphore, #tpu.memory_space<semaphore_mem>>
      %dma_start3A = arith.constant 0 : i32
      %dma_start3A_50 = tpu.memref_slice %arg9[%add3A_39, %dma_start3A] : memref<10240x128xf32, #tpu.memory_space<vmem_shared>> -> memref<40x128xf32, #tpu.memory_space<vmem_shared>>
      %dma_start3A_51 = arith.constant 0 : i32
      %dma_start3A_52 = tpu.memref_slice %arg9[%add3A_39, %dma_start3A_51] : memref<10240x128xf32, #tpu.memory_space<vmem_shared>> -> memref<40x128xf32, #tpu.memory_space<vmem_shared>>
      tpu.enqueue_dma source(%arg8 : memref<40x128xf32, #tpu.memory_space<vmem>>) target(%dma_start3A_52 : memref<40x128xf32, #tpu.memory_space<vmem_shared>>) target_semaphore(%run_scoped3A : memref<!tpu.dma_semaphore, #tpu.memory_space<semaphore_mem>>)
      %dma_wait3A = arith.constant 0 : i32
      %dma_wait3A_53 = tpu.memref_slice %arg9[%add3A_39, %dma_wait3A] : memref<10240x128xf32, #tpu.memory_space<vmem_shared>> -> memref<40x128xf32, #tpu.memory_space<vmem_shared>>
      %dma_wait3A_54 = arith.constant 0 : i32
      %dma_wait3A_55 = tpu.memref_slice %arg9[%add3A_39, %dma_wait3A_54] : memref<10240x128xf32, #tpu.memory_space<vmem_shared>> -> memref<40x128xf32, #tpu.memory_space<vmem_shared>>
      tpu.wait_dma2 semaphore(%run_scoped3A : memref<!tpu.dma_semaphore, #tpu.memory_space<semaphore_mem>>) src(%arg8 : memref<40x128xf32, #tpu.memory_space<vmem>>) dst(%dma_wait3A_55 : memref<40x128xf32, #tpu.memory_space<vmem_shared>>)
      tpu.yield
    }) : () -> ()
    %add3A_40 = arith.constant 600 : i32
    %add3A_41 = arith.addi %mul3A_2, %add3A_40 : i32
    "tpu.region"() ({
      %run_scoped3A = tpu.sem_alloc : memref<!tpu.dma_semaphore, #tpu.memory_space<semaphore_mem>>
      %dma_start3A = arith.constant 0 : i32
      %dma_start3A_50 = tpu.memref_slice %arg9[%add3A_41, %dma_start3A] : memref<10240x128xf32, #tpu.memory_space<vmem_shared>> -> memref<40x128xf32, #tpu.memory_space<vmem_shared>>
      %dma_start3A_51 = arith.constant 0 : i32
      %dma_start3A_52 = tpu.memref_slice %arg9[%add3A_41, %dma_start3A_51] : memref<10240x128xf32, #tpu.memory_space<vmem_shared>> -> memref<40x128xf32, #tpu.memory_space<vmem_shared>>
      tpu.enqueue_dma source(%arg8 : memref<40x128xf32, #tpu.memory_space<vmem>>) target(%dma_start3A_52 : memref<40x128xf32, #tpu.memory_space<vmem_shared>>) target_semaphore(%run_scoped3A : memref<!tpu.dma_semaphore, #tpu.memory_space<semaphore_mem>>)
      %dma_wait3A = arith.constant 0 : i32
      %dma_wait3A_53 = tpu.memref_slice %arg9[%add3A_41, %dma_wait3A] : memref<10240x128xf32, #tpu.memory_space<vmem_shared>> -> memref<40x128xf32, #tpu.memory_space<vmem_shared>>
      %dma_wait3A_54 = arith.constant 0 : i32
      %dma_wait3A_55 = tpu.memref_slice %arg9[%add3A_41, %dma_wait3A_54] : memref<10240x128xf32, #tpu.memory_space<vmem_shared>> -> memref<40x128xf32, #tpu.memory_space<vmem_shared>>
      tpu.wait_dma2 semaphore(%run_scoped3A : memref<!tpu.dma_semaphore, #tpu.memory_space<semaphore_mem>>) src(%arg8 : memref<40x128xf32, #tpu.memory_space<vmem>>) dst(%dma_wait3A_55 : memref<40x128xf32, #tpu.memory_space<vmem_shared>>)
      tpu.yield
    }) : () -> ()
    %barrier3A = arith.constant 0 : index
    tpu.barrier barrier_id(%barrier3A)
    %scan3A_42 = arith.constant 0 : i32
    %scan3A_43 = arith.constant 0 : i32
    %scan3A_44 = arith.constant 10 : i32
    %scan3A_45 = arith.addi %scan3A_43, %scan3A_44 : i32
    %scan3A_46 = arith.constant 1 : i32
    %scan3A_47 = scf.for %scan3A_50 = %scan3A_43 to %scan3A_45 step %scan3A_46 iter_args(%scan3A_51 = %scan3A_42) -> (i32)  : i32 {
      "tpu.region"() ({
        %run_scoped3A = tpu.sem_alloc : memref<!tpu.dma_semaphore, #tpu.memory_space<semaphore_mem>>
        %dma_start3A = arith.constant 0 : i32
        %dma_start3A_60 = arith.constant 0 : i32
        %dma_start3A_61 = tpu.memref_slice %arg2[%add3A, %scan3A_50, %dma_start3A, %dma_start3A_60] : memref<32x10x25x40xi32, #tpu.memory_space<hbm>> -> memref<1x1x25x40xi32, #tpu.memory_space<hbm>>
        %dma_start3A_62 = tpu.memref_squeeze %dma_start3A_61 : memref<1x1x25x40xi32, #tpu.memory_space<hbm>> -> memref<25x40xi32, #tpu.memory_space<hbm>>
        %dma_start3A_63 = arith.constant 0 : i32
        %dma_start3A_64 = arith.constant 0 : i32
        %dma_start3A_65 = tpu.memref_slice %arg2[%add3A, %scan3A_50, %dma_start3A_63, %dma_start3A_64] : memref<32x10x25x40xi32, #tpu.memory_space<hbm>> -> memref<1x1x25x40xi32, #tpu.memory_space<hbm>>
        %dma_start3A_66 = tpu.memref_squeeze %dma_start3A_65 : memref<1x1x25x40xi32, #tpu.memory_space<hbm>> -> memref<25x40xi32, #tpu.memory_space<hbm>>
        tpu.enqueue_dma source(%dma_start3A_66 : memref<25x40xi32, #tpu.memory_space<hbm>>) target(%arg6 : memref<25x40xi32, #tpu.memory_space<vmem>>) target_semaphore(%run_scoped3A : memref<!tpu.dma_semaphore, #tpu.memory_space<semaphore_mem>>)
        %dma_wait3A = arith.constant 0 : i32
        %dma_wait3A_67 = arith.constant 0 : i32
        %dma_wait3A_68 = tpu.memref_slice %arg2[%add3A, %scan3A_50, %dma_wait3A, %dma_wait3A_67] : memref<32x10x25x40xi32, #tpu.memory_space<hbm>> -> memref<1x1x25x40xi32, #tpu.memory_space<hbm>>
        %dma_wait3A_69 = tpu.memref_squeeze %dma_wait3A_68 : memref<1x1x25x40xi32, #tpu.memory_space<hbm>> -> memref<25x40xi32, #tpu.memory_space<hbm>>
        %dma_wait3A_70 = arith.constant 0 : i32
        %dma_wait3A_71 = arith.constant 0 : i32
        %dma_wait3A_72 = tpu.memref_slice %arg2[%add3A, %scan3A_50, %dma_wait3A_70, %dma_wait3A_71] : memref<32x10x25x40xi32, #tpu.memory_space<hbm>> -> memref<1x1x25x40xi32, #tpu.memory_space<hbm>>
        %dma_wait3A_73 = tpu.memref_squeeze %dma_wait3A_72 : memref<1x1x25x40xi32, #tpu.memory_space<hbm>> -> memref<25x40xi32, #tpu.memory_space<hbm>>
        tpu.wait_dma2 semaphore(%run_scoped3A : memref<!tpu.dma_semaphore, #tpu.memory_space<semaphore_mem>>) src(%dma_wait3A_73 : memref<25x40xi32, #tpu.memory_space<hbm>>) dst(%arg6 : memref<25x40xi32, #tpu.memory_space<vmem>>)
        tpu.yield
      }) : () -> ()
      "tpu.region"() ({
        %run_scoped3A = tpu.sem_alloc : memref<!tpu.dma_semaphore, #tpu.memory_space<semaphore_mem>>
        %dma_start3A = arith.constant 0 : i32
        %dma_start3A_60 = arith.constant 0 : i32
        %dma_start3A_61 = tpu.memref_slice %arg3[%add3A, %scan3A_50, %dma_start3A, %dma_start3A_60] : memref<32x10x25x40xi32, #tpu.memory_space<hbm>> -> memref<1x1x25x40xi32, #tpu.memory_space<hbm>>
        %dma_start3A_62 = tpu.memref_squeeze %dma_start3A_61 : memref<1x1x25x40xi32, #tpu.memory_space<hbm>> -> memref<25x40xi32, #tpu.memory_space<hbm>>
        %dma_start3A_63 = arith.constant 0 : i32
        %dma_start3A_64 = arith.constant 0 : i32
        %dma_start3A_65 = tpu.memref_slice %arg3[%add3A, %scan3A_50, %dma_start3A_63, %dma_start3A_64] : memref<32x10x25x40xi32, #tpu.memory_space<hbm>> -> memref<1x1x25x40xi32, #tpu.memory_space<hbm>>
        %dma_start3A_66 = tpu.memref_squeeze %dma_start3A_65 : memref<1x1x25x40xi32, #tpu.memory_space<hbm>> -> memref<25x40xi32, #tpu.memory_space<hbm>>
        tpu.enqueue_dma source(%dma_start3A_66 : memref<25x40xi32, #tpu.memory_space<hbm>>) target(%arg7 : memref<25x40xi32, #tpu.memory_space<vmem>>) target_semaphore(%run_scoped3A : memref<!tpu.dma_semaphore, #tpu.memory_space<semaphore_mem>>)
        %dma_wait3A = arith.constant 0 : i32
        %dma_wait3A_67 = arith.constant 0 : i32
        %dma_wait3A_68 = tpu.memref_slice %arg3[%add3A, %scan3A_50, %dma_wait3A, %dma_wait3A_67] : memref<32x10x25x40xi32, #tpu.memory_space<hbm>> -> memref<1x1x25x40xi32, #tpu.memory_space<hbm>>
        %dma_wait3A_69 = tpu.memref_squeeze %dma_wait3A_68 : memref<1x1x25x40xi32, #tpu.memory_space<hbm>> -> memref<25x40xi32, #tpu.memory_space<hbm>>
        %dma_wait3A_70 = arith.constant 0 : i32
        %dma_wait3A_71 = arith.constant 0 : i32
        %dma_wait3A_72 = tpu.memref_slice %arg3[%add3A, %scan3A_50, %dma_wait3A_70, %dma_wait3A_71] : memref<32x10x25x40xi32, #tpu.memory_space<hbm>> -> memref<1x1x25x40xi32, #tpu.memory_space<hbm>>
        %dma_wait3A_73 = tpu.memref_squeeze %dma_wait3A_72 : memref<1x1x25x40xi32, #tpu.memory_space<hbm>> -> memref<25x40xi32, #tpu.memory_space<hbm>>
        tpu.wait_dma2 semaphore(%run_scoped3A : memref<!tpu.dma_semaphore, #tpu.memory_space<semaphore_mem>>) src(%dma_wait3A_73 : memref<25x40xi32, #tpu.memory_space<hbm>>) dst(%arg7 : memref<25x40xi32, #tpu.memory_space<vmem>>)
        tpu.yield
      }) : () -> ()
      %scan3A_52 = arith.constant 0 : i32
      %scan3A_53 = arith.constant 0 : i32
      %scan3A_54 = arith.constant 25 : i32
      %scan3A_55 = arith.addi %scan3A_53, %scan3A_54 : i32
      %scan3A_56 = arith.constant 1 : i32
      %scan3A_57 = scf.for %scan3A_60 = %scan3A_53 to %scan3A_55 step %scan3A_56 iter_args(%scan3A_61 = %scan3A_52) -> (i32)  : i32 {
        %dma_start3A = arith.constant 0 : i32
        %dma_start3A_62 = tpu.memref_slice %arg6[%scan3A_60, %dma_start3A] : memref<25x40xi32, #tpu.memory_space<vmem>> -> memref<1x40xi32, #tpu.memory_space<vmem>>
        %dma_start3A_63 = tpu.memref_squeeze %dma_start3A_62 : memref<1x40xi32, #tpu.memory_space<vmem>> -> memref<40xi32, #tpu.memory_space<vmem>>
        %dma_start3A_64 = arith.constant 0 : i32
        %dma_start3A_65 = arith.constant 0 : i32
        %dma_start3A_66 = tpu.memref_slice %arg4[%dma_start3A_64, %dma_start3A_65] : memref<10000x128xf32, #tpu.memory_space<hbm>> -> memref<10000x128xf32, #tpu.memory_space<hbm>>
        tpu.enqueue_indirect_dma source(%dma_start3A_66 : memref<10000x128xf32, #tpu.memory_space<hbm>>) target(%arg8 : memref<40x128xf32, #tpu.memory_space<vmem>>) offsets(%dma_start3A_63 : memref<40xi32, #tpu.memory_space<vmem>>) semaphore(%arg10 : memref<!tpu.dma_semaphore, #tpu.memory_space<semaphore_mem>>)
        %dma_wait3A = arith.constant 0 : i32
        %dma_wait3A_67 = tpu.memref_slice %arg6[%scan3A_60, %dma_wait3A] : memref<25x40xi32, #tpu.memory_space<vmem>> -> memref<1x40xi32, #tpu.memory_space<vmem>>
        %dma_wait3A_68 = tpu.memref_squeeze %dma_wait3A_67 : memref<1x40xi32, #tpu.memory_space<vmem>> -> memref<40xi32, #tpu.memory_space<vmem>>
        %dma_wait3A_69 = arith.constant 0 : i32
        %dma_wait3A_70 = arith.constant 0 : i32
        %dma_wait3A_71 = tpu.memref_slice %arg4[%dma_wait3A_69, %dma_wait3A_70] : memref<10000x128xf32, #tpu.memory_space<hbm>> -> memref<10000x128xf32, #tpu.memory_space<hbm>>
        tpu.wait_indirect_dma semaphore(%arg10 : memref<!tpu.dma_semaphore, #tpu.memory_space<semaphore_mem>>) src(%dma_wait3A_71 : memref<10000x128xf32, #tpu.memory_space<hbm>>) dst(%arg8 : memref<40x128xf32, #tpu.memory_space<vmem>>)
        "tpu.region"() ({
          %run_scoped3A = tpu.sem_alloc : memref<!tpu.dma_semaphore, #tpu.memory_space<semaphore_mem>>
          %dma_start3A_73 = arith.constant 0 : i32
          %dma_start3A_74 = tpu.memref_slice %arg7[%scan3A_60, %dma_start3A_73] : memref<25x40xi32, #tpu.memory_space<vmem>> -> memref<1x40xi32, #tpu.memory_space<vmem>>
          %dma_start3A_75 = tpu.memref_squeeze %dma_start3A_74 : memref<1x40xi32, #tpu.memory_space<vmem>> -> memref<40xi32, #tpu.memory_space<vmem>>
          %dma_start3A_76 = arith.constant 0 : i32
          %dma_start3A_77 = arith.constant 0 : i32
          %dma_start3A_78 = tpu.memref_slice %arg9[%dma_start3A_76, %dma_start3A_77] : memref<10240x128xf32, #tpu.memory_space<vmem_shared>> -> memref<10240x128xf32, #tpu.memory_space<vmem_shared>>
          tpu.enqueue_indirect_dma source(%arg8 : memref<40x128xf32, #tpu.memory_space<vmem>>) target(%dma_start3A_78 : memref<10240x128xf32, #tpu.memory_space<vmem_shared>>) offsets(%dma_start3A_75 : memref<40xi32, #tpu.memory_space<vmem>>) semaphore(%run_scoped3A : memref<!tpu.dma_semaphore, #tpu.memory_space<semaphore_mem>>) {add = true}
          %dma_wait3A_79 = arith.constant 0 : i32
          %dma_wait3A_80 = tpu.memref_slice %arg7[%scan3A_60, %dma_wait3A_79] : memref<25x40xi32, #tpu.memory_space<vmem>> -> memref<1x40xi32, #tpu.memory_space<vmem>>
          %dma_wait3A_81 = tpu.memref_squeeze %dma_wait3A_80 : memref<1x40xi32, #tpu.memory_space<vmem>> -> memref<40xi32, #tpu.memory_space<vmem>>
          %dma_wait3A_82 = arith.constant 0 : i32
          %dma_wait3A_83 = arith.constant 0 : i32
          %dma_wait3A_84 = tpu.memref_slice %arg9[%dma_wait3A_82, %dma_wait3A_83] : memref<10240x128xf32, #tpu.memory_space<vmem_shared>> -> memref<10240x128xf32, #tpu.memory_space<vmem_shared>>
          tpu.wait_indirect_dma semaphore(%run_scoped3A : memref<!tpu.dma_semaphore, #tpu.memory_space<semaphore_mem>>) src(%arg8 : memref<40x128xf32, #tpu.memory_space<vmem>>) dst(%dma_wait3A_84 : memref<10240x128xf32, #tpu.memory_space<vmem_shared>>)
          tpu.yield
        }) : () -> ()
        %scan3A_72 = arith.constant 0 : i32
        scf.yield %scan3A_72 : i32
      }
      %scan3A_58 = arith.constant 25 : i32
      %scan3A_59 = arith.constant 0 : i32
      scf.yield %scan3A_59 : i32
    }
    %scan3A_48 = arith.constant 10 : i32
    %barrier3A_49 = arith.constant 0 : index
    tpu.barrier barrier_id(%barrier3A_49)
    "tpu.region"() ({
      %run_scoped3A = tpu.sem_alloc : memref<!tpu.dma_semaphore, #tpu.memory_space<semaphore_mem>>
      %dma_start3A = arith.constant 0 : i32
      %dma_start3A_50 = arith.constant 0 : i32
      %dma_start3A_51 = tpu.memref_slice %arg5[%arg0, %arg1, %dma_start3A, %dma_start3A_50] : memref<2x16x640x128xf32, #tpu.memory_space<hbm>> -> memref<1x1x640x128xf32, #tpu.memory_space<hbm>>
      %dma_start3A_52 = tpu.memref_squeeze %dma_start3A_51 : memref<1x1x640x128xf32, #tpu.memory_space<hbm>> -> memref<640x128xf32, #tpu.memory_space<hbm>>
      %dma_start3A_53 = arith.constant 0 : i32
      %dma_start3A_54 = tpu.memref_slice %arg9[%mul3A_2, %dma_start3A_53] : memref<10240x128xf32, #tpu.memory_space<vmem_shared>> -> memref<640x128xf32, #tpu.memory_space<vmem_shared>>
      tpu.enqueue_dma source(%dma_start3A_54 : memref<640x128xf32, #tpu.memory_space<vmem_shared>>) target(%dma_start3A_52 : memref<640x128xf32, #tpu.memory_space<hbm>>) target_semaphore(%run_scoped3A : memref<!tpu.dma_semaphore, #tpu.memory_space<semaphore_mem>>)
      %dma_wait3A = arith.constant 0 : i32
      %dma_wait3A_55 = arith.constant 0 : i32
      %dma_wait3A_56 = tpu.memref_slice %arg5[%arg0, %arg1, %dma_wait3A, %dma_wait3A_55] : memref<2x16x640x128xf32, #tpu.memory_space<hbm>> -> memref<1x1x640x128xf32, #tpu.memory_space<hbm>>
      %dma_wait3A_57 = tpu.memref_squeeze %dma_wait3A_56 : memref<1x1x640x128xf32, #tpu.memory_space<hbm>> -> memref<640x128xf32, #tpu.memory_space<hbm>>
      %dma_wait3A_58 = arith.constant 0 : i32
      %dma_wait3A_59 = tpu.memref_slice %arg9[%mul3A_2, %dma_wait3A_58] : memref<10240x128xf32, #tpu.memory_space<vmem_shared>> -> memref<640x128xf32, #tpu.memory_space<vmem_shared>>
      tpu.wait_dma2 semaphore(%run_scoped3A : memref<!tpu.dma_semaphore, #tpu.memory_space<semaphore_mem>>) src(%dma_wait3A_59 : memref<640x128xf32, #tpu.memory_space<vmem_shared>>) dst(%dma_wait3A_57 : memref<640x128xf32, #tpu.memory_space<hbm>>)
      tpu.yield
    }) : () -> ()
    return
  }
}

#map = affine_map<(d0, d1) -> (0, 0, 0, 0)>
#map1 = affine_map<(d0, d1) -> (0, 0)>
module attributes {stable_mosaic.version = 14 : i64} {
  func.func @body(%arg0: i32, %arg1: i32, %arg2: memref<32x10x25x40xi32, #tpu.memory_space<hbm>>, %arg3: memref<32x10x25x40xi32, #tpu.memory_space<hbm>>, %arg4: memref<10000x128xf32, #tpu.memory_space<hbm>>, %arg5: memref<2x16x640x128xf32, #tpu.memory_space<hbm>>, %arg6: memref<25x40xi32, #tpu.memory_space<vmem>>, %arg7: memref<25x40xi32, #tpu.memory_space<vmem>>, %arg8: memref<40x128xf32, #tpu.memory_space<vmem>>, %arg9: memref<10240x128xf32, #tpu.memory_space<vmem_shared>>, %arg10: memref<!tpu.dma_semaphore, #tpu.memory_space<semaphore_mem>>, %arg11: memref<40x16xf32, #tpu.memory_space<vmem>>, %arg12: memref<40x16xf32, #tpu.memory_space<vmem>>, %arg13: memref<40x16xf32, #tpu.memory_space<vmem>>, %arg14: memref<40x16xf32, #tpu.memory_space<vmem>>, %arg15: memref<40x16xf32, #tpu.memory_space<vmem>>, %arg16: memref<40x16xf32, #tpu.memory_space<vmem>>, %arg17: memref<10000x16xf32, #tpu.memory_space<vmem_shared>>) attributes {dimension_semantics = [#tpu.dimension_semantics<core_parallel>, #tpu.dimension_semantics<subcore_parallel>], iteration_bounds = array<i64: 2, 16>, scalar_prefetch = 0 : i64, scratch_operands = 12 : i64, tpu.core_type = #tpu.core_type<sc_vector_subcore>, window_params = [{transform_indices = #map}, {transform_indices = #map}, {transform_indices = #map1}, {transform_indices = #map}]} {
    %mul3A = arith.constant 2 : i32
    %mul3A_0 = arith.muli %arg1, %mul3A : i32
    %add3A = arith.addi %mul3A_0, %arg0 : i32
    %mul3A_1 = arith.constant 640 : i32
    %mul3A_2 = arith.muli %arg1, %mul3A_1 : i32
    %broadcast_in_dim3A = arith.constant 0.000000e+00 : f32
    %broadcast_in_dim3A_3 = vector.broadcast %broadcast_in_dim3A : f32 to vector<16xf32>
    %scan3A = arith.constant 0 : i32
    %scan3A_4 = arith.constant 0 : i32
    %scan3A_5 = arith.constant 40 : i32
    %scan3A_6 = arith.addi %scan3A_4, %scan3A_5 : i32
    %scan3A_7 = arith.constant 1 : i32
    %scan3A_8 = scf.for %scan3A_50 = %scan3A_4 to %scan3A_6 step %scan3A_7 iter_args(%scan3A_51 = %scan3A) -> (i32)  : i32 {
      %swap3A = arith.index_cast %scan3A_50 : i32 to index
      %swap3A_52 = arith.constant 0 : index
      %swap3A_53 = tpu.vector_load %arg8[%swap3A, %swap3A_52] {strides = array<i32>} : memref<40x128xf32, #tpu.memory_space<vmem>>, vector<1x16xf32>,
      %swap3A_54 = vector.shape_cast %swap3A_53 : vector<1x16xf32> to vector<16xf32>
      %swap3A_55 = vector.shape_cast %broadcast_in_dim3A_3 : vector<16xf32> to vector<1x16xf32>
      tpu.vector_store %arg8[%swap3A, %swap3A_52], %swap3A_55 {strides = array<i32>} : memref<40x128xf32, #tpu.memory_space<vmem>>, vector<1x16xf32>,
      %swap3A_56 = arith.index_cast %scan3A_50 : i32 to index
      %swap3A_57 = arith.constant 16 : index
      %swap3A_58 = tpu.vector_load %arg8[%swap3A_56, %swap3A_57] {strides = array<i32>} : memref<40x128xf32, #tpu.memory_space<vmem>>, vector<1x16xf32>,
      %swap3A_59 = vector.shape_cast %swap3A_58 : vector<1x16xf32> to vector<16xf32>
      %swap3A_60 = vector.shape_cast %broadcast_in_dim3A_3 : vector<16xf32> to vector<1x16xf32>
      tpu.vector_store %arg8[%swap3A_56, %swap3A_57], %swap3A_60 {strides = array<i32>} : memref<40x128xf32, #tpu.memory_space<vmem>>, vector<1x16xf32>,
      %swap3A_61 = arith.index_cast %scan3A_50 : i32 to index
      %swap3A_62 = arith.constant 32 : index
      %swap3A_63 = tpu.vector_load %arg8[%swap3A_61, %swap3A_62] {strides = array<i32>} : memref<40x128xf32, #tpu.memory_space<vmem>>, vector<1x16xf32>,
      %swap3A_64 = vector.shape_cast %swap3A_63 : vector<1x16xf32> to vector<16xf32>
      %swap3A_65 = vector.shape_cast %broadcast_in_dim3A_3 : vector<16xf32> to vector<1x16xf32>
      tpu.vector_store %arg8[%swap3A_61, %swap3A_62], %swap3A_65 {strides = array<i32>} : memref<40x128xf32, #tpu.memory_space<vmem>>, vector<1x16xf32>,
      %swap3A_66 = arith.index_cast %scan3A_50 : i32 to index
      %swap3A_67 = arith.constant 48 : index
      %swap3A_68 = tpu.vector_load %arg8[%swap3A_66, %swap3A_67] {strides = array<i32>} : memref<40x128xf32, #tpu.memory_space<vmem>>, vector<1x16xf32>,
      %swap3A_69 = vector.shape_cast %swap3A_68 : vector<1x16xf32> to vector<16xf32>
      %swap3A_70 = vector.shape_cast %broadcast_in_dim3A_3 : vector<16xf32> to vector<1x16xf32>
      tpu.vector_store %arg8[%swap3A_66, %swap3A_67], %swap3A_70 {strides = array<i32>} : memref<40x128xf32, #tpu.memory_space<vmem>>, vector<1x16xf32>,
      %swap3A_71 = arith.index_cast %scan3A_50 : i32 to index
      %swap3A_72 = arith.constant 64 : index
      %swap3A_73 = tpu.vector_load %arg8[%swap3A_71, %swap3A_72] {strides = array<i32>} : memref<40x128xf32, #tpu.memory_space<vmem>>, vector<1x16xf32>,
      %swap3A_74 = vector.shape_cast %swap3A_73 : vector<1x16xf32> to vector<16xf32>
      %swap3A_75 = vector.shape_cast %broadcast_in_dim3A_3 : vector<16xf32> to vector<1x16xf32>
      tpu.vector_store %arg8[%swap3A_71, %swap3A_72], %swap3A_75 {strides = array<i32>} : memref<40x128xf32, #tpu.memory_space<vmem>>, vector<1x16xf32>,
      %swap3A_76 = arith.index_cast %scan3A_50 : i32 to index
      %swap3A_77 = arith.constant 80 : index
      %swap3A_78 = tpu.vector_load %arg8[%swap3A_76, %swap3A_77] {strides = array<i32>} : memref<40x128xf32, #tpu.memory_space<vmem>>, vector<1x16xf32>,
      %swap3A_79 = vector.shape_cast %swap3A_78 : vector<1x16xf32> to vector<16xf32>
      %swap3A_80 = vector.shape_cast %broadcast_in_dim3A_3 : vector<16xf32> to vector<1x16xf32>
      tpu.vector_store %arg8[%swap3A_76, %swap3A_77], %swap3A_80 {strides = array<i32>} : memref<40x128xf32, #tpu.memory_space<vmem>>, vector<1x16xf32>,
      %swap3A_81 = arith.index_cast %scan3A_50 : i32 to index
      %swap3A_82 = arith.constant 96 : index
      %swap3A_83 = tpu.vector_load %arg8[%swap3A_81, %swap3A_82] {strides = array<i32>} : memref<40x128xf32, #tpu.memory_space<vmem>>, vector<1x16xf32>,
      %swap3A_84 = vector.shape_cast %swap3A_83 : vector<1x16xf32> to vector<16xf32>
      %swap3A_85 = vector.shape_cast %broadcast_in_dim3A_3 : vector<16xf32> to vector<1x16xf32>
      tpu.vector_store %arg8[%swap3A_81, %swap3A_82], %swap3A_85 {strides = array<i32>} : memref<40x128xf32, #tpu.memory_space<vmem>>, vector<1x16xf32>,
      %swap3A_86 = arith.index_cast %scan3A_50 : i32 to index
      %swap3A_87 = arith.constant 112 : index
      %swap3A_88 = tpu.vector_load %arg8[%swap3A_86, %swap3A_87] {strides = array<i32>} : memref<40x128xf32, #tpu.memory_space<vmem>>, vector<1x16xf32>,
      %swap3A_89 = vector.shape_cast %swap3A_88 : vector<1x16xf32> to vector<16xf32>
      %swap3A_90 = vector.shape_cast %broadcast_in_dim3A_3 : vector<16xf32> to vector<1x16xf32>
      tpu.vector_store %arg8[%swap3A_86, %swap3A_87], %swap3A_90 {strides = array<i32>} : memref<40x128xf32, #tpu.memory_space<vmem>>, vector<1x16xf32>,
      %scan3A_91 = arith.constant 0 : i32
      scf.yield %scan3A_91 : i32
    }
    %scan3A_9 = arith.constant 40 : i32
    %add3A_10 = arith.constant 0 : i32
    %add3A_11 = arith.addi %mul3A_2, %add3A_10 : i32
    "tpu.region"() ({
      %run_scoped3A = tpu.sem_alloc : memref<!tpu.dma_semaphore, #tpu.memory_space<semaphore_mem>>
      %dma_start3A = arith.constant 0 : i32
      %dma_start3A_50 = tpu.memref_slice %arg9[%add3A_11, %dma_start3A] : memref<10240x128xf32, #tpu.memory_space<vmem_shared>> -> memref<40x128xf32, #tpu.memory_space<vmem_shared>>
      %dma_start3A_51 = arith.constant 0 : i32
      %dma_start3A_52 = tpu.memref_slice %arg9[%add3A_11, %dma_start3A_51] : memref<10240x128xf32, #tpu.memory_space<vmem_shared>> -> memref<40x128xf32, #tpu.memory_space<vmem_shared>>
      tpu.enqueue_dma source(%arg8 : memref<40x128xf32, #tpu.memory_space<vmem>>) target(%dma_start3A_52 : memref<40x128xf32, #tpu.memory_space<vmem_shared>>) target_semaphore(%run_scoped3A : memref<!tpu.dma_semaphore, #tpu.memory_space<semaphore_mem>>)
      %dma_wait3A = arith.constant 0 : i32
      %dma_wait3A_53 = tpu.memref_slice %arg9[%add3A_11, %dma_wait3A] : memref<10240x128xf32, #tpu.memory_space<vmem_shared>> -> memref<40x128xf32, #tpu.memory_space<vmem_shared>>
      %dma_wait3A_54 = arith.constant 0 : i32
      %dma_wait3A_55 = tpu.memref_slice %arg9[%add3A_11, %dma_wait3A_54] : memref<10240x128xf32, #tpu.memory_space<vmem_shared>> -> memref<40x128xf32, #tpu.memory_space<vmem_shared>>
      tpu.wait_dma2 semaphore(%run_scoped3A : memref<!tpu.dma_semaphore, #tpu.memory_space<semaphore_mem>>) src(%arg8 : memref<40x128xf32, #tpu.memory_space<vmem>>) dst(%dma_wait3A_55 : memref<40x128xf32, #tpu.memory_space<vmem_shared>>)
      tpu.yield
    }) : () -> ()
    %add3A_12 = arith.constant 40 : i32
    %add3A_13 = arith.addi %mul3A_2, %add3A_12 : i32
    "tpu.region"() ({
      %run_scoped3A = tpu.sem_alloc : memref<!tpu.dma_semaphore, #tpu.memory_space<semaphore_mem>>
      %dma_start3A = arith.constant 0 : i32
      %dma_start3A_50 = tpu.memref_slice %arg9[%add3A_13, %dma_start3A] : memref<10240x128xf32, #tpu.memory_space<vmem_shared>> -> memref<40x128xf32, #tpu.memory_space<vmem_shared>>
      %dma_start3A_51 = arith.constant 0 : i32
      %dma_start3A_52 = tpu.memref_slice %arg9[%add3A_13, %dma_start3A_51] : memref<10240x128xf32, #tpu.memory_space<vmem_shared>> -> memref<40x128xf32, #tpu.memory_space<vmem_shared>>
      tpu.enqueue_dma source(%arg8 : memref<40x128xf32, #tpu.memory_space<vmem>>) target(%dma_start3A_52 : memref<40x128xf32, #tpu.memory_space<vmem_shared>>) target_semaphore(%run_scoped3A : memref<!tpu.dma_semaphore, #tpu.memory_space<semaphore_mem>>)
      %dma_wait3A = arith.constant 0 : i32
      %dma_wait3A_53 = tpu.memref_slice %arg9[%add3A_13, %dma_wait3A] : memref<10240x128xf32, #tpu.memory_space<vmem_shared>> -> memref<40x128xf32, #tpu.memory_space<vmem_shared>>
      %dma_wait3A_54 = arith.constant 0 : i32
      %dma_wait3A_55 = tpu.memref_slice %arg9[%add3A_13, %dma_wait3A_54] : memref<10240x128xf32, #tpu.memory_space<vmem_shared>> -> memref<40x128xf32, #tpu.memory_space<vmem_shared>>
      tpu.wait_dma2 semaphore(%run_scoped3A : memref<!tpu.dma_semaphore, #tpu.memory_space<semaphore_mem>>) src(%arg8 : memref<40x128xf32, #tpu.memory_space<vmem>>) dst(%dma_wait3A_55 : memref<40x128xf32, #tpu.memory_space<vmem_shared>>)
      tpu.yield
    }) : () -> ()
    %add3A_14 = arith.constant 80 : i32
    %add3A_15 = arith.addi %mul3A_2, %add3A_14 : i32
    "tpu.region"() ({
      %run_scoped3A = tpu.sem_alloc : memref<!tpu.dma_semaphore, #tpu.memory_space<semaphore_mem>>
      %dma_start3A = arith.constant 0 : i32
      %dma_start3A_50 = tpu.memref_slice %arg9[%add3A_15, %dma_start3A] : memref<10240x128xf32, #tpu.memory_space<vmem_shared>> -> memref<40x128xf32, #tpu.memory_space<vmem_shared>>
      %dma_start3A_51 = arith.constant 0 : i32
      %dma_start3A_52 = tpu.memref_slice %arg9[%add3A_15, %dma_start3A_51] : memref<10240x128xf32, #tpu.memory_space<vmem_shared>> -> memref<40x128xf32, #tpu.memory_space<vmem_shared>>
      tpu.enqueue_dma source(%arg8 : memref<40x128xf32, #tpu.memory_space<vmem>>) target(%dma_start3A_52 : memref<40x128xf32, #tpu.memory_space<vmem_shared>>) target_semaphore(%run_scoped3A : memref<!tpu.dma_semaphore, #tpu.memory_space<semaphore_mem>>)
      %dma_wait3A = arith.constant 0 : i32
      %dma_wait3A_53 = tpu.memref_slice %arg9[%add3A_15, %dma_wait3A] : memref<10240x128xf32, #tpu.memory_space<vmem_shared>> -> memref<40x128xf32, #tpu.memory_space<vmem_shared>>
      %dma_wait3A_54 = arith.constant 0 : i32
      %dma_wait3A_55 = tpu.memref_slice %arg9[%add3A_15, %dma_wait3A_54] : memref<10240x128xf32, #tpu.memory_space<vmem_shared>> -> memref<40x128xf32, #tpu.memory_space<vmem_shared>>
      tpu.wait_dma2 semaphore(%run_scoped3A : memref<!tpu.dma_semaphore, #tpu.memory_space<semaphore_mem>>) src(%arg8 : memref<40x128xf32, #tpu.memory_space<vmem>>) dst(%dma_wait3A_55 : memref<40x128xf32, #tpu.memory_space<vmem_shared>>)
      tpu.yield
    }) : () -> ()
    %add3A_16 = arith.constant 120 : i32
    %add3A_17 = arith.addi %mul3A_2, %add3A_16 : i32
    "tpu.region"() ({
      %run_scoped3A = tpu.sem_alloc : memref<!tpu.dma_semaphore, #tpu.memory_space<semaphore_mem>>
      %dma_start3A = arith.constant 0 : i32
      %dma_start3A_50 = tpu.memref_slice %arg9[%add3A_17, %dma_start3A] : memref<10240x128xf32, #tpu.memory_space<vmem_shared>> -> memref<40x128xf32, #tpu.memory_space<vmem_shared>>
      %dma_start3A_51 = arith.constant 0 : i32
      %dma_start3A_52 = tpu.memref_slice %arg9[%add3A_17, %dma_start3A_51] : memref<10240x128xf32, #tpu.memory_space<vmem_shared>> -> memref<40x128xf32, #tpu.memory_space<vmem_shared>>
      tpu.enqueue_dma source(%arg8 : memref<40x128xf32, #tpu.memory_space<vmem>>) target(%dma_start3A_52 : memref<40x128xf32, #tpu.memory_space<vmem_shared>>) target_semaphore(%run_scoped3A : memref<!tpu.dma_semaphore, #tpu.memory_space<semaphore_mem>>)
      %dma_wait3A = arith.constant 0 : i32
      %dma_wait3A_53 = tpu.memref_slice %arg9[%add3A_17, %dma_wait3A] : memref<10240x128xf32, #tpu.memory_space<vmem_shared>> -> memref<40x128xf32, #tpu.memory_space<vmem_shared>>
      %dma_wait3A_54 = arith.constant 0 : i32
      %dma_wait3A_55 = tpu.memref_slice %arg9[%add3A_17, %dma_wait3A_54] : memref<10240x128xf32, #tpu.memory_space<vmem_shared>> -> memref<40x128xf32, #tpu.memory_space<vmem_shared>>
      tpu.wait_dma2 semaphore(%run_scoped3A : memref<!tpu.dma_semaphore, #tpu.memory_space<semaphore_mem>>) src(%arg8 : memref<40x128xf32, #tpu.memory_space<vmem>>) dst(%dma_wait3A_55 : memref<40x128xf32, #tpu.memory_space<vmem_shared>>)
      tpu.yield
    }) : () -> ()
    %add3A_18 = arith.constant 160 : i32
    %add3A_19 = arith.addi %mul3A_2, %add3A_18 : i32
    "tpu.region"() ({
      %run_scoped3A = tpu.sem_alloc : memref<!tpu.dma_semaphore, #tpu.memory_space<semaphore_mem>>
      %dma_start3A = arith.constant 0 : i32
      %dma_start3A_50 = tpu.memref_slice %arg9[%add3A_19, %dma_start3A] : memref<10240x128xf32, #tpu.memory_space<vmem_shared>> -> memref<40x128xf32, #tpu.memory_space<vmem_shared>>
      %dma_start3A_51 = arith.constant 0 : i32
      %dma_start3A_52 = tpu.memref_slice %arg9[%add3A_19, %dma_start3A_51] : memref<10240x128xf32, #tpu.memory_space<vmem_shared>> -> memref<40x128xf32, #tpu.memory_space<vmem_shared>>
      tpu.enqueue_dma source(%arg8 : memref<40x128xf32, #tpu.memory_space<vmem>>) target(%dma_start3A_52 : memref<40x128xf32, #tpu.memory_space<vmem_shared>>) target_semaphore(%run_scoped3A : memref<!tpu.dma_semaphore, #tpu.memory_space<semaphore_mem>>)
      %dma_wait3A = arith.constant 0 : i32
      %dma_wait3A_53 = tpu.memref_slice %arg9[%add3A_19, %dma_wait3A] : memref<10240x128xf32, #tpu.memory_space<vmem_shared>> -> memref<40x128xf32, #tpu.memory_space<vmem_shared>>
      %dma_wait3A_54 = arith.constant 0 : i32
      %dma_wait3A_55 = tpu.memref_slice %arg9[%add3A_19, %dma_wait3A_54] : memref<10240x128xf32, #tpu.memory_space<vmem_shared>> -> memref<40x128xf32, #tpu.memory_space<vmem_shared>>
      tpu.wait_dma2 semaphore(%run_scoped3A : memref<!tpu.dma_semaphore, #tpu.memory_space<semaphore_mem>>) src(%arg8 : memref<40x128xf32, #tpu.memory_space<vmem>>) dst(%dma_wait3A_55 : memref<40x128xf32, #tpu.memory_space<vmem_shared>>)
      tpu.yield
    }) : () -> ()
    %add3A_20 = arith.constant 200 : i32
    %add3A_21 = arith.addi %mul3A_2, %add3A_20 : i32
    "tpu.region"() ({
      %run_scoped3A = tpu.sem_alloc : memref<!tpu.dma_semaphore, #tpu.memory_space<semaphore_mem>>
      %dma_start3A = arith.constant 0 : i32
      %dma_start3A_50 = tpu.memref_slice %arg9[%add3A_21, %dma_start3A] : memref<10240x128xf32, #tpu.memory_space<vmem_shared>> -> memref<40x128xf32, #tpu.memory_space<vmem_shared>>
      %dma_start3A_51 = arith.constant 0 : i32
      %dma_start3A_52 = tpu.memref_slice %arg9[%add3A_21, %dma_start3A_51] : memref<10240x128xf32, #tpu.memory_space<vmem_shared>> -> memref<40x128xf32, #tpu.memory_space<vmem_shared>>
      tpu.enqueue_dma source(%arg8 : memref<40x128xf32, #tpu.memory_space<vmem>>) target(%dma_start3A_52 : memref<40x128xf32, #tpu.memory_space<vmem_shared>>) target_semaphore(%run_scoped3A : memref<!tpu.dma_semaphore, #tpu.memory_space<semaphore_mem>>)
      %dma_wait3A = arith.constant 0 : i32
      %dma_wait3A_53 = tpu.memref_slice %arg9[%add3A_21, %dma_wait3A] : memref<10240x128xf32, #tpu.memory_space<vmem_shared>> -> memref<40x128xf32, #tpu.memory_space<vmem_shared>>
      %dma_wait3A_54 = arith.constant 0 : i32
      %dma_wait3A_55 = tpu.memref_slice %arg9[%add3A_21, %dma_wait3A_54] : memref<10240x128xf32, #tpu.memory_space<vmem_shared>> -> memref<40x128xf32, #tpu.memory_space<vmem_shared>>
      tpu.wait_dma2 semaphore(%run_scoped3A : memref<!tpu.dma_semaphore, #tpu.memory_space<semaphore_mem>>) src(%arg8 : memref<40x128xf32, #tpu.memory_space<vmem>>) dst(%dma_wait3A_55 : memref<40x128xf32, #tpu.memory_space<vmem_shared>>)
      tpu.yield
    }) : () -> ()
    %add3A_22 = arith.constant 240 : i32
    %add3A_23 = arith.addi %mul3A_2, %add3A_22 : i32
    "tpu.region"() ({
      %run_scoped3A = tpu.sem_alloc : memref<!tpu.dma_semaphore, #tpu.memory_space<semaphore_mem>>
      %dma_start3A = arith.constant 0 : i32
      %dma_start3A_50 = tpu.memref_slice %arg9[%add3A_23, %dma_start3A] : memref<10240x128xf32, #tpu.memory_space<vmem_shared>> -> memref<40x128xf32, #tpu.memory_space<vmem_shared>>
      %dma_start3A_51 = arith.constant 0 : i32
      %dma_start3A_52 = tpu.memref_slice %arg9[%add3A_23, %dma_start3A_51] : memref<10240x128xf32, #tpu.memory_space<vmem_shared>> -> memref<40x128xf32, #tpu.memory_space<vmem_shared>>
      tpu.enqueue_dma source(%arg8 : memref<40x128xf32, #tpu.memory_space<vmem>>) target(%dma_start3A_52 : memref<40x128xf32, #tpu.memory_space<vmem_shared>>) target_semaphore(%run_scoped3A : memref<!tpu.dma_semaphore, #tpu.memory_space<semaphore_mem>>)
      %dma_wait3A = arith.constant 0 : i32
      %dma_wait3A_53 = tpu.memref_slice %arg9[%add3A_23, %dma_wait3A] : memref<10240x128xf32, #tpu.memory_space<vmem_shared>> -> memref<40x128xf32, #tpu.memory_space<vmem_shared>>
      %dma_wait3A_54 = arith.constant 0 : i32
      %dma_wait3A_55 = tpu.memref_slice %arg9[%add3A_23, %dma_wait3A_54] : memref<10240x128xf32, #tpu.memory_space<vmem_shared>> -> memref<40x128xf32, #tpu.memory_space<vmem_shared>>
      tpu.wait_dma2 semaphore(%run_scoped3A : memref<!tpu.dma_semaphore, #tpu.memory_space<semaphore_mem>>) src(%arg8 : memref<40x128xf32, #tpu.memory_space<vmem>>) dst(%dma_wait3A_55 : memref<40x128xf32, #tpu.memory_space<vmem_shared>>)
      tpu.yield
    }) : () -> ()
    %add3A_24 = arith.constant 280 : i32
    %add3A_25 = arith.addi %mul3A_2, %add3A_24 : i32
    "tpu.region"() ({
      %run_scoped3A = tpu.sem_alloc : memref<!tpu.dma_semaphore, #tpu.memory_space<semaphore_mem>>
      %dma_start3A = arith.constant 0 : i32
      %dma_start3A_50 = tpu.memref_slice %arg9[%add3A_25, %dma_start3A] : memref<10240x128xf32, #tpu.memory_space<vmem_shared>> -> memref<40x128xf32, #tpu.memory_space<vmem_shared>>
      %dma_start3A_51 = arith.constant 0 : i32
      %dma_start3A_52 = tpu.memref_slice %arg9[%add3A_25, %dma_start3A_51] : memref<10240x128xf32, #tpu.memory_space<vmem_shared>> -> memref<40x128xf32, #tpu.memory_space<vmem_shared>>
      tpu.enqueue_dma source(%arg8 : memref<40x128xf32, #tpu.memory_space<vmem>>) target(%dma_start3A_52 : memref<40x128xf32, #tpu.memory_space<vmem_shared>>) target_semaphore(%run_scoped3A : memref<!tpu.dma_semaphore, #tpu.memory_space<semaphore_mem>>)
      %dma_wait3A = arith.constant 0 : i32
      %dma_wait3A_53 = tpu.memref_slice %arg9[%add3A_25, %dma_wait3A] : memref<10240x128xf32, #tpu.memory_space<vmem_shared>> -> memref<40x128xf32, #tpu.memory_space<vmem_shared>>
      %dma_wait3A_54 = arith.constant 0 : i32
      %dma_wait3A_55 = tpu.memref_slice %arg9[%add3A_25, %dma_wait3A_54] : memref<10240x128xf32, #tpu.memory_space<vmem_shared>> -> memref<40x128xf32, #tpu.memory_space<vmem_shared>>
      tpu.wait_dma2 semaphore(%run_scoped3A : memref<!tpu.dma_semaphore, #tpu.memory_space<semaphore_mem>>) src(%arg8 : memref<40x128xf32, #tpu.memory_space<vmem>>) dst(%dma_wait3A_55 : memref<40x128xf32, #tpu.memory_space<vmem_shared>>)
      tpu.yield
    }) : () -> ()
    %add3A_26 = arith.constant 320 : i32
    %add3A_27 = arith.addi %mul3A_2, %add3A_26 : i32
    "tpu.region"() ({
      %run_scoped3A = tpu.sem_alloc : memref<!tpu.dma_semaphore, #tpu.memory_space<semaphore_mem>>
      %dma_start3A = arith.constant 0 : i32
      %dma_start3A_50 = tpu.memref_slice %arg9[%add3A_27, %dma_start3A] : memref<10240x128xf32, #tpu.memory_space<vmem_shared>> -> memref<40x128xf32, #tpu.memory_space<vmem_shared>>
      %dma_start3A_51 = arith.constant 0 : i32
      %dma_start3A_52 = tpu.memref_slice %arg9[%add3A_27, %dma_start3A_51] : memref<10240x128xf32, #tpu.memory_space<vmem_shared>> -> memref<40x128xf32, #tpu.memory_space<vmem_shared>>
      tpu.enqueue_dma source(%arg8 : memref<40x128xf32, #tpu.memory_space<vmem>>) target(%dma_start3A_52 : memref<40x128xf32, #tpu.memory_space<vmem_shared>>) target_semaphore(%run_scoped3A : memref<!tpu.dma_semaphore, #tpu.memory_space<semaphore_mem>>)
      %dma_wait3A = arith.constant 0 : i32
      %dma_wait3A_53 = tpu.memref_slice %arg9[%add3A_27, %dma_wait3A] : memref<10240x128xf32, #tpu.memory_space<vmem_shared>> -> memref<40x128xf32, #tpu.memory_space<vmem_shared>>
      %dma_wait3A_54 = arith.constant 0 : i32
      %dma_wait3A_55 = tpu.memref_slice %arg9[%add3A_27, %dma_wait3A_54] : memref<10240x128xf32, #tpu.memory_space<vmem_shared>> -> memref<40x128xf32, #tpu.memory_space<vmem_shared>>
      tpu.wait_dma2 semaphore(%run_scoped3A : memref<!tpu.dma_semaphore, #tpu.memory_space<semaphore_mem>>) src(%arg8 : memref<40x128xf32, #tpu.memory_space<vmem>>) dst(%dma_wait3A_55 : memref<40x128xf32, #tpu.memory_space<vmem_shared>>)
      tpu.yield
    }) : () -> ()
    %add3A_28 = arith.constant 360 : i32
    %add3A_29 = arith.addi %mul3A_2, %add3A_28 : i32
    "tpu.region"() ({
      %run_scoped3A = tpu.sem_alloc : memref<!tpu.dma_semaphore, #tpu.memory_space<semaphore_mem>>
      %dma_start3A = arith.constant 0 : i32
      %dma_start3A_50 = tpu.memref_slice %arg9[%add3A_29, %dma_start3A] : memref<10240x128xf32, #tpu.memory_space<vmem_shared>> -> memref<40x128xf32, #tpu.memory_space<vmem_shared>>
      %dma_start3A_51 = arith.constant 0 : i32
      %dma_start3A_52 = tpu.memref_slice %arg9[%add3A_29, %dma_start3A_51] : memref<10240x128xf32, #tpu.memory_space<vmem_shared>> -> memref<40x128xf32, #tpu.memory_space<vmem_shared>>
      tpu.enqueue_dma source(%arg8 : memref<40x128xf32, #tpu.memory_space<vmem>>) target(%dma_start3A_52 : memref<40x128xf32, #tpu.memory_space<vmem_shared>>) target_semaphore(%run_scoped3A : memref<!tpu.dma_semaphore, #tpu.memory_space<semaphore_mem>>)
      %dma_wait3A = arith.constant 0 : i32
      %dma_wait3A_53 = tpu.memref_slice %arg9[%add3A_29, %dma_wait3A] : memref<10240x128xf32, #tpu.memory_space<vmem_shared>> -> memref<40x128xf32, #tpu.memory_space<vmem_shared>>
      %dma_wait3A_54 = arith.constant 0 : i32
      %dma_wait3A_55 = tpu.memref_slice %arg9[%add3A_29, %dma_wait3A_54] : memref<10240x128xf32, #tpu.memory_space<vmem_shared>> -> memref<40x128xf32, #tpu.memory_space<vmem_shared>>
      tpu.wait_dma2 semaphore(%run_scoped3A : memref<!tpu.dma_semaphore, #tpu.memory_space<semaphore_mem>>) src(%arg8 : memref<40x128xf32, #tpu.memory_space<vmem>>) dst(%dma_wait3A_55 : memref<40x128xf32, #tpu.memory_space<vmem_shared>>)
      tpu.yield
    }) : () -> ()
    %add3A_30 = arith.constant 400 : i32
    %add3A_31 = arith.addi %mul3A_2, %add3A_30 : i32
    "tpu.region"() ({
      %run_scoped3A = tpu.sem_alloc : memref<!tpu.dma_semaphore, #tpu.memory_space<semaphore_mem>>
      %dma_start3A = arith.constant 0 : i32
      %dma_start3A_50 = tpu.memref_slice %arg9[%add3A_31, %dma_start3A] : memref<10240x128xf32, #tpu.memory_space<vmem_shared>> -> memref<40x128xf32, #tpu.memory_space<vmem_shared>>
      %dma_start3A_51 = arith.constant 0 : i32
      %dma_start3A_52 = tpu.memref_slice %arg9[%add3A_31, %dma_start3A_51] : memref<10240x128xf32, #tpu.memory_space<vmem_shared>> -> memref<40x128xf32, #tpu.memory_space<vmem_shared>>
      tpu.enqueue_dma source(%arg8 : memref<40x128xf32, #tpu.memory_space<vmem>>) target(%dma_start3A_52 : memref<40x128xf32, #tpu.memory_space<vmem_shared>>) target_semaphore(%run_scoped3A : memref<!tpu.dma_semaphore, #tpu.memory_space<semaphore_mem>>)
      %dma_wait3A = arith.constant 0 : i32
      %dma_wait3A_53 = tpu.memref_slice %arg9[%add3A_31, %dma_wait3A] : memref<10240x128xf32, #tpu.memory_space<vmem_shared>> -> memref<40x128xf32, #tpu.memory_space<vmem_shared>>
      %dma_wait3A_54 = arith.constant 0 : i32
      %dma_wait3A_55 = tpu.memref_slice %arg9[%add3A_31, %dma_wait3A_54] : memref<10240x128xf32, #tpu.memory_space<vmem_shared>> -> memref<40x128xf32, #tpu.memory_space<vmem_shared>>
      tpu.wait_dma2 semaphore(%run_scoped3A : memref<!tpu.dma_semaphore, #tpu.memory_space<semaphore_mem>>) src(%arg8 : memref<40x128xf32, #tpu.memory_space<vmem>>) dst(%dma_wait3A_55 : memref<40x128xf32, #tpu.memory_space<vmem_shared>>)
      tpu.yield
    }) : () -> ()
    %add3A_32 = arith.constant 440 : i32
    %add3A_33 = arith.addi %mul3A_2, %add3A_32 : i32
    "tpu.region"() ({
      %run_scoped3A = tpu.sem_alloc : memref<!tpu.dma_semaphore, #tpu.memory_space<semaphore_mem>>
      %dma_start3A = arith.constant 0 : i32
      %dma_start3A_50 = tpu.memref_slice %arg9[%add3A_33, %dma_start3A] : memref<10240x128xf32, #tpu.memory_space<vmem_shared>> -> memref<40x128xf32, #tpu.memory_space<vmem_shared>>
      %dma_start3A_51 = arith.constant 0 : i32
      %dma_start3A_52 = tpu.memref_slice %arg9[%add3A_33, %dma_start3A_51] : memref<10240x128xf32, #tpu.memory_space<vmem_shared>> -> memref<40x128xf32, #tpu.memory_space<vmem_shared>>
      tpu.enqueue_dma source(%arg8 : memref<40x128xf32, #tpu.memory_space<vmem>>) target(%dma_start3A_52 : memref<40x128xf32, #tpu.memory_space<vmem_shared>>) target_semaphore(%run_scoped3A : memref<!tpu.dma_semaphore, #tpu.memory_space<semaphore_mem>>)
      %dma_wait3A = arith.constant 0 : i32
      %dma_wait3A_53 = tpu.memref_slice %arg9[%add3A_33, %dma_wait3A] : memref<10240x128xf32, #tpu.memory_space<vmem_shared>> -> memref<40x128xf32, #tpu.memory_space<vmem_shared>>
      %dma_wait3A_54 = arith.constant 0 : i32
      %dma_wait3A_55 = tpu.memref_slice %arg9[%add3A_33, %dma_wait3A_54] : memref<10240x128xf32, #tpu.memory_space<vmem_shared>> -> memref<40x128xf32, #tpu.memory_space<vmem_shared>>
      tpu.wait_dma2 semaphore(%run_scoped3A : memref<!tpu.dma_semaphore, #tpu.memory_space<semaphore_mem>>) src(%arg8 : memref<40x128xf32, #tpu.memory_space<vmem>>) dst(%dma_wait3A_55 : memref<40x128xf32, #tpu.memory_space<vmem_shared>>)
      tpu.yield
    }) : () -> ()
    %add3A_34 = arith.constant 480 : i32
    %add3A_35 = arith.addi %mul3A_2, %add3A_34 : i32
    "tpu.region"() ({
      %run_scoped3A = tpu.sem_alloc : memref<!tpu.dma_semaphore, #tpu.memory_space<semaphore_mem>>
      %dma_start3A = arith.constant 0 : i32
      %dma_start3A_50 = tpu.memref_slice %arg9[%add3A_35, %dma_start3A] : memref<10240x128xf32, #tpu.memory_space<vmem_shared>> -> memref<40x128xf32, #tpu.memory_space<vmem_shared>>
      %dma_start3A_51 = arith.constant 0 : i32
      %dma_start3A_52 = tpu.memref_slice %arg9[%add3A_35, %dma_start3A_51] : memref<10240x128xf32, #tpu.memory_space<vmem_shared>> -> memref<40x128xf32, #tpu.memory_space<vmem_shared>>
      tpu.enqueue_dma source(%arg8 : memref<40x128xf32, #tpu.memory_space<vmem>>) target(%dma_start3A_52 : memref<40x128xf32, #tpu.memory_space<vmem_shared>>) target_semaphore(%run_scoped3A : memref<!tpu.dma_semaphore, #tpu.memory_space<semaphore_mem>>)
      %dma_wait3A = arith.constant 0 : i32
      %dma_wait3A_53 = tpu.memref_slice %arg9[%add3A_35, %dma_wait3A] : memref<10240x128xf32, #tpu.memory_space<vmem_shared>> -> memref<40x128xf32, #tpu.memory_space<vmem_shared>>
      %dma_wait3A_54 = arith.constant 0 : i32
      %dma_wait3A_55 = tpu.memref_slice %arg9[%add3A_35, %dma_wait3A_54] : memref<10240x128xf32, #tpu.memory_space<vmem_shared>> -> memref<40x128xf32, #tpu.memory_space<vmem_shared>>
      tpu.wait_dma2 semaphore(%run_scoped3A : memref<!tpu.dma_semaphore, #tpu.memory_space<semaphore_mem>>) src(%arg8 : memref<40x128xf32, #tpu.memory_space<vmem>>) dst(%dma_wait3A_55 : memref<40x128xf32, #tpu.memory_space<vmem_shared>>)
      tpu.yield
    }) : () -> ()
    %add3A_36 = arith.constant 520 : i32
    %add3A_37 = arith.addi %mul3A_2, %add3A_36 : i32
    "tpu.region"() ({
      %run_scoped3A = tpu.sem_alloc : memref<!tpu.dma_semaphore, #tpu.memory_space<semaphore_mem>>
      %dma_start3A = arith.constant 0 : i32
      %dma_start3A_50 = tpu.memref_slice %arg9[%add3A_37, %dma_start3A] : memref<10240x128xf32, #tpu.memory_space<vmem_shared>> -> memref<40x128xf32, #tpu.memory_space<vmem_shared>>
      %dma_start3A_51 = arith.constant 0 : i32
      %dma_start3A_52 = tpu.memref_slice %arg9[%add3A_37, %dma_start3A_51] : memref<10240x128xf32, #tpu.memory_space<vmem_shared>> -> memref<40x128xf32, #tpu.memory_space<vmem_shared>>
      tpu.enqueue_dma source(%arg8 : memref<40x128xf32, #tpu.memory_space<vmem>>) target(%dma_start3A_52 : memref<40x128xf32, #tpu.memory_space<vmem_shared>>) target_semaphore(%run_scoped3A : memref<!tpu.dma_semaphore, #tpu.memory_space<semaphore_mem>>)
      %dma_wait3A = arith.constant 0 : i32
      %dma_wait3A_53 = tpu.memref_slice %arg9[%add3A_37, %dma_wait3A] : memref<10240x128xf32, #tpu.memory_space<vmem_shared>> -> memref<40x128xf32, #tpu.memory_space<vmem_shared>>
      %dma_wait3A_54 = arith.constant 0 : i32
      %dma_wait3A_55 = tpu.memref_slice %arg9[%add3A_37, %dma_wait3A_54] : memref<10240x128xf32, #tpu.memory_space<vmem_shared>> -> memref<40x128xf32, #tpu.memory_space<vmem_shared>>
      tpu.wait_dma2 semaphore(%run_scoped3A : memref<!tpu.dma_semaphore, #tpu.memory_space<semaphore_mem>>) src(%arg8 : memref<40x128xf32, #tpu.memory_space<vmem>>) dst(%dma_wait3A_55 : memref<40x128xf32, #tpu.memory_space<vmem_shared>>)
      tpu.yield
    }) : () -> ()
    %add3A_38 = arith.constant 560 : i32
    %add3A_39 = arith.addi %mul3A_2, %add3A_38 : i32
    "tpu.region"() ({
      %run_scoped3A = tpu.sem_alloc : memref<!tpu.dma_semaphore, #tpu.memory_space<semaphore_mem>>
      %dma_start3A = arith.constant 0 : i32
      %dma_start3A_50 = tpu.memref_slice %arg9[%add3A_39, %dma_start3A] : memref<10240x128xf32, #tpu.memory_space<vmem_shared>> -> memref<40x128xf32, #tpu.memory_space<vmem_shared>>
      %dma_start3A_51 = arith.constant 0 : i32
      %dma_start3A_52 = tpu.memref_slice %arg9[%add3A_39, %dma_start3A_51] : memref<10240x128xf32, #tpu.memory_space<vmem_shared>> -> memref<40x128xf32, #tpu.memory_space<vmem_shared>>
      tpu.enqueue_dma source(%arg8 : memref<40x128xf32, #tpu.memory_space<vmem>>) target(%dma_start3A_52 : memref<40x128xf32, #tpu.memory_space<vmem_shared>>) target_semaphore(%run_scoped3A : memref<!tpu.dma_semaphore, #tpu.memory_space<semaphore_mem>>)
      %dma_wait3A = arith.constant 0 : i32
      %dma_wait3A_53 = tpu.memref_slice %arg9[%add3A_39, %dma_wait3A] : memref<10240x128xf32, #tpu.memory_space<vmem_shared>> -> memref<40x128xf32, #tpu.memory_space<vmem_shared>>
      %dma_wait3A_54 = arith.constant 0 : i32
      %dma_wait3A_55 = tpu.memref_slice %arg9[%add3A_39, %dma_wait3A_54] : memref<10240x128xf32, #tpu.memory_space<vmem_shared>> -> memref<40x128xf32, #tpu.memory_space<vmem_shared>>
      tpu.wait_dma2 semaphore(%run_scoped3A : memref<!tpu.dma_semaphore, #tpu.memory_space<semaphore_mem>>) src(%arg8 : memref<40x128xf32, #tpu.memory_space<vmem>>) dst(%dma_wait3A_55 : memref<40x128xf32, #tpu.memory_space<vmem_shared>>)
      tpu.yield
    }) : () -> ()
    %add3A_40 = arith.constant 600 : i32
    %add3A_41 = arith.addi %mul3A_2, %add3A_40 : i32
    "tpu.region"() ({
      %run_scoped3A = tpu.sem_alloc : memref<!tpu.dma_semaphore, #tpu.memory_space<semaphore_mem>>
      %dma_start3A = arith.constant 0 : i32
      %dma_start3A_50 = tpu.memref_slice %arg9[%add3A_41, %dma_start3A] : memref<10240x128xf32, #tpu.memory_space<vmem_shared>> -> memref<40x128xf32, #tpu.memory_space<vmem_shared>>
      %dma_start3A_51 = arith.constant 0 : i32
      %dma_start3A_52 = tpu.memref_slice %arg9[%add3A_41, %dma_start3A_51] : memref<10240x128xf32, #tpu.memory_space<vmem_shared>> -> memref<40x128xf32, #tpu.memory_space<vmem_shared>>
      tpu.enqueue_dma source(%arg8 : memref<40x128xf32, #tpu.memory_space<vmem>>) target(%dma_start3A_52 : memref<40x128xf32, #tpu.memory_space<vmem_shared>>) target_semaphore(%run_scoped3A : memref<!tpu.dma_semaphore, #tpu.memory_space<semaphore_mem>>)
      %dma_wait3A = arith.constant 0 : i32
      %dma_wait3A_53 = tpu.memref_slice %arg9[%add3A_41, %dma_wait3A] : memref<10240x128xf32, #tpu.memory_space<vmem_shared>> -> memref<40x128xf32, #tpu.memory_space<vmem_shared>>
      %dma_wait3A_54 = arith.constant 0 : i32
      %dma_wait3A_55 = tpu.memref_slice %arg9[%add3A_41, %dma_wait3A_54] : memref<10240x128xf32, #tpu.memory_space<vmem_shared>> -> memref<40x128xf32, #tpu.memory_space<vmem_shared>>
      tpu.wait_dma2 semaphore(%run_scoped3A : memref<!tpu.dma_semaphore, #tpu.memory_space<semaphore_mem>>) src(%arg8 : memref<40x128xf32, #tpu.memory_space<vmem>>) dst(%dma_wait3A_55 : memref<40x128xf32, #tpu.memory_space<vmem_shared>>)
      tpu.yield
    }) : () -> ()
    %barrier3A = arith.constant 0 : index
    tpu.barrier barrier_id(%barrier3A)
    %scan3A_42 = arith.constant 0 : i32
    %scan3A_43 = arith.constant 0 : i32
    %scan3A_44 = arith.constant 10 : i32
    %scan3A_45 = arith.addi %scan3A_43, %scan3A_44 : i32
    %scan3A_46 = arith.constant 1 : i32
    %scan3A_47 = scf.for %scan3A_50 = %scan3A_43 to %scan3A_45 step %scan3A_46 iter_args(%scan3A_51 = %scan3A_42) -> (i32)  : i32 {
      "tpu.region"() ({
        %run_scoped3A = tpu.sem_alloc : memref<!tpu.dma_semaphore, #tpu.memory_space<semaphore_mem>>
        %dma_start3A = arith.constant 0 : i32
        %dma_start3A_60 = arith.constant 0 : i32
        %dma_start3A_61 = tpu.memref_slice %arg2[%add3A, %scan3A_50, %dma_start3A, %dma_start3A_60] : memref<32x10x25x40xi32, #tpu.memory_space<hbm>> -> memref<1x1x25x40xi32, #tpu.memory_space<hbm>>
        %dma_start3A_62 = tpu.memref_squeeze %dma_start3A_61 : memref<1x1x25x40xi32, #tpu.memory_space<hbm>> -> memref<25x40xi32, #tpu.memory_space<hbm>>
        %dma_start3A_63 = arith.constant 0 : i32
        %dma_start3A_64 = arith.constant 0 : i32
        %dma_start3A_65 = tpu.memref_slice %arg2[%add3A, %scan3A_50, %dma_start3A_63, %dma_start3A_64] : memref<32x10x25x40xi32, #tpu.memory_space<hbm>> -> memref<1x1x25x40xi32, #tpu.memory_space<hbm>>
        %dma_start3A_66 = tpu.memref_squeeze %dma_start3A_65 : memref<1x1x25x40xi32, #tpu.memory_space<hbm>> -> memref<25x40xi32, #tpu.memory_space<hbm>>
        tpu.enqueue_dma source(%dma_start3A_66 : memref<25x40xi32, #tpu.memory_space<hbm>>) target(%arg6 : memref<25x40xi32, #tpu.memory_space<vmem>>) target_semaphore(%run_scoped3A : memref<!tpu.dma_semaphore, #tpu.memory_space<semaphore_mem>>)
        %dma_wait3A = arith.constant 0 : i32
        %dma_wait3A_67 = arith.constant 0 : i32
        %dma_wait3A_68 = tpu.memref_slice %arg2[%add3A, %scan3A_50, %dma_wait3A, %dma_wait3A_67] : memref<32x10x25x40xi32, #tpu.memory_space<hbm>> -> memref<1x1x25x40xi32, #tpu.memory_space<hbm>>
        %dma_wait3A_69 = tpu.memref_squeeze %dma_wait3A_68 : memref<1x1x25x40xi32, #tpu.memory_space<hbm>> -> memref<25x40xi32, #tpu.memory_space<hbm>>
        %dma_wait3A_70 = arith.constant 0 : i32
        %dma_wait3A_71 = arith.constant 0 : i32
        %dma_wait3A_72 = tpu.memref_slice %arg2[%add3A, %scan3A_50, %dma_wait3A_70, %dma_wait3A_71] : memref<32x10x25x40xi32, #tpu.memory_space<hbm>> -> memref<1x1x25x40xi32, #tpu.memory_space<hbm>>
        %dma_wait3A_73 = tpu.memref_squeeze %dma_wait3A_72 : memref<1x1x25x40xi32, #tpu.memory_space<hbm>> -> memref<25x40xi32, #tpu.memory_space<hbm>>
        tpu.wait_dma2 semaphore(%run_scoped3A : memref<!tpu.dma_semaphore, #tpu.memory_space<semaphore_mem>>) src(%dma_wait3A_73 : memref<25x40xi32, #tpu.memory_space<hbm>>) dst(%arg6 : memref<25x40xi32, #tpu.memory_space<vmem>>)
        tpu.yield
      }) : () -> ()
      "tpu.region"() ({
        %run_scoped3A = tpu.sem_alloc : memref<!tpu.dma_semaphore, #tpu.memory_space<semaphore_mem>>
        %dma_start3A = arith.constant 0 : i32
        %dma_start3A_60 = arith.constant 0 : i32
        %dma_start3A_61 = tpu.memref_slice %arg3[%add3A, %scan3A_50, %dma_start3A, %dma_start3A_60] : memref<32x10x25x40xi32, #tpu.memory_space<hbm>> -> memref<1x1x25x40xi32, #tpu.memory_space<hbm>>
        %dma_start3A_62 = tpu.memref_squeeze %dma_start3A_61 : memref<1x1x25x40xi32, #tpu.memory_space<hbm>> -> memref<25x40xi32, #tpu.memory_space<hbm>>
        %dma_start3A_63 = arith.constant 0 : i32
        %dma_start3A_64 = arith.constant 0 : i32
        %dma_start3A_65 = tpu.memref_slice %arg3[%add3A, %scan3A_50, %dma_start3A_63, %dma_start3A_64] : memref<32x10x25x40xi32, #tpu.memory_space<hbm>> -> memref<1x1x25x40xi32, #tpu.memory_space<hbm>>
        %dma_start3A_66 = tpu.memref_squeeze %dma_start3A_65 : memref<1x1x25x40xi32, #tpu.memory_space<hbm>> -> memref<25x40xi32, #tpu.memory_space<hbm>>
        tpu.enqueue_dma source(%dma_start3A_66 : memref<25x40xi32, #tpu.memory_space<hbm>>) target(%arg7 : memref<25x40xi32, #tpu.memory_space<vmem>>) target_semaphore(%run_scoped3A : memref<!tpu.dma_semaphore, #tpu.memory_space<semaphore_mem>>)
        %dma_wait3A = arith.constant 0 : i32
        %dma_wait3A_67 = arith.constant 0 : i32
        %dma_wait3A_68 = tpu.memref_slice %arg3[%add3A, %scan3A_50, %dma_wait3A, %dma_wait3A_67] : memref<32x10x25x40xi32, #tpu.memory_space<hbm>> -> memref<1x1x25x40xi32, #tpu.memory_space<hbm>>
        %dma_wait3A_69 = tpu.memref_squeeze %dma_wait3A_68 : memref<1x1x25x40xi32, #tpu.memory_space<hbm>> -> memref<25x40xi32, #tpu.memory_space<hbm>>
        %dma_wait3A_70 = arith.constant 0 : i32
        %dma_wait3A_71 = arith.constant 0 : i32
        %dma_wait3A_72 = tpu.memref_slice %arg3[%add3A, %scan3A_50, %dma_wait3A_70, %dma_wait3A_71] : memref<32x10x25x40xi32, #tpu.memory_space<hbm>> -> memref<1x1x25x40xi32, #tpu.memory_space<hbm>>
        %dma_wait3A_73 = tpu.memref_squeeze %dma_wait3A_72 : memref<1x1x25x40xi32, #tpu.memory_space<hbm>> -> memref<25x40xi32, #tpu.memory_space<hbm>>
        tpu.wait_dma2 semaphore(%run_scoped3A : memref<!tpu.dma_semaphore, #tpu.memory_space<semaphore_mem>>) src(%dma_wait3A_73 : memref<25x40xi32, #tpu.memory_space<hbm>>) dst(%arg7 : memref<25x40xi32, #tpu.memory_space<vmem>>)
        tpu.yield
      }) : () -> ()
      %scan3A_52 = arith.constant 0 : i32
      %scan3A_53 = arith.constant 0 : i32
      %scan3A_54 = arith.constant 25 : i32
      %scan3A_55 = arith.addi %scan3A_53, %scan3A_54 : i32
      %scan3A_56 = arith.constant 1 : i32
      %scan3A_57 = scf.for %scan3A_60 = %scan3A_53 to %scan3A_55 step %scan3A_56 iter_args(%scan3A_61 = %scan3A_52) -> (i32)  : i32 {
        %dma_start3A = arith.constant 0 : i32
        %dma_start3A_62 = tpu.memref_slice %arg6[%scan3A_60, %dma_start3A] : memref<25x40xi32, #tpu.memory_space<vmem>> -> memref<1x40xi32, #tpu.memory_space<vmem>>
        %dma_start3A_63 = tpu.memref_squeeze %dma_start3A_62 : memref<1x40xi32, #tpu.memory_space<vmem>> -> memref<40xi32, #tpu.memory_space<vmem>>
        %dma_start3A_64 = arith.constant 0 : i32
        %dma_start3A_65 = arith.constant 0 : i32
        %dma_start3A_66 = tpu.memref_slice %arg4[%dma_start3A_64, %dma_start3A_65] : memref<10000x128xf32, #tpu.memory_space<hbm>> -> memref<10000x128xf32, #tpu.memory_space<hbm>>
        tpu.enqueue_indirect_dma source(%dma_start3A_66 : memref<10000x128xf32, #tpu.memory_space<hbm>>) target(%arg8 : memref<40x128xf32, #tpu.memory_space<vmem>>) offsets(%dma_start3A_63 : memref<40xi32, #tpu.memory_space<vmem>>) semaphore(%arg10 : memref<!tpu.dma_semaphore, #tpu.memory_space<semaphore_mem>>)
        %dma_wait3A = arith.constant 0 : i32
        %dma_wait3A_67 = tpu.memref_slice %arg6[%scan3A_60, %dma_wait3A] : memref<25x40xi32, #tpu.memory_space<vmem>> -> memref<1x40xi32, #tpu.memory_space<vmem>>
        %dma_wait3A_68 = tpu.memref_squeeze %dma_wait3A_67 : memref<1x40xi32, #tpu.memory_space<vmem>> -> memref<40xi32, #tpu.memory_space<vmem>>
        %dma_wait3A_69 = arith.constant 0 : i32
        %dma_wait3A_70 = arith.constant 0 : i32
        %dma_wait3A_71 = tpu.memref_slice %arg4[%dma_wait3A_69, %dma_wait3A_70] : memref<10000x128xf32, #tpu.memory_space<hbm>> -> memref<10000x128xf32, #tpu.memory_space<hbm>>
        tpu.wait_indirect_dma semaphore(%arg10 : memref<!tpu.dma_semaphore, #tpu.memory_space<semaphore_mem>>) src(%dma_wait3A_71 : memref<10000x128xf32, #tpu.memory_space<hbm>>) dst(%arg8 : memref<40x128xf32, #tpu.memory_space<vmem>>)
        "tpu.region"() ({
          %run_scoped3A = tpu.sem_alloc : memref<!tpu.dma_semaphore, #tpu.memory_space<semaphore_mem>>
          %dma_start3A_73 = arith.constant 0 : i32
          %dma_start3A_74 = tpu.memref_slice %arg7[%scan3A_60, %dma_start3A_73] : memref<25x40xi32, #tpu.memory_space<vmem>> -> memref<1x40xi32, #tpu.memory_space<vmem>>
          %dma_start3A_75 = tpu.memref_squeeze %dma_start3A_74 : memref<1x40xi32, #tpu.memory_space<vmem>> -> memref<40xi32, #tpu.memory_space<vmem>>
          %dma_start3A_76 = arith.constant 0 : i32
          %dma_start3A_77 = arith.constant 0 : i32
          %dma_start3A_78 = tpu.memref_slice %arg9[%dma_start3A_76, %dma_start3A_77] : memref<10240x128xf32, #tpu.memory_space<vmem_shared>> -> memref<10240x128xf32, #tpu.memory_space<vmem_shared>>
          tpu.enqueue_indirect_dma source(%arg8 : memref<40x128xf32, #tpu.memory_space<vmem>>) target(%dma_start3A_78 : memref<10240x128xf32, #tpu.memory_space<vmem_shared>>) offsets(%dma_start3A_75 : memref<40xi32, #tpu.memory_space<vmem>>) semaphore(%run_scoped3A : memref<!tpu.dma_semaphore, #tpu.memory_space<semaphore_mem>>) {add = true}
          %dma_wait3A_79 = arith.constant 0 : i32
          %dma_wait3A_80 = tpu.memref_slice %arg7[%scan3A_60, %dma_wait3A_79] : memref<25x40xi32, #tpu.memory_space<vmem>> -> memref<1x40xi32, #tpu.memory_space<vmem>>
          %dma_wait3A_81 = tpu.memref_squeeze %dma_wait3A_80 : memref<1x40xi32, #tpu.memory_space<vmem>> -> memref<40xi32, #tpu.memory_space<vmem>>
          %dma_wait3A_82 = arith.constant 0 : i32
          %dma_wait3A_83 = arith.constant 0 : i32
          %dma_wait3A_84 = tpu.memref_slice %arg9[%dma_wait3A_82, %dma_wait3A_83] : memref<10240x128xf32, #tpu.memory_space<vmem_shared>> -> memref<10240x128xf32, #tpu.memory_space<vmem_shared>>
          tpu.wait_indirect_dma semaphore(%run_scoped3A : memref<!tpu.dma_semaphore, #tpu.memory_space<semaphore_mem>>) src(%arg8 : memref<40x128xf32, #tpu.memory_space<vmem>>) dst(%dma_wait3A_84 : memref<10240x128xf32, #tpu.memory_space<vmem_shared>>)
          tpu.yield
        }) : () -> ()
        %scan3A_72 = arith.constant 0 : i32
        scf.yield %scan3A_72 : i32
      }
      %scan3A_58 = arith.constant 25 : i32
      %scan3A_59 = arith.constant 0 : i32
      scf.yield %scan3A_59 : i32
    }
    %scan3A_48 = arith.constant 10 : i32
    %barrier3A_49 = arith.constant 0 : index
    tpu.barrier barrier_id(%barrier3A_49)
    "tpu.region"() ({
      %run_scoped3A = tpu.sem_alloc : memref<!tpu.dma_semaphore, #tpu.memory_space<semaphore_mem>>
      %dma_start3A = arith.constant 0 : i32
      %dma_start3A_50 = arith.constant 0 : i32
      %dma_start3A_51 = tpu.memref_slice %arg5[%arg0, %arg1, %dma_start3A, %dma_start3A_50] : memref<2x16x640x128xf32, #tpu.memory_space<hbm>> -> memref<1x1x640x128xf32, #tpu.memory_space<hbm>>
      %dma_start3A_52 = tpu.memref_squeeze %dma_start3A_51 : memref<1x1x640x128xf32, #tpu.memory_space<hbm>> -> memref<640x128xf32, #tpu.memory_space<hbm>>
      %dma_start3A_53 = arith.constant 0 : i32
      %dma_start3A_54 = tpu.memref_slice %arg9[%mul3A_2, %dma_start3A_53] : memref<10240x128xf32, #tpu.memory_space<vmem_shared>> -> memref<640x128xf32, #tpu.memory_space<vmem_shared>>
      tpu.enqueue_dma source(%dma_start3A_54 : memref<640x128xf32, #tpu.memory_space<vmem_shared>>) target(%dma_start3A_52 : memref<640x128xf32, #tpu.memory_space<hbm>>) target_semaphore(%run_scoped3A : memref<!tpu.dma_semaphore, #tpu.memory_space<semaphore_mem>>)
      %dma_wait3A = arith.constant 0 : i32
      %dma_wait3A_55 = arith.constant 0 : i32
      %dma_wait3A_56 = tpu.memref_slice %arg5[%arg0, %arg1, %dma_wait3A, %dma_wait3A_55] : memref<2x16x640x128xf32, #tpu.memory_space<hbm>> -> memref<1x1x640x128xf32, #tpu.memory_space<hbm>>
      %dma_wait3A_57 = tpu.memref_squeeze %dma_wait3A_56 : memref<1x1x640x128xf32, #tpu.memory_space<hbm>> -> memref<640x128xf32, #tpu.memory_space<hbm>>
      %dma_wait3A_58 = arith.constant 0 : i32
      %dma_wait3A_59 = tpu.memref_slice %arg9[%mul3A_2, %dma_wait3A_58] : memref<10240x128xf32, #tpu.memory_space<vmem_shared>> -> memref<640x128xf32, #tpu.memory_space<vmem_shared>>
      tpu.wait_dma2 semaphore(%run_scoped3A : memref<!tpu.dma_semaphore, #tpu.memory_space<semaphore_mem>>) src(%dma_wait3A_59 : memref<640x128xf32, #tpu.memory_space<vmem_shared>>) dst(%dma_wait3A_57 : memref<640x128xf32, #tpu.memory_space<hbm>>)
      tpu.yield
    }) : () -> ()
    return
  }
}

#map = affine_map<(d0, d1) -> (0, 0, 0, 0)>
module attributes {stable_mosaic.version = 14 : i64} {
  func.func @body(%arg0: i32, %arg1: i32, %arg2: memref<32x10x25x40xi32, #tpu.memory_space<hbm>>, %arg3: memref<2x16x625x16xf32, #tpu.memory_space<hbm>>, %arg4: memref<25x40xi32, #tpu.memory_space<vmem>>, %arg5: memref<40x16xf32, #tpu.memory_space<vmem>>, %arg6: memref<40x16xf32, #tpu.memory_space<vmem>>, %arg7: memref<10000x16xf32, #tpu.memory_space<vmem_shared>>) attributes {dimension_semantics = [#tpu.dimension_semantics<core_parallel>, #tpu.dimension_semantics<subcore_parallel>], iteration_bounds = array<i64: 2, 16>, scalar_prefetch = 0 : i64, scratch_operands = 4 : i64, tpu.core_type = #tpu.core_type<sc_vector_subcore>, window_params = [{transform_indices = #map}, {transform_indices = #map}]} {
    %mul3A = arith.constant 2 : i32
    %mul3A_0 = arith.muli %arg1, %mul3A : i32
    %add3A = arith.addi %mul3A_0, %arg0 : i32
    %mul3A_1 = arith.constant 625 : i32
    %mul3A_2 = arith.muli %arg1, %mul3A_1 : i32
    %broadcast_in_dim3A = arith.constant 0.000000e+00 : f32
    %broadcast_in_dim3A_3 = vector.broadcast %broadcast_in_dim3A : f32 to vector<16xf32>
    %scan3A = arith.constant 0 : i32
    %scan3A_4 = arith.constant 0 : i32
    %scan3A_5 = arith.constant 40 : i32
    %scan3A_6 = arith.addi %scan3A_4, %scan3A_5 : i32
    %scan3A_7 = arith.constant 1 : i32
    %scan3A_8 = scf.for %scan3A_50 = %scan3A_4 to %scan3A_6 step %scan3A_7 iter_args(%scan3A_51 = %scan3A) -> (i32)  : i32 {
      %swap3A = arith.index_cast %scan3A_50 : i32 to index
      %swap3A_52 = arith.constant 0 : index
      %swap3A_53 = tpu.vector_load %arg6[%swap3A, %swap3A_52] {strides = array<i32>} : memref<40x16xf32, #tpu.memory_space<vmem>>, vector<1x16xf32>,
      %swap3A_54 = vector.shape_cast %swap3A_53 : vector<1x16xf32> to vector<16xf32>
      %swap3A_55 = vector.shape_cast %broadcast_in_dim3A_3 : vector<16xf32> to vector<1x16xf32>
      tpu.vector_store %arg6[%swap3A, %swap3A_52], %swap3A_55 {strides = array<i32>} : memref<40x16xf32, #tpu.memory_space<vmem>>, vector<1x16xf32>,
      %add3A_56 = arith.constant 1.000000e+00 : f32
      %add3A_57 = vector.broadcast %add3A_56 : f32 to vector<16xf32>
      %add3A_58 = arith.addf %broadcast_in_dim3A_3, %add3A_57 : vector<16xf32>
      %swap3A_59 = arith.index_cast %scan3A_50 : i32 to index
      %swap3A_60 = arith.constant 0 : index
      %swap3A_61 = tpu.vector_load %arg5[%swap3A_59, %swap3A_60] {strides = array<i32>} : memref<40x16xf32, #tpu.memory_space<vmem>>, vector<1x16xf32>,
      %swap3A_62 = vector.shape_cast %swap3A_61 : vector<1x16xf32> to vector<16xf32>
      %swap3A_63 = vector.shape_cast %add3A_58 : vector<16xf32> to vector<1x16xf32>
      tpu.vector_store %arg5[%swap3A_59, %swap3A_60], %swap3A_63 {strides = array<i32>} : memref<40x16xf32, #tpu.memory_space<vmem>>, vector<1x16xf32>,
      %scan3A_64 = arith.constant 0 : i32
      scf.yield %scan3A_64 : i32
    }
    %scan3A_9 = arith.constant 40 : i32
    %add3A_10 = arith.constant 0 : i32
    %add3A_11 = arith.addi %mul3A_2, %add3A_10 : i32
    "tpu.region"() ({
      %run_scoped3A = tpu.sem_alloc : memref<!tpu.dma_semaphore, #tpu.memory_space<semaphore_mem>>
      %dma_start3A = arith.constant 0 : i32
      %dma_start3A_50 = tpu.memref_slice %arg7[%add3A_11, %dma_start3A] : memref<10000x16xf32, #tpu.memory_space<vmem_shared>> -> memref<40x16xf32, #tpu.memory_space<vmem_shared>>
      %dma_start3A_51 = arith.constant 0 : i32
      %dma_start3A_52 = tpu.memref_slice %arg7[%add3A_11, %dma_start3A_51] : memref<10000x16xf32, #tpu.memory_space<vmem_shared>> -> memref<40x16xf32, #tpu.memory_space<vmem_shared>>
      tpu.enqueue_dma source(%arg6 : memref<40x16xf32, #tpu.memory_space<vmem>>) target(%dma_start3A_52 : memref<40x16xf32, #tpu.memory_space<vmem_shared>>) target_semaphore(%run_scoped3A : memref<!tpu.dma_semaphore, #tpu.memory_space<semaphore_mem>>)
      %dma_wait3A = arith.constant 0 : i32
      %dma_wait3A_53 = tpu.memref_slice %arg7[%add3A_11, %dma_wait3A] : memref<10000x16xf32, #tpu.memory_space<vmem_shared>> -> memref<40x16xf32, #tpu.memory_space<vmem_shared>>
      %dma_wait3A_54 = arith.constant 0 : i32
      %dma_wait3A_55 = tpu.memref_slice %arg7[%add3A_11, %dma_wait3A_54] : memref<10000x16xf32, #tpu.memory_space<vmem_shared>> -> memref<40x16xf32, #tpu.memory_space<vmem_shared>>
      tpu.wait_dma2 semaphore(%run_scoped3A : memref<!tpu.dma_semaphore, #tpu.memory_space<semaphore_mem>>) src(%arg6 : memref<40x16xf32, #tpu.memory_space<vmem>>) dst(%dma_wait3A_55 : memref<40x16xf32, #tpu.memory_space<vmem_shared>>)
      tpu.yield
    }) : () -> ()
    %add3A_12 = arith.constant 40 : i32
    %add3A_13 = arith.addi %mul3A_2, %add3A_12 : i32
    "tpu.region"() ({
      %run_scoped3A = tpu.sem_alloc : memref<!tpu.dma_semaphore, #tpu.memory_space<semaphore_mem>>
      %dma_start3A = arith.constant 0 : i32
      %dma_start3A_50 = tpu.memref_slice %arg7[%add3A_13, %dma_start3A] : memref<10000x16xf32, #tpu.memory_space<vmem_shared>> -> memref<40x16xf32, #tpu.memory_space<vmem_shared>>
      %dma_start3A_51 = arith.constant 0 : i32
      %dma_start3A_52 = tpu.memref_slice %arg7[%add3A_13, %dma_start3A_51] : memref<10000x16xf32, #tpu.memory_space<vmem_shared>> -> memref<40x16xf32, #tpu.memory_space<vmem_shared>>
      tpu.enqueue_dma source(%arg6 : memref<40x16xf32, #tpu.memory_space<vmem>>) target(%dma_start3A_52 : memref<40x16xf32, #tpu.memory_space<vmem_shared>>) target_semaphore(%run_scoped3A : memref<!tpu.dma_semaphore, #tpu.memory_space<semaphore_mem>>)
      %dma_wait3A = arith.constant 0 : i32
      %dma_wait3A_53 = tpu.memref_slice %arg7[%add3A_13, %dma_wait3A] : memref<10000x16xf32, #tpu.memory_space<vmem_shared>> -> memref<40x16xf32, #tpu.memory_space<vmem_shared>>
      %dma_wait3A_54 = arith.constant 0 : i32
      %dma_wait3A_55 = tpu.memref_slice %arg7[%add3A_13, %dma_wait3A_54] : memref<10000x16xf32, #tpu.memory_space<vmem_shared>> -> memref<40x16xf32, #tpu.memory_space<vmem_shared>>
      tpu.wait_dma2 semaphore(%run_scoped3A : memref<!tpu.dma_semaphore, #tpu.memory_space<semaphore_mem>>) src(%arg6 : memref<40x16xf32, #tpu.memory_space<vmem>>) dst(%dma_wait3A_55 : memref<40x16xf32, #tpu.memory_space<vmem_shared>>)
      tpu.yield
    }) : () -> ()
    %add3A_14 = arith.constant 80 : i32
    %add3A_15 = arith.addi %mul3A_2, %add3A_14 : i32
    "tpu.region"() ({
      %run_scoped3A = tpu.sem_alloc : memref<!tpu.dma_semaphore, #tpu.memory_space<semaphore_mem>>
      %dma_start3A = arith.constant 0 : i32
      %dma_start3A_50 = tpu.memref_slice %arg7[%add3A_15, %dma_start3A] : memref<10000x16xf32, #tpu.memory_space<vmem_shared>> -> memref<40x16xf32, #tpu.memory_space<vmem_shared>>
      %dma_start3A_51 = arith.constant 0 : i32
      %dma_start3A_52 = tpu.memref_slice %arg7[%add3A_15, %dma_start3A_51] : memref<10000x16xf32, #tpu.memory_space<vmem_shared>> -> memref<40x16xf32, #tpu.memory_space<vmem_shared>>
      tpu.enqueue_dma source(%arg6 : memref<40x16xf32, #tpu.memory_space<vmem>>) target(%dma_start3A_52 : memref<40x16xf32, #tpu.memory_space<vmem_shared>>) target_semaphore(%run_scoped3A : memref<!tpu.dma_semaphore, #tpu.memory_space<semaphore_mem>>)
      %dma_wait3A = arith.constant 0 : i32
      %dma_wait3A_53 = tpu.memref_slice %arg7[%add3A_15, %dma_wait3A] : memref<10000x16xf32, #tpu.memory_space<vmem_shared>> -> memref<40x16xf32, #tpu.memory_space<vmem_shared>>
      %dma_wait3A_54 = arith.constant 0 : i32
      %dma_wait3A_55 = tpu.memref_slice %arg7[%add3A_15, %dma_wait3A_54] : memref<10000x16xf32, #tpu.memory_space<vmem_shared>> -> memref<40x16xf32, #tpu.memory_space<vmem_shared>>
      tpu.wait_dma2 semaphore(%run_scoped3A : memref<!tpu.dma_semaphore, #tpu.memory_space<semaphore_mem>>) src(%arg6 : memref<40x16xf32, #tpu.memory_space<vmem>>) dst(%dma_wait3A_55 : memref<40x16xf32, #tpu.memory_space<vmem_shared>>)
      tpu.yield
    }) : () -> ()
    %add3A_16 = arith.constant 120 : i32
    %add3A_17 = arith.addi %mul3A_2, %add3A_16 : i32
    "tpu.region"() ({
      %run_scoped3A = tpu.sem_alloc : memref<!tpu.dma_semaphore, #tpu.memory_space<semaphore_mem>>
      %dma_start3A = arith.constant 0 : i32
      %dma_start3A_50 = tpu.memref_slice %arg7[%add3A_17, %dma_start3A] : memref<10000x16xf32, #tpu.memory_space<vmem_shared>> -> memref<40x16xf32, #tpu.memory_space<vmem_shared>>
      %dma_start3A_51 = arith.constant 0 : i32
      %dma_start3A_52 = tpu.memref_slice %arg7[%add3A_17, %dma_start3A_51] : memref<10000x16xf32, #tpu.memory_space<vmem_shared>> -> memref<40x16xf32, #tpu.memory_space<vmem_shared>>
      tpu.enqueue_dma source(%arg6 : memref<40x16xf32, #tpu.memory_space<vmem>>) target(%dma_start3A_52 : memref<40x16xf32, #tpu.memory_space<vmem_shared>>) target_semaphore(%run_scoped3A : memref<!tpu.dma_semaphore, #tpu.memory_space<semaphore_mem>>)
      %dma_wait3A = arith.constant 0 : i32
      %dma_wait3A_53 = tpu.memref_slice %arg7[%add3A_17, %dma_wait3A] : memref<10000x16xf32, #tpu.memory_space<vmem_shared>> -> memref<40x16xf32, #tpu.memory_space<vmem_shared>>
      %dma_wait3A_54 = arith.constant 0 : i32
      %dma_wait3A_55 = tpu.memref_slice %arg7[%add3A_17, %dma_wait3A_54] : memref<10000x16xf32, #tpu.memory_space<vmem_shared>> -> memref<40x16xf32, #tpu.memory_space<vmem_shared>>
      tpu.wait_dma2 semaphore(%run_scoped3A : memref<!tpu.dma_semaphore, #tpu.memory_space<semaphore_mem>>) src(%arg6 : memref<40x16xf32, #tpu.memory_space<vmem>>) dst(%dma_wait3A_55 : memref<40x16xf32, #tpu.memory_space<vmem_shared>>)
      tpu.yield
    }) : () -> ()
    %add3A_18 = arith.constant 160 : i32
    %add3A_19 = arith.addi %mul3A_2, %add3A_18 : i32
    "tpu.region"() ({
      %run_scoped3A = tpu.sem_alloc : memref<!tpu.dma_semaphore, #tpu.memory_space<semaphore_mem>>
      %dma_start3A = arith.constant 0 : i32
      %dma_start3A_50 = tpu.memref_slice %arg7[%add3A_19, %dma_start3A] : memref<10000x16xf32, #tpu.memory_space<vmem_shared>> -> memref<40x16xf32, #tpu.memory_space<vmem_shared>>
      %dma_start3A_51 = arith.constant 0 : i32
      %dma_start3A_52 = tpu.memref_slice %arg7[%add3A_19, %dma_start3A_51] : memref<10000x16xf32, #tpu.memory_space<vmem_shared>> -> memref<40x16xf32, #tpu.memory_space<vmem_shared>>
      tpu.enqueue_dma source(%arg6 : memref<40x16xf32, #tpu.memory_space<vmem>>) target(%dma_start3A_52 : memref<40x16xf32, #tpu.memory_space<vmem_shared>>) target_semaphore(%run_scoped3A : memref<!tpu.dma_semaphore, #tpu.memory_space<semaphore_mem>>)
      %dma_wait3A = arith.constant 0 : i32
      %dma_wait3A_53 = tpu.memref_slice %arg7[%add3A_19, %dma_wait3A] : memref<10000x16xf32, #tpu.memory_space<vmem_shared>> -> memref<40x16xf32, #tpu.memory_space<vmem_shared>>
      %dma_wait3A_54 = arith.constant 0 : i32
      %dma_wait3A_55 = tpu.memref_slice %arg7[%add3A_19, %dma_wait3A_54] : memref<10000x16xf32, #tpu.memory_space<vmem_shared>> -> memref<40x16xf32, #tpu.memory_space<vmem_shared>>
      tpu.wait_dma2 semaphore(%run_scoped3A : memref<!tpu.dma_semaphore, #tpu.memory_space<semaphore_mem>>) src(%arg6 : memref<40x16xf32, #tpu.memory_space<vmem>>) dst(%dma_wait3A_55 : memref<40x16xf32, #tpu.memory_space<vmem_shared>>)
      tpu.yield
    }) : () -> ()
    %add3A_20 = arith.constant 200 : i32
    %add3A_21 = arith.addi %mul3A_2, %add3A_20 : i32
    "tpu.region"() ({
      %run_scoped3A = tpu.sem_alloc : memref<!tpu.dma_semaphore, #tpu.memory_space<semaphore_mem>>
      %dma_start3A = arith.constant 0 : i32
      %dma_start3A_50 = tpu.memref_slice %arg7[%add3A_21, %dma_start3A] : memref<10000x16xf32, #tpu.memory_space<vmem_shared>> -> memref<40x16xf32, #tpu.memory_space<vmem_shared>>
      %dma_start3A_51 = arith.constant 0 : i32
      %dma_start3A_52 = tpu.memref_slice %arg7[%add3A_21, %dma_start3A_51] : memref<10000x16xf32, #tpu.memory_space<vmem_shared>> -> memref<40x16xf32, #tpu.memory_space<vmem_shared>>
      tpu.enqueue_dma source(%arg6 : memref<40x16xf32, #tpu.memory_space<vmem>>) target(%dma_start3A_52 : memref<40x16xf32, #tpu.memory_space<vmem_shared>>) target_semaphore(%run_scoped3A : memref<!tpu.dma_semaphore, #tpu.memory_space<semaphore_mem>>)
      %dma_wait3A = arith.constant 0 : i32
      %dma_wait3A_53 = tpu.memref_slice %arg7[%add3A_21, %dma_wait3A] : memref<10000x16xf32, #tpu.memory_space<vmem_shared>> -> memref<40x16xf32, #tpu.memory_space<vmem_shared>>
      %dma_wait3A_54 = arith.constant 0 : i32
      %dma_wait3A_55 = tpu.memref_slice %arg7[%add3A_21, %dma_wait3A_54] : memref<10000x16xf32, #tpu.memory_space<vmem_shared>> -> memref<40x16xf32, #tpu.memory_space<vmem_shared>>
      tpu.wait_dma2 semaphore(%run_scoped3A : memref<!tpu.dma_semaphore, #tpu.memory_space<semaphore_mem>>) src(%arg6 : memref<40x16xf32, #tpu.memory_space<vmem>>) dst(%dma_wait3A_55 : memref<40x16xf32, #tpu.memory_space<vmem_shared>>)
      tpu.yield
    }) : () -> ()
    %add3A_22 = arith.constant 240 : i32
    %add3A_23 = arith.addi %mul3A_2, %add3A_22 : i32
    "tpu.region"() ({
      %run_scoped3A = tpu.sem_alloc : memref<!tpu.dma_semaphore, #tpu.memory_space<semaphore_mem>>
      %dma_start3A = arith.constant 0 : i32
      %dma_start3A_50 = tpu.memref_slice %arg7[%add3A_23, %dma_start3A] : memref<10000x16xf32, #tpu.memory_space<vmem_shared>> -> memref<40x16xf32, #tpu.memory_space<vmem_shared>>
      %dma_start3A_51 = arith.constant 0 : i32
      %dma_start3A_52 = tpu.memref_slice %arg7[%add3A_23, %dma_start3A_51] : memref<10000x16xf32, #tpu.memory_space<vmem_shared>> -> memref<40x16xf32, #tpu.memory_space<vmem_shared>>
      tpu.enqueue_dma source(%arg6 : memref<40x16xf32, #tpu.memory_space<vmem>>) target(%dma_start3A_52 : memref<40x16xf32, #tpu.memory_space<vmem_shared>>) target_semaphore(%run_scoped3A : memref<!tpu.dma_semaphore, #tpu.memory_space<semaphore_mem>>)
      %dma_wait3A = arith.constant 0 : i32
      %dma_wait3A_53 = tpu.memref_slice %arg7[%add3A_23, %dma_wait3A] : memref<10000x16xf32, #tpu.memory_space<vmem_shared>> -> memref<40x16xf32, #tpu.memory_space<vmem_shared>>
      %dma_wait3A_54 = arith.constant 0 : i32
      %dma_wait3A_55 = tpu.memref_slice %arg7[%add3A_23, %dma_wait3A_54] : memref<10000x16xf32, #tpu.memory_space<vmem_shared>> -> memref<40x16xf32, #tpu.memory_space<vmem_shared>>
      tpu.wait_dma2 semaphore(%run_scoped3A : memref<!tpu.dma_semaphore, #tpu.memory_space<semaphore_mem>>) src(%arg6 : memref<40x16xf32, #tpu.memory_space<vmem>>) dst(%dma_wait3A_55 : memref<40x16xf32, #tpu.memory_space<vmem_shared>>)
      tpu.yield
    }) : () -> ()
    %add3A_24 = arith.constant 280 : i32
    %add3A_25 = arith.addi %mul3A_2, %add3A_24 : i32
    "tpu.region"() ({
      %run_scoped3A = tpu.sem_alloc : memref<!tpu.dma_semaphore, #tpu.memory_space<semaphore_mem>>
      %dma_start3A = arith.constant 0 : i32
      %dma_start3A_50 = tpu.memref_slice %arg7[%add3A_25, %dma_start3A] : memref<10000x16xf32, #tpu.memory_space<vmem_shared>> -> memref<40x16xf32, #tpu.memory_space<vmem_shared>>
      %dma_start3A_51 = arith.constant 0 : i32
      %dma_start3A_52 = tpu.memref_slice %arg7[%add3A_25, %dma_start3A_51] : memref<10000x16xf32, #tpu.memory_space<vmem_shared>> -> memref<40x16xf32, #tpu.memory_space<vmem_shared>>
      tpu.enqueue_dma source(%arg6 : memref<40x16xf32, #tpu.memory_space<vmem>>) target(%dma_start3A_52 : memref<40x16xf32, #tpu.memory_space<vmem_shared>>) target_semaphore(%run_scoped3A : memref<!tpu.dma_semaphore, #tpu.memory_space<semaphore_mem>>)
      %dma_wait3A = arith.constant 0 : i32
      %dma_wait3A_53 = tpu.memref_slice %arg7[%add3A_25, %dma_wait3A] : memref<10000x16xf32, #tpu.memory_space<vmem_shared>> -> memref<40x16xf32, #tpu.memory_space<vmem_shared>>
      %dma_wait3A_54 = arith.constant 0 : i32
      %dma_wait3A_55 = tpu.memref_slice %arg7[%add3A_25, %dma_wait3A_54] : memref<10000x16xf32, #tpu.memory_space<vmem_shared>> -> memref<40x16xf32, #tpu.memory_space<vmem_shared>>
      tpu.wait_dma2 semaphore(%run_scoped3A : memref<!tpu.dma_semaphore, #tpu.memory_space<semaphore_mem>>) src(%arg6 : memref<40x16xf32, #tpu.memory_space<vmem>>) dst(%dma_wait3A_55 : memref<40x16xf32, #tpu.memory_space<vmem_shared>>)
      tpu.yield
    }) : () -> ()
    %add3A_26 = arith.constant 320 : i32
    %add3A_27 = arith.addi %mul3A_2, %add3A_26 : i32
    "tpu.region"() ({
      %run_scoped3A = tpu.sem_alloc : memref<!tpu.dma_semaphore, #tpu.memory_space<semaphore_mem>>
      %dma_start3A = arith.constant 0 : i32
      %dma_start3A_50 = tpu.memref_slice %arg7[%add3A_27, %dma_start3A] : memref<10000x16xf32, #tpu.memory_space<vmem_shared>> -> memref<40x16xf32, #tpu.memory_space<vmem_shared>>
      %dma_start3A_51 = arith.constant 0 : i32
      %dma_start3A_52 = tpu.memref_slice %arg7[%add3A_27, %dma_start3A_51] : memref<10000x16xf32, #tpu.memory_space<vmem_shared>> -> memref<40x16xf32, #tpu.memory_space<vmem_shared>>
      tpu.enqueue_dma source(%arg6 : memref<40x16xf32, #tpu.memory_space<vmem>>) target(%dma_start3A_52 : memref<40x16xf32, #tpu.memory_space<vmem_shared>>) target_semaphore(%run_scoped3A : memref<!tpu.dma_semaphore, #tpu.memory_space<semaphore_mem>>)
      %dma_wait3A = arith.constant 0 : i32
      %dma_wait3A_53 = tpu.memref_slice %arg7[%add3A_27, %dma_wait3A] : memref<10000x16xf32, #tpu.memory_space<vmem_shared>> -> memref<40x16xf32, #tpu.memory_space<vmem_shared>>
      %dma_wait3A_54 = arith.constant 0 : i32
      %dma_wait3A_55 = tpu.memref_slice %arg7[%add3A_27, %dma_wait3A_54] : memref<10000x16xf32, #tpu.memory_space<vmem_shared>> -> memref<40x16xf32, #tpu.memory_space<vmem_shared>>
      tpu.wait_dma2 semaphore(%run_scoped3A : memref<!tpu.dma_semaphore, #tpu.memory_space<semaphore_mem>>) src(%arg6 : memref<40x16xf32, #tpu.memory_space<vmem>>) dst(%dma_wait3A_55 : memref<40x16xf32, #tpu.memory_space<vmem_shared>>)
      tpu.yield
    }) : () -> ()
    %add3A_28 = arith.constant 360 : i32
    %add3A_29 = arith.addi %mul3A_2, %add3A_28 : i32
    "tpu.region"() ({
      %run_scoped3A = tpu.sem_alloc : memref<!tpu.dma_semaphore, #tpu.memory_space<semaphore_mem>>
      %dma_start3A = arith.constant 0 : i32
      %dma_start3A_50 = tpu.memref_slice %arg7[%add3A_29, %dma_start3A] : memref<10000x16xf32, #tpu.memory_space<vmem_shared>> -> memref<40x16xf32, #tpu.memory_space<vmem_shared>>
      %dma_start3A_51 = arith.constant 0 : i32
      %dma_start3A_52 = tpu.memref_slice %arg7[%add3A_29, %dma_start3A_51] : memref<10000x16xf32, #tpu.memory_space<vmem_shared>> -> memref<40x16xf32, #tpu.memory_space<vmem_shared>>
      tpu.enqueue_dma source(%arg6 : memref<40x16xf32, #tpu.memory_space<vmem>>) target(%dma_start3A_52 : memref<40x16xf32, #tpu.memory_space<vmem_shared>>) target_semaphore(%run_scoped3A : memref<!tpu.dma_semaphore, #tpu.memory_space<semaphore_mem>>)
      %dma_wait3A = arith.constant 0 : i32
      %dma_wait3A_53 = tpu.memref_slice %arg7[%add3A_29, %dma_wait3A] : memref<10000x16xf32, #tpu.memory_space<vmem_shared>> -> memref<40x16xf32, #tpu.memory_space<vmem_shared>>
      %dma_wait3A_54 = arith.constant 0 : i32
      %dma_wait3A_55 = tpu.memref_slice %arg7[%add3A_29, %dma_wait3A_54] : memref<10000x16xf32, #tpu.memory_space<vmem_shared>> -> memref<40x16xf32, #tpu.memory_space<vmem_shared>>
      tpu.wait_dma2 semaphore(%run_scoped3A : memref<!tpu.dma_semaphore, #tpu.memory_space<semaphore_mem>>) src(%arg6 : memref<40x16xf32, #tpu.memory_space<vmem>>) dst(%dma_wait3A_55 : memref<40x16xf32, #tpu.memory_space<vmem_shared>>)
      tpu.yield
    }) : () -> ()
    %add3A_30 = arith.constant 400 : i32
    %add3A_31 = arith.addi %mul3A_2, %add3A_30 : i32
    "tpu.region"() ({
      %run_scoped3A = tpu.sem_alloc : memref<!tpu.dma_semaphore, #tpu.memory_space<semaphore_mem>>
      %dma_start3A = arith.constant 0 : i32
      %dma_start3A_50 = tpu.memref_slice %arg7[%add3A_31, %dma_start3A] : memref<10000x16xf32, #tpu.memory_space<vmem_shared>> -> memref<40x16xf32, #tpu.memory_space<vmem_shared>>
      %dma_start3A_51 = arith.constant 0 : i32
      %dma_start3A_52 = tpu.memref_slice %arg7[%add3A_31, %dma_start3A_51] : memref<10000x16xf32, #tpu.memory_space<vmem_shared>> -> memref<40x16xf32, #tpu.memory_space<vmem_shared>>
      tpu.enqueue_dma source(%arg6 : memref<40x16xf32, #tpu.memory_space<vmem>>) target(%dma_start3A_52 : memref<40x16xf32, #tpu.memory_space<vmem_shared>>) target_semaphore(%run_scoped3A : memref<!tpu.dma_semaphore, #tpu.memory_space<semaphore_mem>>)
      %dma_wait3A = arith.constant 0 : i32
      %dma_wait3A_53 = tpu.memref_slice %arg7[%add3A_31, %dma_wait3A] : memref<10000x16xf32, #tpu.memory_space<vmem_shared>> -> memref<40x16xf32, #tpu.memory_space<vmem_shared>>
      %dma_wait3A_54 = arith.constant 0 : i32
      %dma_wait3A_55 = tpu.memref_slice %arg7[%add3A_31, %dma_wait3A_54] : memref<10000x16xf32, #tpu.memory_space<vmem_shared>> -> memref<40x16xf32, #tpu.memory_space<vmem_shared>>
      tpu.wait_dma2 semaphore(%run_scoped3A : memref<!tpu.dma_semaphore, #tpu.memory_space<semaphore_mem>>) src(%arg6 : memref<40x16xf32, #tpu.memory_space<vmem>>) dst(%dma_wait3A_55 : memref<40x16xf32, #tpu.memory_space<vmem_shared>>)
      tpu.yield
    }) : () -> ()
    %add3A_32 = arith.constant 440 : i32
    %add3A_33 = arith.addi %mul3A_2, %add3A_32 : i32
    "tpu.region"() ({
      %run_scoped3A = tpu.sem_alloc : memref<!tpu.dma_semaphore, #tpu.memory_space<semaphore_mem>>
      %dma_start3A = arith.constant 0 : i32
      %dma_start3A_50 = tpu.memref_slice %arg7[%add3A_33, %dma_start3A] : memref<10000x16xf32, #tpu.memory_space<vmem_shared>> -> memref<40x16xf32, #tpu.memory_space<vmem_shared>>
      %dma_start3A_51 = arith.constant 0 : i32
      %dma_start3A_52 = tpu.memref_slice %arg7[%add3A_33, %dma_start3A_51] : memref<10000x16xf32, #tpu.memory_space<vmem_shared>> -> memref<40x16xf32, #tpu.memory_space<vmem_shared>>
      tpu.enqueue_dma source(%arg6 : memref<40x16xf32, #tpu.memory_space<vmem>>) target(%dma_start3A_52 : memref<40x16xf32, #tpu.memory_space<vmem_shared>>) target_semaphore(%run_scoped3A : memref<!tpu.dma_semaphore, #tpu.memory_space<semaphore_mem>>)
      %dma_wait3A = arith.constant 0 : i32
      %dma_wait3A_53 = tpu.memref_slice %arg7[%add3A_33, %dma_wait3A] : memref<10000x16xf32, #tpu.memory_space<vmem_shared>> -> memref<40x16xf32, #tpu.memory_space<vmem_shared>>
      %dma_wait3A_54 = arith.constant 0 : i32
      %dma_wait3A_55 = tpu.memref_slice %arg7[%add3A_33, %dma_wait3A_54] : memref<10000x16xf32, #tpu.memory_space<vmem_shared>> -> memref<40x16xf32, #tpu.memory_space<vmem_shared>>
      tpu.wait_dma2 semaphore(%run_scoped3A : memref<!tpu.dma_semaphore, #tpu.memory_space<semaphore_mem>>) src(%arg6 : memref<40x16xf32, #tpu.memory_space<vmem>>) dst(%dma_wait3A_55 : memref<40x16xf32, #tpu.memory_space<vmem_shared>>)
      tpu.yield
    }) : () -> ()
    %add3A_34 = arith.constant 480 : i32
    %add3A_35 = arith.addi %mul3A_2, %add3A_34 : i32
    "tpu.region"() ({
      %run_scoped3A = tpu.sem_alloc : memref<!tpu.dma_semaphore, #tpu.memory_space<semaphore_mem>>
      %dma_start3A = arith.constant 0 : i32
      %dma_start3A_50 = tpu.memref_slice %arg7[%add3A_35, %dma_start3A] : memref<10000x16xf32, #tpu.memory_space<vmem_shared>> -> memref<40x16xf32, #tpu.memory_space<vmem_shared>>
      %dma_start3A_51 = arith.constant 0 : i32
      %dma_start3A_52 = tpu.memref_slice %arg7[%add3A_35, %dma_start3A_51] : memref<10000x16xf32, #tpu.memory_space<vmem_shared>> -> memref<40x16xf32, #tpu.memory_space<vmem_shared>>
      tpu.enqueue_dma source(%arg6 : memref<40x16xf32, #tpu.memory_space<vmem>>) target(%dma_start3A_52 : memref<40x16xf32, #tpu.memory_space<vmem_shared>>) target_semaphore(%run_scoped3A : memref<!tpu.dma_semaphore, #tpu.memory_space<semaphore_mem>>)
      %dma_wait3A = arith.constant 0 : i32
      %dma_wait3A_53 = tpu.memref_slice %arg7[%add3A_35, %dma_wait3A] : memref<10000x16xf32, #tpu.memory_space<vmem_shared>> -> memref<40x16xf32, #tpu.memory_space<vmem_shared>>
      %dma_wait3A_54 = arith.constant 0 : i32
      %dma_wait3A_55 = tpu.memref_slice %arg7[%add3A_35, %dma_wait3A_54] : memref<10000x16xf32, #tpu.memory_space<vmem_shared>> -> memref<40x16xf32, #tpu.memory_space<vmem_shared>>
      tpu.wait_dma2 semaphore(%run_scoped3A : memref<!tpu.dma_semaphore, #tpu.memory_space<semaphore_mem>>) src(%arg6 : memref<40x16xf32, #tpu.memory_space<vmem>>) dst(%dma_wait3A_55 : memref<40x16xf32, #tpu.memory_space<vmem_shared>>)
      tpu.yield
    }) : () -> ()
    %add3A_36 = arith.constant 520 : i32
    %add3A_37 = arith.addi %mul3A_2, %add3A_36 : i32
    "tpu.region"() ({
      %run_scoped3A = tpu.sem_alloc : memref<!tpu.dma_semaphore, #tpu.memory_space<semaphore_mem>>
      %dma_start3A = arith.constant 0 : i32
      %dma_start3A_50 = tpu.memref_slice %arg7[%add3A_37, %dma_start3A] : memref<10000x16xf32, #tpu.memory_space<vmem_shared>> -> memref<40x16xf32, #tpu.memory_space<vmem_shared>>
      %dma_start3A_51 = arith.constant 0 : i32
      %dma_start3A_52 = tpu.memref_slice %arg7[%add3A_37, %dma_start3A_51] : memref<10000x16xf32, #tpu.memory_space<vmem_shared>> -> memref<40x16xf32, #tpu.memory_space<vmem_shared>>
      tpu.enqueue_dma source(%arg6 : memref<40x16xf32, #tpu.memory_space<vmem>>) target(%dma_start3A_52 : memref<40x16xf32, #tpu.memory_space<vmem_shared>>) target_semaphore(%run_scoped3A : memref<!tpu.dma_semaphore, #tpu.memory_space<semaphore_mem>>)
      %dma_wait3A = arith.constant 0 : i32
      %dma_wait3A_53 = tpu.memref_slice %arg7[%add3A_37, %dma_wait3A] : memref<10000x16xf32, #tpu.memory_space<vmem_shared>> -> memref<40x16xf32, #tpu.memory_space<vmem_shared>>
      %dma_wait3A_54 = arith.constant 0 : i32
      %dma_wait3A_55 = tpu.memref_slice %arg7[%add3A_37, %dma_wait3A_54] : memref<10000x16xf32, #tpu.memory_space<vmem_shared>> -> memref<40x16xf32, #tpu.memory_space<vmem_shared>>
      tpu.wait_dma2 semaphore(%run_scoped3A : memref<!tpu.dma_semaphore, #tpu.memory_space<semaphore_mem>>) src(%arg6 : memref<40x16xf32, #tpu.memory_space<vmem>>) dst(%dma_wait3A_55 : memref<40x16xf32, #tpu.memory_space<vmem_shared>>)
      tpu.yield
    }) : () -> ()
    %add3A_38 = arith.constant 560 : i32
    %add3A_39 = arith.addi %mul3A_2, %add3A_38 : i32
    "tpu.region"() ({
      %run_scoped3A = tpu.sem_alloc : memref<!tpu.dma_semaphore, #tpu.memory_space<semaphore_mem>>
      %dma_start3A = arith.constant 0 : i32
      %dma_start3A_50 = tpu.memref_slice %arg7[%add3A_39, %dma_start3A] : memref<10000x16xf32, #tpu.memory_space<vmem_shared>> -> memref<40x16xf32, #tpu.memory_space<vmem_shared>>
      %dma_start3A_51 = arith.constant 0 : i32
      %dma_start3A_52 = tpu.memref_slice %arg7[%add3A_39, %dma_start3A_51] : memref<10000x16xf32, #tpu.memory_space<vmem_shared>> -> memref<40x16xf32, #tpu.memory_space<vmem_shared>>
      tpu.enqueue_dma source(%arg6 : memref<40x16xf32, #tpu.memory_space<vmem>>) target(%dma_start3A_52 : memref<40x16xf32, #tpu.memory_space<vmem_shared>>) target_semaphore(%run_scoped3A : memref<!tpu.dma_semaphore, #tpu.memory_space<semaphore_mem>>)
      %dma_wait3A = arith.constant 0 : i32
      %dma_wait3A_53 = tpu.memref_slice %arg7[%add3A_39, %dma_wait3A] : memref<10000x16xf32, #tpu.memory_space<vmem_shared>> -> memref<40x16xf32, #tpu.memory_space<vmem_shared>>
      %dma_wait3A_54 = arith.constant 0 : i32
      %dma_wait3A_55 = tpu.memref_slice %arg7[%add3A_39, %dma_wait3A_54] : memref<10000x16xf32, #tpu.memory_space<vmem_shared>> -> memref<40x16xf32, #tpu.memory_space<vmem_shared>>
      tpu.wait_dma2 semaphore(%run_scoped3A : memref<!tpu.dma_semaphore, #tpu.memory_space<semaphore_mem>>) src(%arg6 : memref<40x16xf32, #tpu.memory_space<vmem>>) dst(%dma_wait3A_55 : memref<40x16xf32, #tpu.memory_space<vmem_shared>>)
      tpu.yield
    }) : () -> ()
    %add3A_40 = arith.constant 600 : i32
    %add3A_41 = arith.addi %mul3A_2, %add3A_40 : i32
    "tpu.region"() ({
      %run_scoped3A = tpu.sem_alloc : memref<!tpu.dma_semaphore, #tpu.memory_space<semaphore_mem>>
      %dma_start3A = arith.constant 0 : i32
      %dma_start3A_50 = arith.constant 0 : i32
      %dma_start3A_51 = tpu.memref_slice %arg6[%dma_start3A, %dma_start3A_50] : memref<40x16xf32, #tpu.memory_space<vmem>> -> memref<25x16xf32, #tpu.memory_space<vmem>>
      %dma_start3A_52 = arith.constant 0 : i32
      %dma_start3A_53 = tpu.memref_slice %arg7[%add3A_41, %dma_start3A_52] : memref<10000x16xf32, #tpu.memory_space<vmem_shared>> -> memref<25x16xf32, #tpu.memory_space<vmem_shared>>
      %dma_start3A_54 = arith.constant 0 : i32
      %dma_start3A_55 = tpu.memref_slice %arg7[%add3A_41, %dma_start3A_54] : memref<10000x16xf32, #tpu.memory_space<vmem_shared>> -> memref<25x16xf32, #tpu.memory_space<vmem_shared>>
      %dma_start3A_56 = arith.constant 0 : i32
      %dma_start3A_57 = arith.constant 0 : i32
      %dma_start3A_58 = tpu.memref_slice %arg6[%dma_start3A_56, %dma_start3A_57] : memref<40x16xf32, #tpu.memory_space<vmem>> -> memref<25x16xf32, #tpu.memory_space<vmem>>
      tpu.enqueue_dma source(%dma_start3A_58 : memref<25x16xf32, #tpu.memory_space<vmem>>) target(%dma_start3A_55 : memref<25x16xf32, #tpu.memory_space<vmem_shared>>) target_semaphore(%run_scoped3A : memref<!tpu.dma_semaphore, #tpu.memory_space<semaphore_mem>>)
      %dma_wait3A = arith.constant 0 : i32
      %dma_wait3A_59 = arith.constant 0 : i32
      %dma_wait3A_60 = tpu.memref_slice %arg6[%dma_wait3A, %dma_wait3A_59] : memref<40x16xf32, #tpu.memory_space<vmem>> -> memref<25x16xf32, #tpu.memory_space<vmem>>
      %dma_wait3A_61 = arith.constant 0 : i32
      %dma_wait3A_62 = tpu.memref_slice %arg7[%add3A_41, %dma_wait3A_61] : memref<10000x16xf32, #tpu.memory_space<vmem_shared>> -> memref<25x16xf32, #tpu.memory_space<vmem_shared>>
      %dma_wait3A_63 = arith.constant 0 : i32
      %dma_wait3A_64 = tpu.memref_slice %arg7[%add3A_41, %dma_wait3A_63] : memref<10000x16xf32, #tpu.memory_space<vmem_shared>> -> memref<25x16xf32, #tpu.memory_space<vmem_shared>>
      %dma_wait3A_65 = arith.constant 0 : i32
      %dma_wait3A_66 = arith.constant 0 : i32
      %dma_wait3A_67 = tpu.memref_slice %arg6[%dma_wait3A_65, %dma_wait3A_66] : memref<40x16xf32, #tpu.memory_space<vmem>> -> memref<25x16xf32, #tpu.memory_space<vmem>>
      tpu.wait_dma2 semaphore(%run_scoped3A : memref<!tpu.dma_semaphore, #tpu.memory_space<semaphore_mem>>) src(%dma_wait3A_67 : memref<25x16xf32, #tpu.memory_space<vmem>>) dst(%dma_wait3A_64 : memref<25x16xf32, #tpu.memory_space<vmem_shared>>)
      tpu.yield
    }) : () -> ()
    %barrier3A = arith.constant 0 : index
    tpu.barrier barrier_id(%barrier3A)
    %scan3A_42 = arith.constant 0 : i32
    %scan3A_43 = arith.constant 0 : i32
    %scan3A_44 = arith.constant 10 : i32
    %scan3A_45 = arith.addi %scan3A_43, %scan3A_44 : i32
    %scan3A_46 = arith.constant 1 : i32
    %scan3A_47 = scf.for %scan3A_50 = %scan3A_43 to %scan3A_45 step %scan3A_46 iter_args(%scan3A_51 = %scan3A_42) -> (i32)  : i32 {
      "tpu.region"() ({
        %run_scoped3A = tpu.sem_alloc : memref<!tpu.dma_semaphore, #tpu.memory_space<semaphore_mem>>
        %dma_start3A = arith.constant 0 : i32
        %dma_start3A_60 = arith.constant 0 : i32
        %dma_start3A_61 = tpu.memref_slice %arg2[%add3A, %scan3A_50, %dma_start3A, %dma_start3A_60] : memref<32x10x25x40xi32, #tpu.memory_space<hbm>> -> memref<1x1x25x40xi32, #tpu.memory_space<hbm>>
        %dma_start3A_62 = tpu.memref_squeeze %dma_start3A_61 : memref<1x1x25x40xi32, #tpu.memory_space<hbm>> -> memref<25x40xi32, #tpu.memory_space<hbm>>
        %dma_start3A_63 = arith.constant 0 : i32
        %dma_start3A_64 = arith.constant 0 : i32
        %dma_start3A_65 = tpu.memref_slice %arg2[%add3A, %scan3A_50, %dma_start3A_63, %dma_start3A_64] : memref<32x10x25x40xi32, #tpu.memory_space<hbm>> -> memref<1x1x25x40xi32, #tpu.memory_space<hbm>>
        %dma_start3A_66 = tpu.memref_squeeze %dma_start3A_65 : memref<1x1x25x40xi32, #tpu.memory_space<hbm>> -> memref<25x40xi32, #tpu.memory_space<hbm>>
        tpu.enqueue_dma source(%dma_start3A_66 : memref<25x40xi32, #tpu.memory_space<hbm>>) target(%arg4 : memref<25x40xi32, #tpu.memory_space<vmem>>) target_semaphore(%run_scoped3A : memref<!tpu.dma_semaphore, #tpu.memory_space<semaphore_mem>>)
        %dma_wait3A = arith.constant 0 : i32
        %dma_wait3A_67 = arith.constant 0 : i32
        %dma_wait3A_68 = tpu.memref_slice %arg2[%add3A, %scan3A_50, %dma_wait3A, %dma_wait3A_67] : memref<32x10x25x40xi32, #tpu.memory_space<hbm>> -> memref<1x1x25x40xi32, #tpu.memory_space<hbm>>
        %dma_wait3A_69 = tpu.memref_squeeze %dma_wait3A_68 : memref<1x1x25x40xi32, #tpu.memory_space<hbm>> -> memref<25x40xi32, #tpu.memory_space<hbm>>
        %dma_wait3A_70 = arith.constant 0 : i32
        %dma_wait3A_71 = arith.constant 0 : i32
        %dma_wait3A_72 = tpu.memref_slice %arg2[%add3A, %scan3A_50, %dma_wait3A_70, %dma_wait3A_71] : memref<32x10x25x40xi32, #tpu.memory_space<hbm>> -> memref<1x1x25x40xi32, #tpu.memory_space<hbm>>
        %dma_wait3A_73 = tpu.memref_squeeze %dma_wait3A_72 : memref<1x1x25x40xi32, #tpu.memory_space<hbm>> -> memref<25x40xi32, #tpu.memory_space<hbm>>
        tpu.wait_dma2 semaphore(%run_scoped3A : memref<!tpu.dma_semaphore, #tpu.memory_space<semaphore_mem>>) src(%dma_wait3A_73 : memref<25x40xi32, #tpu.memory_space<hbm>>) dst(%arg4 : memref<25x40xi32, #tpu.memory_space<vmem>>)
        tpu.yield
      }) : () -> ()
      %scan3A_52 = arith.constant 0 : i32
      %scan3A_53 = arith.constant 0 : i32
      %scan3A_54 = arith.constant 25 : i32
      %scan3A_55 = arith.addi %scan3A_53, %scan3A_54 : i32
      %scan3A_56 = arith.constant 1 : i32
      %scan3A_57 = scf.for %scan3A_60 = %scan3A_53 to %scan3A_55 step %scan3A_56 iter_args(%scan3A_61 = %scan3A_52) -> (i32)  : i32 {
        "tpu.region"() ({
          %run_scoped3A = tpu.sem_alloc : memref<!tpu.dma_semaphore, #tpu.memory_space<semaphore_mem>>
          %dma_start3A = arith.constant 0 : i32
          %dma_start3A_63 = tpu.memref_slice %arg4[%scan3A_60, %dma_start3A] : memref<25x40xi32, #tpu.memory_space<vmem>> -> memref<1x40xi32, #tpu.memory_space<vmem>>
          %dma_start3A_64 = tpu.memref_squeeze %dma_start3A_63 : memref<1x40xi32, #tpu.memory_space<vmem>> -> memref<40xi32, #tpu.memory_space<vmem>>
          %dma_start3A_65 = arith.constant 0 : i32
          %dma_start3A_66 = arith.constant 0 : i32
          %dma_start3A_67 = tpu.memref_slice %arg7[%dma_start3A_65, %dma_start3A_66] : memref<10000x16xf32, #tpu.memory_space<vmem_shared>> -> memref<10000x16xf32, #tpu.memory_space<vmem_shared>>
          tpu.enqueue_indirect_dma source(%arg5 : memref<40x16xf32, #tpu.memory_space<vmem>>) target(%dma_start3A_67 : memref<10000x16xf32, #tpu.memory_space<vmem_shared>>) offsets(%dma_start3A_64 : memref<40xi32, #tpu.memory_space<vmem>>) semaphore(%run_scoped3A : memref<!tpu.dma_semaphore, #tpu.memory_space<semaphore_mem>>) {add = true}
          %dma_wait3A = arith.constant 0 : i32
          %dma_wait3A_68 = tpu.memref_slice %arg4[%scan3A_60, %dma_wait3A] : memref<25x40xi32, #tpu.memory_space<vmem>> -> memref<1x40xi32, #tpu.memory_space<vmem>>
          %dma_wait3A_69 = tpu.memref_squeeze %dma_wait3A_68 : memref<1x40xi32, #tpu.memory_space<vmem>> -> memref<40xi32, #tpu.memory_space<vmem>>
          %dma_wait3A_70 = arith.constant 0 : i32
          %dma_wait3A_71 = arith.constant 0 : i32
          %dma_wait3A_72 = tpu.memref_slice %arg7[%dma_wait3A_70, %dma_wait3A_71] : memref<10000x16xf32, #tpu.memory_space<vmem_shared>> -> memref<10000x16xf32, #tpu.memory_space<vmem_shared>>
          tpu.wait_indirect_dma semaphore(%run_scoped3A : memref<!tpu.dma_semaphore, #tpu.memory_space<semaphore_mem>>) src(%arg5 : memref<40x16xf32, #tpu.memory_space<vmem>>) dst(%dma_wait3A_72 : memref<10000x16xf32, #tpu.memory_space<vmem_shared>>)
          tpu.yield
        }) : () -> ()
        %scan3A_62 = arith.constant 0 : i32
        scf.yield %scan3A_62 : i32
      }
      %scan3A_58 = arith.constant 25 : i32
      %scan3A_59 = arith.constant 0 : i32
      scf.yield %scan3A_59 : i32
    }
    %scan3A_48 = arith.constant 10 : i32
    %barrier3A_49 = arith.constant 0 : index
    tpu.barrier barrier_id(%barrier3A_49)
    "tpu.region"() ({
      %run_scoped3A = tpu.sem_alloc : memref<!tpu.dma_semaphore, #tpu.memory_space<semaphore_mem>>
      %dma_start3A = arith.constant 0 : i32
      %dma_start3A_50 = arith.constant 0 : i32
      %dma_start3A_51 = tpu.memref_slice %arg3[%arg0, %arg1, %dma_start3A, %dma_start3A_50] : memref<2x16x625x16xf32, #tpu.memory_space<hbm>> -> memref<1x1x625x16xf32, #tpu.memory_space<hbm>>
      %dma_start3A_52 = tpu.memref_squeeze %dma_start3A_51 : memref<1x1x625x16xf32, #tpu.memory_space<hbm>> -> memref<625x16xf32, #tpu.memory_space<hbm>>
      %dma_start3A_53 = arith.constant 0 : i32
      %dma_start3A_54 = tpu.memref_slice %arg7[%mul3A_2, %dma_start3A_53] : memref<10000x16xf32, #tpu.memory_space<vmem_shared>> -> memref<625x16xf32, #tpu.memory_space<vmem_shared>>
      tpu.enqueue_dma source(%dma_start3A_54 : memref<625x16xf32, #tpu.memory_space<vmem_shared>>) target(%dma_start3A_52 : memref<625x16xf32, #tpu.memory_space<hbm>>) target_semaphore(%run_scoped3A : memref<!tpu.dma_semaphore, #tpu.memory_space<semaphore_mem>>)
      %dma_wait3A = arith.constant 0 : i32
      %dma_wait3A_55 = arith.constant 0 : i32
      %dma_wait3A_56 = tpu.memref_slice %arg3[%arg0, %arg1, %dma_wait3A, %dma_wait3A_55] : memref<2x16x625x16xf32, #tpu.memory_space<hbm>> -> memref<1x1x625x16xf32, #tpu.memory_space<hbm>>
      %dma_wait3A_57 = tpu.memref_squeeze %dma_wait3A_56 : memref<1x1x625x16xf32, #tpu.memory_space<hbm>> -> memref<625x16xf32, #tpu.memory_space<hbm>>
      %dma_wait3A_58 = arith.constant 0 : i32
      %dma_wait3A_59 = tpu.memref_slice %arg7[%mul3A_2, %dma_wait3A_58] : memref<10000x16xf32, #tpu.memory_space<vmem_shared>> -> memref<625x16xf32, #tpu.memory_space<vmem_shared>>
      tpu.wait_dma2 semaphore(%run_scoped3A : memref<!tpu.dma_semaphore, #tpu.memory_space<semaphore_mem>>) src(%dma_wait3A_59 : memref<625x16xf32, #tpu.memory_space<vmem_shared>>) dst(%dma_wait3A_57 : memref<625x16xf32, #tpu.memory_space<hbm>>)
      tpu.yield
    }) : () -> ()
    return
  }
}

module attributes {stable_mosaic.version = 14 : i64} {
  func.func @body(%arg0: i32, %arg1: memref<1000x128xf32, #tpu.memory_space<vmem>>, %arg2: memref<128x128xf32, #tpu.memory_space<vmem>>, %arg3: memref<1x128xf32, #tpu.memory_space<vmem>>, %arg4: memref<128x128xf32, #tpu.memory_space<vmem>>, %arg5: memref<128x128xf32, #tpu.memory_space<vmem>>, %arg6: memref<1x128xf32, #tpu.memory_space<vmem>>, %arg7: memref<1000x128xf32, #tpu.memory_space<vmem>>, %arg8: memref<1000x128xf32, #tpu.memory_space<vmem>>) attributes {dimension_semantics = [#tpu.dimension_semantics<arbitrary>], iteration_bounds = array<i64: 10>, scalar_prefetch = 0 : i64, scratch_operands = 0 : i64, tpu.core_type = #tpu.core_type<tc>, window_params = [{transform_indices = @transform_0, window_bounds = array<i64: 1000, 128>}, {pipeline_mode = #tpu.pipeline_mode<synchronous>, transform_indices = @transform_1, window_bounds = array<i64: 128, 128>}, {pipeline_mode = #tpu.pipeline_mode<synchronous>, transform_indices = @transform_2, window_bounds = array<i64: 1, 128>}, {pipeline_mode = #tpu.pipeline_mode<synchronous>, transform_indices = @transform_3, window_bounds = array<i64: 128, 128>}, {pipeline_mode = #tpu.pipeline_mode<synchronous>, transform_indices = @transform_4, window_bounds = array<i64: 128, 128>}, {pipeline_mode = #tpu.pipeline_mode<synchronous>, transform_indices = @transform_5, window_bounds = array<i64: 1, 128>}, {transform_indices = @transform_6, window_bounds = array<i64: 1000, 128>}, {transform_indices = @transform_7, window_bounds = array<i64: 1000, 128>}]} {
    %get3A = arith.constant 0 : index
    %get3A_0 = arith.constant 0 : index
    %get3A_1 = vector.load %arg1[%get3A, %get3A_0] : memref<1000x128xf32, #tpu.memory_space<vmem>>, vector<1000x128xf32>
    %get3A_2 = arith.constant 0 : index
    %get3A_3 = arith.constant 0 : index
    %get3A_4 = vector.load %arg2[%get3A_2, %get3A_3] : memref<128x128xf32, #tpu.memory_space<vmem>>, vector<128x128xf32>
    %dot_general3A = arith.constant dense<0.000000e+00> : vector<1000x128xf32>
    %dot_general3A_5 = tpu.matmul %get3A_1, %get3A_4, %dot_general3A {dimension_numbers = #tpu.dot_dimension_numbers<[1], [0], [0], [1], [0, 0, 1, 1], [], []>, transpose_lhs_hint = false} : vector<1000x128xf32>, vector<128x128xf32>, vector<1000x128xf32> -> vector<1000x128xf32>
    %get3A_6 = arith.constant 0 : index
    %get3A_7 = arith.constant 0 : index
    %get3A_8 = vector.load %arg3[%get3A_6, %get3A_7] : memref<1x128xf32, #tpu.memory_space<vmem>>, vector<1x128xf32>
    %add3A = vector.broadcast %get3A_8 : vector<1x128xf32> to vector<1000x128xf32>
    %add3A_9 = arith.addf %dot_general3A_5, %add3A : vector<1000x128xf32>
    %get3A_10 = arith.constant 0 : index
    %get3A_11 = arith.constant 0 : index
    %get3A_12 = vector.load %arg4[%get3A_10, %get3A_11] : memref<128x128xf32, #tpu.memory_space<vmem>>, vector<128x128xf32>
    %dot_general3A_13 = arith.constant dense<0.000000e+00> : vector<1000x128xf32>
    %dot_general3A_14 = tpu.matmul %add3A_9, %get3A_12, %dot_general3A_13 {dimension_numbers = #tpu.dot_dimension_numbers<[1], [0], [0], [1], [0, 0, 1, 1], [], []>, transpose_lhs_hint = false} : vector<1000x128xf32>, vector<128x128xf32>, vector<1000x128xf32> -> vector<1000x128xf32>
    %swap3A = arith.constant 0 : index
    %swap3A_15 = arith.constant 0 : index
    %swap3A_16 = vector.load %arg7[%swap3A, %swap3A_15] : memref<1000x128xf32, #tpu.memory_space<vmem>>, vector<1000x128xf32>
    tpu.vector_store %arg7[%swap3A, %swap3A_15], %dot_general3A_14 {strides = array<i32>} : memref<1000x128xf32, #tpu.memory_space<vmem>>, vector<1000x128xf32>,
    %get3A_17 = arith.constant 0 : index
    %get3A_18 = arith.constant 0 : index
    %get3A_19 = vector.load %arg5[%get3A_17, %get3A_18] : memref<128x128xf32, #tpu.memory_space<vmem>>, vector<128x128xf32>
    %dot_general3A_20 = arith.constant dense<0.000000e+00> : vector<1000x128xf32>
    %dot_general3A_21 = tpu.matmul %add3A_9, %get3A_19, %dot_general3A_20 {dimension_numbers = #tpu.dot_dimension_numbers<[1], [0], [0], [1], [0, 0, 1, 1], [], []>, transpose_lhs_hint = false} : vector<1000x128xf32>, vector<128x128xf32>, vector<1000x128xf32> -> vector<1000x128xf32>
    %get3A_22 = arith.constant 0 : index
    %get3A_23 = arith.constant 0 : index
    %get3A_24 = vector.load %arg6[%get3A_22, %get3A_23] : memref<1x128xf32, #tpu.memory_space<vmem>>, vector<1x128xf32>
    %add3A_25 = vector.broadcast %get3A_24 : vector<1x128xf32> to vector<1000x128xf32>
    %add3A_26 = arith.addf %dot_general3A_21, %add3A_25 : vector<1000x128xf32>
    %swap3A_27 = arith.constant 0 : index
    %swap3A_28 = arith.constant 0 : index
    %swap3A_29 = vector.load %arg8[%swap3A_27, %swap3A_28] : memref<1000x128xf32, #tpu.memory_space<vmem>>, vector<1000x128xf32>
    tpu.vector_store %arg8[%swap3A_27, %swap3A_28], %add3A_26 {strides = array<i32>} : memref<1000x128xf32, #tpu.memory_space<vmem>>, vector<1000x128xf32>,
    return
  }
  func.func @transform_0(%arg0: i32) -> (i32, i32) {
    %c0_i32 = arith.constant 0 : i32
    %c0_i32_0 = arith.constant 0 : i32
    return %arg0, %c0_i32 : i32, i32
  }
  func.func @transform_1(%arg0: i32) -> (i32, i32) {
    %c0_i32 = arith.constant 0 : i32
    %c0_i32_0 = arith.constant 0 : i32
    %c0_i32_1 = arith.constant 0 : i32
    return %c0_i32, %c0_i32_0 : i32, i32
  }
  func.func @transform_2(%arg0: i32) -> (i32, i32) {
    %c0_i32 = arith.constant 0 : i32
    %c0_i32_0 = arith.constant 0 : i32
    %c0_i32_1 = arith.constant 0 : i32
    return %c0_i32, %c0_i32_0 : i32, i32
  }
  func.func @transform_3(%arg0: i32) -> (i32, i32) {
    %c0_i32 = arith.constant 0 : i32
    %c0_i32_0 = arith.constant 0 : i32
    %c0_i32_1 = arith.constant 0 : i32
    return %c0_i32, %c0_i32_0 : i32, i32
  }
  func.func @transform_4(%arg0: i32) -> (i32, i32) {
    %c0_i32 = arith.constant 0 : i32
    %c0_i32_0 = arith.constant 0 : i32
    %c0_i32_1 = arith.constant 0 : i32
    return %c0_i32, %c0_i32_0 : i32, i32
  }
  func.func @transform_5(%arg0: i32) -> (i32, i32) {
    %c0_i32 = arith.constant 0 : i32
    %c0_i32_0 = arith.constant 0 : i32
    %c0_i32_1 = arith.constant 0 : i32
    return %c0_i32, %c0_i32_0 : i32, i32
  }
  func.func @transform_6(%arg0: i32) -> (i32, i32) {
    %c0_i32 = arith.constant 0 : i32
    %c0_i32_0 = arith.constant 0 : i32
    return %arg0, %c0_i32 : i32, i32
  }
  func.func @transform_7(%arg0: i32) -> (i32, i32) {
    %c0_i32 = arith.constant 0 : i32
    %c0_i32_0 = arith.constant 0 : i32
    return %arg0, %c0_i32 : i32, i32
  }
}

module attributes {stable_mosaic.version = 14 : i64} {
  func.func @body(%arg0: i32, %arg1: memref<1000x128xf32, #tpu.memory_space<vmem>>, %arg2: memref<1000x128xf32, #tpu.memory_space<vmem>>, %arg3: memref<1000x16xf32, #tpu.memory_space<vmem>>, %arg4: memref<1000x16xf32, #tpu.memory_space<vmem>>, %arg5: memref<1000x128xf32, #tpu.memory_space<vmem>>, %arg6: memref<128x128xf32, #tpu.memory_space<vmem>>, %arg7: memref<128x128xf32, #tpu.memory_space<vmem>>, %arg8: memref<1x128xf32, #tpu.memory_space<vmem>>, %arg9: memref<1000x128xf32, #tpu.memory_space<vmem>>, %arg10: memref<1000x128xf32, #tpu.memory_space<vmem>>) attributes {dimension_semantics = [#tpu.dimension_semantics<arbitrary>], iteration_bounds = array<i64: 10>, scalar_prefetch = 0 : i64, scratch_operands = 0 : i64, tpu.core_type = #tpu.core_type<tc>, window_params = [{transform_indices = @transform_0, window_bounds = array<i64: 1000, 128>}, {transform_indices = @transform_1, window_bounds = array<i64: 1000, 128>}, {transform_indices = @transform_2, window_bounds = array<i64: 1000, 16>}, {transform_indices = @transform_3, window_bounds = array<i64: 1000, 16>}, {transform_indices = @transform_4, window_bounds = array<i64: 1000, 128>}, {pipeline_mode = #tpu.pipeline_mode<synchronous>, transform_indices = @transform_5, window_bounds = array<i64: 128, 128>}, {pipeline_mode = #tpu.pipeline_mode<synchronous>, transform_indices = @transform_6, window_bounds = array<i64: 128, 128>}, {pipeline_mode = #tpu.pipeline_mode<synchronous>, transform_indices = @transform_7, window_bounds = array<i64: 1, 128>}, {transform_indices = @transform_8, window_bounds = array<i64: 1000, 128>}, {transform_indices = @transform_9, window_bounds = array<i64: 1000, 128>}]} {
    %get3A = arith.constant 0 : index
    %get3A_0 = arith.constant 0 : index
    %get3A_1 = vector.load %arg3[%get3A, %get3A_0] : memref<1000x16xf32, #tpu.memory_space<vmem>>, vector<1000x1xf32>
    %get3A_2 = arith.constant 0 : index
    %get3A_3 = arith.constant 0 : index
    %get3A_4 = vector.load %arg4[%get3A_2, %get3A_3] : memref<1000x16xf32, #tpu.memory_space<vmem>>, vector<1000x1xf32>
    %add3A = arith.addf %get3A_1, %get3A_4 : vector<1000x1xf32>
    %max3A = arith.constant 1.000000e+00 : f32
    %max3A_5 = vector.broadcast %max3A : f32 to vector<1000x1xf32>
    %max3A_6 = arith.maximumf %add3A, %max3A_5 : vector<1000x1xf32>
    %get3A_7 = arith.constant 0 : index
    %get3A_8 = arith.constant 0 : index
    %get3A_9 = vector.load %arg1[%get3A_7, %get3A_8] : memref<1000x128xf32, #tpu.memory_space<vmem>>, vector<1000x128xf32>
    %get3A_10 = arith.constant 0 : index
    %get3A_11 = arith.constant 0 : index
    %get3A_12 = vector.load %arg2[%get3A_10, %get3A_11] : memref<1000x128xf32, #tpu.memory_space<vmem>>, vector<1000x128xf32>
    %add3A_13 = arith.addf %get3A_9, %get3A_12 : vector<1000x128xf32>
    %div3A = vector.broadcast %max3A_6 : vector<1000x1xf32> to vector<1000x128xf32>
    %div3A_14 = arith.divf %add3A_13, %div3A : vector<1000x128xf32>
    %get3A_15 = arith.constant 0 : index
    %get3A_16 = arith.constant 0 : index
    %get3A_17 = vector.load %arg5[%get3A_15, %get3A_16] : memref<1000x128xf32, #tpu.memory_space<vmem>>, vector<1000x128xf32>
    %add3A_18 = arith.addf %div3A_14, %get3A_17 : vector<1000x128xf32>
    %max3A_19 = arith.constant 0.000000e+00 : f32
    %max3A_20 = vector.broadcast %max3A_19 : f32 to vector<1000x128xf32>
    %max3A_21 = arith.maximumf %add3A_18, %max3A_20 : vector<1000x128xf32>
    %get3A_22 = arith.constant 0 : index
    %get3A_23 = arith.constant 0 : index
    %get3A_24 = vector.load %arg6[%get3A_22, %get3A_23] : memref<128x128xf32, #tpu.memory_space<vmem>>, vector<128x128xf32>
    %dot_general3A = arith.constant dense<0.000000e+00> : vector<1000x128xf32>
    %dot_general3A_25 = tpu.matmul %max3A_21, %get3A_24, %dot_general3A {dimension_numbers = #tpu.dot_dimension_numbers<[1], [0], [0], [1], [0, 0, 1, 1], [], []>, transpose_lhs_hint = false} : vector<1000x128xf32>, vector<128x128xf32>, vector<1000x128xf32> -> vector<1000x128xf32>
    %swap3A = arith.constant 0 : index
    %swap3A_26 = arith.constant 0 : index
    %swap3A_27 = vector.load %arg9[%swap3A, %swap3A_26] : memref<1000x128xf32, #tpu.memory_space<vmem>>, vector<1000x128xf32>
    tpu.vector_store %arg9[%swap3A, %swap3A_26], %dot_general3A_25 {strides = array<i32>} : memref<1000x128xf32, #tpu.memory_space<vmem>>, vector<1000x128xf32>,
    %get3A_28 = arith.constant 0 : index
    %get3A_29 = arith.constant 0 : index
    %get3A_30 = vector.load %arg7[%get3A_28, %get3A_29] : memref<128x128xf32, #tpu.memory_space<vmem>>, vector<128x128xf32>
    %dot_general3A_31 = arith.constant dense<0.000000e+00> : vector<1000x128xf32>
    %dot_general3A_32 = tpu.matmul %max3A_21, %get3A_30, %dot_general3A_31 {dimension_numbers = #tpu.dot_dimension_numbers<[1], [0], [0], [1], [0, 0, 1, 1], [], []>, transpose_lhs_hint = false} : vector<1000x128xf32>, vector<128x128xf32>, vector<1000x128xf32> -> vector<1000x128xf32>
    %get3A_33 = arith.constant 0 : index
    %get3A_34 = arith.constant 0 : index
    %get3A_35 = vector.load %arg8[%get3A_33, %get3A_34] : memref<1x128xf32, #tpu.memory_space<vmem>>, vector<1x128xf32>
    %add3A_36 = vector.broadcast %get3A_35 : vector<1x128xf32> to vector<1000x128xf32>
    %add3A_37 = arith.addf %dot_general3A_32, %add3A_36 : vector<1000x128xf32>
    %swap3A_38 = arith.constant 0 : index
    %swap3A_39 = arith.constant 0 : index
    %swap3A_40 = vector.load %arg10[%swap3A_38, %swap3A_39] : memref<1000x128xf32, #tpu.memory_space<vmem>>, vector<1000x128xf32>
    tpu.vector_store %arg10[%swap3A_38, %swap3A_39], %add3A_37 {strides = array<i32>} : memref<1000x128xf32, #tpu.memory_space<vmem>>, vector<1000x128xf32>,
    return
  }
  func.func @transform_0(%arg0: i32) -> (i32, i32) {
    %c0_i32 = arith.constant 0 : i32
    %c0_i32_0 = arith.constant 0 : i32
    return %arg0, %c0_i32 : i32, i32
  }
  func.func @transform_1(%arg0: i32) -> (i32, i32) {
    %c0_i32 = arith.constant 0 : i32
    %c0_i32_0 = arith.constant 0 : i32
    return %arg0, %c0_i32 : i32, i32
  }
  func.func @transform_2(%arg0: i32) -> (i32, i32) {
    %c0_i32 = arith.constant 0 : i32
    %c0_i32_0 = arith.constant 0 : i32
    return %arg0, %c0_i32 : i32, i32
  }
  func.func @transform_3(%arg0: i32) -> (i32, i32) {
    %c0_i32 = arith.constant 0 : i32
    %c0_i32_0 = arith.constant 0 : i32
    return %arg0, %c0_i32 : i32, i32
  }
  func.func @transform_4(%arg0: i32) -> (i32, i32) {
    %c0_i32 = arith.constant 0 : i32
    %c0_i32_0 = arith.constant 0 : i32
    return %arg0, %c0_i32 : i32, i32
  }
  func.func @transform_5(%arg0: i32) -> (i32, i32) {
    %c0_i32 = arith.constant 0 : i32
    %c0_i32_0 = arith.constant 0 : i32
    %c0_i32_1 = arith.constant 0 : i32
    return %c0_i32, %c0_i32_0 : i32, i32
  }
  func.func @transform_6(%arg0: i32) -> (i32, i32) {
    %c0_i32 = arith.constant 0 : i32
    %c0_i32_0 = arith.constant 0 : i32
    %c0_i32_1 = arith.constant 0 : i32
    return %c0_i32, %c0_i32_0 : i32, i32
  }
  func.func @transform_7(%arg0: i32) -> (i32, i32) {
    %c0_i32 = arith.constant 0 : i32
    %c0_i32_0 = arith.constant 0 : i32
    %c0_i32_1 = arith.constant 0 : i32
    return %c0_i32, %c0_i32_0 : i32, i32
  }
  func.func @transform_8(%arg0: i32) -> (i32, i32) {
    %c0_i32 = arith.constant 0 : i32
    %c0_i32_0 = arith.constant 0 : i32
    return %arg0, %c0_i32 : i32, i32
  }
  func.func @transform_9(%arg0: i32) -> (i32, i32) {
    %c0_i32 = arith.constant 0 : i32
    %c0_i32_0 = arith.constant 0 : i32
    return %arg0, %c0_i32 : i32, i32
  }
}

module attributes {stable_mosaic.version = 14 : i64} {
  func.func @body(%arg0: i32, %arg1: memref<1000x128xf32, #tpu.memory_space<vmem>>, %arg2: memref<1000x128xf32, #tpu.memory_space<vmem>>, %arg3: memref<1000x16xf32, #tpu.memory_space<vmem>>, %arg4: memref<1000x16xf32, #tpu.memory_space<vmem>>, %arg5: memref<1000x128xf32, #tpu.memory_space<vmem>>, %arg6: memref<1000x128xf32, #tpu.memory_space<vmem>>) attributes {dimension_semantics = [#tpu.dimension_semantics<arbitrary>], iteration_bounds = array<i64: 10>, scalar_prefetch = 0 : i64, scratch_operands = 0 : i64, tpu.core_type = #tpu.core_type<tc>, window_params = [{transform_indices = @transform_0, window_bounds = array<i64: 1000, 128>}, {transform_indices = @transform_1, window_bounds = array<i64: 1000, 128>}, {transform_indices = @transform_2, window_bounds = array<i64: 1000, 16>}, {transform_indices = @transform_3, window_bounds = array<i64: 1000, 16>}, {transform_indices = @transform_4, window_bounds = array<i64: 1000, 128>}, {transform_indices = @transform_5, window_bounds = array<i64: 1000, 128>}]} {
    %get3A = arith.constant 0 : index
    %get3A_0 = arith.constant 0 : index
    %get3A_1 = vector.load %arg3[%get3A, %get3A_0] : memref<1000x16xf32, #tpu.memory_space<vmem>>, vector<1000x1xf32>
    %get3A_2 = arith.constant 0 : index
    %get3A_3 = arith.constant 0 : index
    %get3A_4 = vector.load %arg4[%get3A_2, %get3A_3] : memref<1000x16xf32, #tpu.memory_space<vmem>>, vector<1000x1xf32>
    %add3A = arith.addf %get3A_1, %get3A_4 : vector<1000x1xf32>
    %max3A = arith.constant 1.000000e+00 : f32
    %max3A_5 = vector.broadcast %max3A : f32 to vector<1000x1xf32>
    %max3A_6 = arith.maximumf %add3A, %max3A_5 : vector<1000x1xf32>
    %get3A_7 = arith.constant 0 : index
    %get3A_8 = arith.constant 0 : index
    %get3A_9 = vector.load %arg1[%get3A_7, %get3A_8] : memref<1000x128xf32, #tpu.memory_space<vmem>>, vector<1000x128xf32>
    %get3A_10 = arith.constant 0 : index
    %get3A_11 = arith.constant 0 : index
    %get3A_12 = vector.load %arg2[%get3A_10, %get3A_11] : memref<1000x128xf32, #tpu.memory_space<vmem>>, vector<1000x128xf32>
    %add3A_13 = arith.addf %get3A_9, %get3A_12 : vector<1000x128xf32>
    %div3A = vector.broadcast %max3A_6 : vector<1000x1xf32> to vector<1000x128xf32>
    %div3A_14 = arith.divf %add3A_13, %div3A : vector<1000x128xf32>
    %get3A_15 = arith.constant 0 : index
    %get3A_16 = arith.constant 0 : index
    %get3A_17 = vector.load %arg5[%get3A_15, %get3A_16] : memref<1000x128xf32, #tpu.memory_space<vmem>>, vector<1000x128xf32>
    %add3A_18 = arith.addf %div3A_14, %get3A_17 : vector<1000x128xf32>
    %mul3A = arith.mulf %add3A_18, %add3A_18 : vector<1000x128xf32>
    %reduce_sum3A = arith.constant dense<0.000000e+00> : vector<1000xf32>
    %reduce_sum3A_19 = vector.multi_reduction <add>, %mul3A, %reduce_sum3A [1] : vector<1000x128xf32> to vector<1000xf32>
    %broadcast_in_dim3A = vector.shape_cast %reduce_sum3A_19 : vector<1000xf32> to vector<1000x1xf32>
    %sqrt3A = math.sqrt %broadcast_in_dim3A : vector<1000x1xf32>
    %max3A_20 = arith.constant 9.99999996E-13 : f32
    %max3A_21 = vector.broadcast %max3A_20 : f32 to vector<1000x1xf32>
    %max3A_22 = arith.maximumf %sqrt3A, %max3A_21 : vector<1000x1xf32>
    %div3A_23 = vector.broadcast %max3A_22 : vector<1000x1xf32> to vector<1000x128xf32>
    %div3A_24 = arith.divf %add3A_18, %div3A_23 : vector<1000x128xf32>
    %swap3A = arith.constant 0 : index
    %swap3A_25 = arith.constant 0 : index
    %swap3A_26 = vector.load %arg6[%swap3A, %swap3A_25] : memref<1000x128xf32, #tpu.memory_space<vmem>>, vector<1000x128xf32>
    tpu.vector_store %arg6[%swap3A, %swap3A_25], %div3A_24 {strides = array<i32>} : memref<1000x128xf32, #tpu.memory_space<vmem>>, vector<1000x128xf32>,
    return
  }
  func.func @transform_0(%arg0: i32) -> (i32, i32) {
    %c0_i32 = arith.constant 0 : i32
    %c0_i32_0 = arith.constant 0 : i32
    return %arg0, %c0_i32 : i32, i32
  }
  func.func @transform_1(%arg0: i32) -> (i32, i32) {
    %c0_i32 = arith.constant 0 : i32
    %c0_i32_0 = arith.constant 0 : i32
    return %arg0, %c0_i32 : i32, i32
  }
  func.func @transform_2(%arg0: i32) -> (i32, i32) {
    %c0_i32 = arith.constant 0 : i32
    %c0_i32_0 = arith.constant 0 : i32
    return %arg0, %c0_i32 : i32, i32
  }
  func.func @transform_3(%arg0: i32) -> (i32, i32) {
    %c0_i32 = arith.constant 0 : i32
    %c0_i32_0 = arith.constant 0 : i32
    return %arg0, %c0_i32 : i32, i32
  }
  func.func @transform_4(%arg0: i32) -> (i32, i32) {
    %c0_i32 = arith.constant 0 : i32
    %c0_i32_0 = arith.constant 0 : i32
    return %arg0, %c0_i32 : i32, i32
  }
  func.func @transform_5(%arg0: i32) -> (i32, i32) {
    %c0_i32 = arith.constant 0 : i32
    %c0_i32_0 = arith.constant 0 : i32
    return %arg0, %c0_i32 : i32, i32
  }
}

</mosaic_0001>

<sc_bundles>
// kernel: kernel.11.cloned.1.call-start
scs
__scs_entry_jumppad:
0x0: {  	(pc) =	sbr.rel $0x88, $3  }
0x1: {  	(tag) =	ssettag $0x0;
	lr =	simm.s32 $0x1  }
0x2: {  	[smem:$0x3F97] =	sst lr;
	_ =	strace $0xD0000000  }
0x3: {  	_ = 	snop  }
0x4: {  	_ = 	snop  }
0x5: {  	_ = 	snop  }
0x6: {  	_ = 	snop  }
0x7: {  	_ = 	snop  }
__scs_overlays_trampoline_lowered:
0x8: {  	[smem:$0x3FA6] =	sst s0  }
0x9: {  	[smem:$0x3FA7] =	sst s1  }
0xa: {  	[smem:$0x3FA8] =	sst s2  }
0xb: {  	[smem:$0x3FA9] =	sst s3  }
0xc: {  	[smem:$0x3FAA] =	sst s4  }
0xd: {  	[smem:$0x3FAB] =	sst s5  }
0xe: {  	[smem:$0x3FAC] =	sst s6  }
0xf: {  	[smem:$0x3FAD] =	sst s7  }
0x10: {  	[smem:$0x3FAE] =	sst s8  }
0x11: {  	[smem:$0x3FAF] =	sst s9;
	s0 =	simm.s32 @!p0 $0x0  }
0x12: {  	s1 =	sld [smem:$0x3F95];
	s0 =	simm.s32 @p0 $0x1  }
0x13: {  	[smem:$0x3FB0] =	sst s0;
	s0 =	simm.s32 @!p1 $0x0  }
0x14: {  	s2 =	sld [smem:$0x3F94];
	s0 =	simm.s32 @p1 $0x1  }
0x15: {  	[smem:$0x3FB1] =	sst s0;
	s0 =	simm.s32 @!p2 $0x0  }
0x16: {  	s3 =	sld [smem:$0x3FDB];
	s0 =	simm.s32 @p2 $0x1  }
0x17: {  	s4 =	simm.s32 $0x1BF5;
	[smem:$0x3FB3] =	sst s0  }
0x18: {  	s0 =	sld [smem:$0x3F96];
	_ =	swait.ge [sflag:s4], $0x0  }
0x19: {  	s7 =	sld [smem:$0x3F97]  }
0x1a: {  	s8 =	sadd.s32 $0xFFFFE003, lr  }
0x1b: {  	s9 =	sadd.s32 $0xFFFFFEF7, lr;
	s5 =	simm.s32 $0xFFFFFFFF;
	p2 =	slt.u32 s8, $0xFFFFF086  }
0x1c: {  	p1 =	slt.u32 s9, $0xF7A;
	s5 =	simm.s32 @!p2 $0x0  }
0x1d: {  	s5 =	simm.s32 @p1 $0x1;
	p0 =	seq.s32 s7, s2  }
0x1e: {  	s7 =	smul.u32 @!p0 $0xF7A, s2;
	p2 =	seq.s32 @!p0 s5, $0x0  }
0x1f: {  	s9 =	smul.u32 $0xF7A, s1;
	s8 =	simm.s32 @!p0 $0x1BF5;
	p2 =	por !p2, p0  }
0x20: {  	[sflag:s8] =	ssyncset.s32 @!p0 $0xFFFFF086;
	s6 =	sadd.s32 @!p0 s3, s7;
	s7 =	simm.s32 @!p0 $0x108  }
0x21: {  	s3 =	sadd.s32 s3, s9;
	s6 =	sadd.s32 @!p0 $0x88, s6;
	s7 =	simm.s32 @p2 $0x1082  }
0x22: {  	[simem:s7], [sflag:s8] =	dma.local @!p0 [hbm:s6], $0xF7A  }
0x23: {  	s9 =	sor.u32 $0xD0000000, s2;
	s6 =	simm.s32 $0x108;
	_ =	swait.ge @!p0 [sflag:s8], $0x0  }
0x24: {  	s3 =	sadd.s32 $0x88, s3;
	s6 =	simm.s32 @!p1 $0x1082;
	[sflag:s4] =	ssyncset.s32 $0xFFFFF086  }
0x25: {  	[simem:s6], [sflag:s4] =	dma.local [hbm:s3], $0xF7A  }
0x26: {  	[smem:$0x3F97] =	sst s1;
	(tag) =	ssettag s2;
	_ =	strace s9  }
0x27: {  	s1 =	sld [smem:$0x3FA7]  }
0x28: {  	s2 =	sld [smem:$0x3FA8]  }
0x29: {  	s4 =	sld [smem:$0x3FAA]  }
0x2a: {  	p0 =	seq.s32 s5, $0x0;
	s5 =	sld [smem:$0x3FAB]  }
0x2b: {  	s6 =	sld [smem:$0x3FAC]  }
0x2c: {  	s7 =	sld [smem:$0x3FAD]  }
0x2d: {  	s3 =	simm.s32 $0x108;
	s8 =	sld [smem:$0x3FAE]  }
0x2e: {  	s3 =	simm.s32 @!p0 $0x1082;
	s9 =	sld [smem:$0x3FAF]  }
0x2f: {  	lr =	sadd.s32 s0, s3;
	s0 =	sld [smem:$0x3FA6]  }
0x30: {  	s3 =	sld [smem:$0x3FA9]  }
0x31: {  	[smem:$0x3FB2] =	sst s10  }
0x32: {  	s10 =	sld [smem:$0x3FB0];
	_ =	sdelay $0x3  }
0x33: {  	p0 =	seq.s32 s10, $0x1;
	s10 =	sld [smem:$0x3FB2];
	_ =	sdelay $0x3  }
0x34: {  	[smem:$0x3FB2] =	sst s10  }
0x35: {  	s10 =	sld [smem:$0x3FB1];
	_ =	sdelay $0x3  }
0x36: {  	p1 =	seq.s32 s10, $0x1;
	s10 =	sld [smem:$0x3FB2];
	_ =	sdelay $0x3  }
0x37: {  	[smem:$0x3FB2] =	sst s10  }
0x38: {  	s10 =	sld [smem:$0x3FB3]  }
0x39: {  	_ = 	snop;
	(pc) =	sbr.ind lr, $3  }
0x3a: {  	_ = 	snop  }
0x3b: {  	_ = 	snop  }
0x3c: {  	p2 =	seq.s32 s10, $0x1;
	s10 =	sld [smem:$0x3FB2]  }
0x3d: {  	_ =	shalt  }
0x3e: {  	_ =	shalt  }
0x3f: {  	_ =	shalt  }
0x40: {  	_ =	shalt  }
0x41: {  	_ =	shalt  }
0x42: {  	_ =	shalt  }
0x43: {  	_ =	shalt  }
0x44: {  	_ =	shalt  }
0x45: {  	_ =	shalt  }
0x46: {  	_ =	shalt  }
0x47: {  	_ =	shalt  }
0x48: {  	_ =	shalt  }
0x49: {  	_ =	shalt  }
0x4a: {  	_ =	shalt  }
0x4b: {  	_ =	shalt  }
0x4c: {  	_ =	shalt  }
0x4d: {  	_ =	shalt  }
0x4e: {  	_ =	shalt  }
0x4f: {  	_ =	shalt  }
0x50: {  	_ =	shalt  }
0x51: {  	_ =	shalt  }
0x52: {  	_ =	shalt  }
0x53: {  	_ =	shalt  }
0x54: {  	_ =	shalt  }
0x55: {  	_ =	shalt  }
0x56: {  	_ =	shalt  }
0x57: {  	_ =	shalt  }
0x58: {  	_ =	shalt  }
0x59: {  	_ =	shalt  }
0x5a: {  	_ =	shalt  }
0x5b: {  	_ =	shalt  }
0x5c: {  	_ =	shalt  }
0x5d: {  	_ =	shalt  }
0x5e: {  	_ =	shalt  }
0x5f: {  	_ =	shalt  }
0x60: {  	_ =	shalt  }
0x61: {  	_ =	shalt  }
0x62: {  	_ =	shalt  }
0x63: {  	_ =	shalt  }
0x64: {  	_ =	shalt  }
0x65: {  	_ =	shalt  }
0x66: {  	_ =	shalt  }
0x67: {  	_ =	shalt  }
0x68: {  	_ =	shalt  }
0x69: {  	_ =	shalt  }
0x6a: {  	_ =	shalt  }
0x6b: {  	_ =	shalt  }
0x6c: {  	_ =	shalt  }
0x6d: {  	_ =	shalt  }
0x6e: {  	_ =	shalt  }
0x6f: {  	_ =	shalt  }
0x70: {  	_ =	shalt  }
0x71: {  	_ =	shalt  }
0x72: {  	_ =	shalt  }
0x73: {  	_ =	shalt  }
0x74: {  	_ =	shalt  }
0x75: {  	_ =	shalt  }
0x76: {  	_ =	shalt  }
0x77: {  	_ =	shalt  }
0x78: {  	_ =	shalt  }
0x79: {  	_ =	shalt  }
0x7a: {  	_ =	shalt  }
0x7b: {  	_ =	shalt  }
0x7c: {  	_ =	shalt  }
0x7d: {  	_ =	shalt  }
0x7e: {  	_ =	shalt  }
0x7f: {  	_ =	shalt  }
0x80: {  	_ =	shalt  }
0x81: {  	_ =	shalt  }
0x82: {  	_ =	shalt  }
0x83: {  	_ =	shalt  }
0x84: {  	_ =	shalt  }
0x85: {  	_ =	shalt  }
0x86: {  	_ =	shalt  }
0x87: {  	_ =	shalt  }
.Lfunc_end0:
.L_simem_size_0:
called_computation.1_lowered:
.L_overlay_start_0:
0x88: {  	s2 =	sld [smem:$0x3FD9]  }
0x89: {  	s3 =	sld [smem:$0x3FFE];
	_ =	sdelay $0x1  }
0x8a: {  	s1 =	srdreg.scid  }
0x8b: {  	s0 =	sand.u32 $0x1, s1  }
0x8c: {  	s17 =	sshll.u32 s0, $0xA;
	s2 =	sadd.s32 s3, s2  }
0x8d: {  	s2 =	sadd.s32 s2, s17  }
0x8e: {  	[smem:$0x3FBE] =	sst s2  }
0x8f: {  	_ = 	snop  }
0x90: {  	s2 =	sld [smem:$0x3FD0];
	(tm) =	ssettm $0x1  }
0x91: {  	s18 =	sld [smem:$0x3FFB];
	_ =	sdelay $0x3  }
0x92: {  	_ =	strace s18  }
0x93: {  	s3 =	sld [smem:$0x3FFC];
	_ =	sdelay $0x3  }
0x94: {  	_ =	strace s3  }
0x95: {  	s3 =	sld [smem:$0x3FFD];
	_ =	sdelay $0x3  }
0x96: {  	_ =	strace s3  }
0x97: {  	_ =	strace $0x8FFFFFFF  }
0x98: {  	s19 =	sld [smem:$0x3FDB];
	_ =	sdelay $0x1  }
0x99: {  	s4 =	simm.s32 $_scs_section_size  }
0x9a: {  	s5 =	simm.s32 $_size__tile_overlayer_lowered;
	s6 =	simm.s32 $_tile_overlayer_lowered  }
0x9b: {  	s22 =	simm.s32 $0x1BFF;
	s21 =	sshll.u32 s6, $0x1;
	s3 =	sadd.s32 s4, s19  }
0x9c: {  	s7 =	simm.s32 $0x0;
	s20 =	sshll.u32 s5, $0x1;
	s5 =	sadd.s32 s21, s3  }
0x9d: {  	[timem:s7], [sflag:s22] =	dma.local [hbm:s5], s20  }
0x9e: {  	_ =	swait.ge [sflag:s22], s20  }
0x9f: {  	s4 =	ssub.s32 $0x0, s20;
	[sflag:s22] =	ssyncset.done $0x0  }
0xa0: {  	[sflag:s22] =	ssyncadd.s32 s4;
	_ =	sdelay $0x1  }
0xa1: {  	s23 =	simm.s32 $0x1B8B  }
0xa2: {  	_ =	swait.ge [sflag:s23], $0x1  }
0xa3: {  	[sflag:s23] =	ssyncset.done $0x0  }
0xa4: {  	s25 =	simm.s32 $0x1B8E;
	s24 =	sld [smem:$0x3FFE];
	[sflag:s23] =	ssyncadd.s32 $0xFFFFFFFF  }
0xa5: {  	s26 =	simm.s32 $execute0_lowered;
	[smem:$0x3FD2] =	sst s25  }
0xa6: {  	s5 =	sshll.u32 s26, $0x1;
	_ =	strace $0x80000046;
	[dreg:$0x1] =	wrdreg $0xFFFFFFFF  }
0xa7: {  	s28 =	simm.s32 $_size_execute0_lowered;
	s3 =	sadd.s32 s3, s5;
	[dreg:$0x0] =	wrdreg $0x0  }
0xa8: {  	s5 =	sshll.u32 s28, $0x1;
	[dreg:$0x2] =	wrdreg s3  }
0xa9: {  	[dreg:$0x3] =	wrdreg s5  }
0xaa: {  	[dreg:$0x4] =	wrdreg $0xC0  }
0xab: {  	_ =	task [dreg:s7], $0x5FFFF  }
0xac: {  	[dreg:$0x1] =	wrdreg $0xFFFFFFFF  }
0xad: {  	[dreg:$0x0] =	wrdreg $0x60  }
0xae: {  	[dreg:$0x2] =	wrdreg s24  }
0xaf: {  	[dreg:$0x3] =	wrdreg s2  }
0xb0: {  	[dreg:$0x4] =	wrdreg $0x34000  }
0xb1: {  	[dreg:$0x5] =	wrdreg $0xA  }
0xb2: {  	_ =	task.clear_ibuf [dreg:s7], $0x6FFFF;
	_ =	strace $0x90000046  }
0xb3: {  	s29 =	simm.s32 $0xA;
	_ =	strace $0x80000048  }
0xb4: {  	_ =	swait.ge [sflag:s29], $0x1  }
0xb5: {  	[sflag:s29] =	ssyncadd.s32 $0xFFFFFFFF  }
0xb6: {  	_ =	strace $0x90000048  }
0xb7: {  	_ =	sfence  }
0xb8: {  	s30 =	sld [smem:$0x0];
	_ =	sdelay $0x2  }
0xb9: {  	s31 =	sshll.u32 s1, $0xD;
	s1 =	sshrl.u32 s1, $0x2  }
0xba: {  	s3 =	sand.u32 $0x4000, s31;
	s1 =	sadd.s32 s1, s30  }
0xbb: {  	s0 =	sor.u32 s3, s0;
	s1 =	sshll.u32 s1, $0x11  }
0xbc: {  	s0 =	sor.u32 s1, s0  }
0xbd: {  	s0 =	sadd.s32 $0x8F2B, s0  }
0xbe: {  	[sflag:s0] =	ssyncadd.remote.s32 $0x1  }
0xbf: {  	_ =	sfence.sel $0xFFFF  }
0xc0: {  	[dreg:$0x0] =	wrdreg $0xFFFFFFFF;
	(pc) =	sbr.abs _section_cstart, $3  }
0xc1: {  	[dreg:$0x1] =	wrdreg $0xFFFFFFFF  }
0xc2: {  	_ =	task.clear_ibuf [dreg:s7], $0x2FFFF;
	_ =	strace $0x9FFFFFFF  }
0xc3: {  	(tm) =	ssettm $0x7FFFFFFF  }
tec
execute0_lowered:
.L_overlay_start_1:
0x0: {  	(tag) =	ssettag $0x1  }
0x1: {  	s0 =	rddreg [dreg:$0x0]  }
0x2: {  	s1 =	rddreg [dreg:$0x1]  }
0x3: {  	s2 =	rddreg [dreg:$0x2]  }
0x4: {  	s3 =	srdreg.scid;
	s4 =	simm.s32 $0x0;
	s10 =	stileid.u32  }
0x5: {  	s28 =	simm.s32 $0x2;
	s29 =	simm.s32 $0x1000;
	s30 =	simm.s32 $0x28  }
0x6: {  	s31 =	simm.s32 $0x1;
	s3 =	sand.u32 $0x1, s3;
	s7 =	smul.u32 $0x14000, s10  }
0x7: {  	[smem:$0x7FF] =	sst s4;
	s5 =	sadd.s32 $0x2BE00, s0;
	s6 =	smul.u32 $0x140000, s3  }
0x8: {  	s8 =	smul.u32 $0x50000, s10;
	s10 =	sshll.u32 s10, $0x1;
	_ =	strace $0x80000047  }
0x9: {  	s9 =	ssub.s32 $0x2, s3;
	s3 =	sor.u32 s3, s10;
	s7 =	sadd.s32 s7, s6  }
0xa: {  	s23 =	sshrl.u32 s9, $0x1;
	s8 =	sshrl.u32 s8, $0x2;
	s7 =	sshrl.u32 s7, $0x3  }
0xb: {  	s6 =	sadd.s32 $0x3E00, s0;
	s0 =	sadd.s32 s7, s0;
	s7 =	sadd.s32 s8, s2  }
0xc: {  	s9 =	ssub.s32 s9, s23;
	s23 =	smul.u32 $0xA000, s3;
	s8 =	sadd.s32 $0x1400, s7  }
0xd: {  	s24 =	sadd.s32 $0x2800, s7;
	s25 =	sadd.s32 $0x3C00, s7;
	s26 =	sadd.s32 $0x5000, s7  }
0xe: {  	s12 =	sadd.s32 $0x6400, s7;
	s13 =	sadd.s32 $0x7800, s7;
	s14 =	sadd.s32 $0x8C00, s7  }
0xf: {  	s15 =	sadd.s32 $0xA000, s7;
	s16 =	sadd.s32 $0xB400, s7;
	[dreg:$0x4] =	wrdreg s8  }
0x10: {  	s17 =	sadd.s32 $0xC800, s7;
	s18 =	sadd.s32 $0xDC00, s7;
	[dreg:$0x5] =	wrdreg s24  }
0x11: {  	s19 =	sadd.s32 $0xF000, s7;
	s20 =	sadd.s32 $0x10400, s7;
	[dreg:$0x6] =	wrdreg s25  }
0x12: {  	s21 =	sadd.s32 $0x11800, s7;
	s22 =	sadd.s32 $0x12C00, s7;
	[dreg:$0x7] =	wrdreg s26  }
0x13: {  	v0 =	vimm.f32 $0.0e+00;
	s24 =	sadd.s32 $0x7B000, s0;
	s25 =	smax.u32 s9, $0x1;
	s26 =	simm.s32 $0x2000  }
.LBB2_1:
0x14: {  	s0 =	simm.s32 $0x0;
	s3 =	simm.s32 $0x200  }
.LBB2_2:
0x15: {  	p0 =	sne.s32 s3, $0x4E00;
	[tilespmem:s0+$0x2070] =	vst v0  }
0x16: {  	[tilespmem:s0+$0x2000] =	vst v0  }
0x17: {  	[tilespmem:s0+$0x2010] =	vst v0  }
.Ltmp0:
0x18: {  	[tilespmem:s0+$0x2020] =	vst v0;
	(pc) =	sbr.rel @p0 .LBB2_2-.Ltmp0, $4  }
0x19: {  	[tilespmem:s0+$0x2030] =	vst v0  }
0x1a: {  	[tilespmem:s0+$0x2040] =	vst v0  }
0x1b: {  	[tilespmem:s0+$0x2050] =	vst v0  }
0x1c: {  	[tilespmem:s0+$0x2060] =	vst v0;
	s0 =	sshra.s32 s3, $0x2;
	s3 =	sadd.s32 $0x200, s3  }
0x1d: {  	[tilespmem:s0+$0x2070] =	vst v0  }
0x1e: {  	[tilespmem:s0+$0x2000] =	vst v0  }
0x1f: {  	[tilespmem:s0+$0x2010] =	vst v0  }
0x20: {  	[tilespmem:s0+$0x2020] =	vst v0  }
0x21: {  	[tilespmem:s0+$0x2030] =	vst v0  }
0x22: {  	[tilespmem:s0+$0x2040] =	vst v0  }
0x23: {  	[tilespmem:s0+$0x2050] =	vst v0  }
0x24: {  	[tilespmem:s0+$0x2060] =	vst v0  }
0x25: {  	[spmem:s7] =	stream.linear.scatter [tilespmem:s26], [sflag:$0x2], $0x1400, $0x38;
	[tilespmem:$0x17400] =	vst v63  }
0x26: {  	_ =	swait.ge [sflag:s28], $0x1400  }
0x27: {  	[sflag:s28] =	ssyncset.done $0x0  }
0x28: {  	s8 =	rddreg [dreg:$0x4];
	[sflag:s28] =	ssyncadd.s32 $0xFFFFEC00  }
0x29: {  	[spmem:s8] =	stream.linear.scatter [tilespmem:s26], [sflag:$0x2], $0x1400, $0x38;
	[tilespmem:$0x17400] =	vst v63  }
0x2a: {  	_ =	swait.ge [sflag:s28], $0x1400  }
0x2b: {  	[sflag:s28] =	ssyncset.done $0x0  }
0x2c: {  	s9 =	rddreg [dreg:$0x5];
	[sflag:s28] =	ssyncadd.s32 $0xFFFFEC00  }
0x2d: {  	[spmem:s9] =	stream.linear.scatter [tilespmem:s26], [sflag:$0x2], $0x1400, $0x38;
	[tilespmem:$0x17400] =	vst v63  }
0x2e: {  	_ =	swait.ge [sflag:s28], $0x1400  }
0x2f: {  	[sflag:s28] =	ssyncset.done $0x0  }
0x30: {  	s10 =	rddreg [dreg:$0x6];
	[sflag:s28] =	ssyncadd.s32 $0xFFFFEC00  }
0x31: {  	[spmem:s10] =	stream.linear.scatter [tilespmem:s26], [sflag:$0x2], $0x1400, $0x38;
	[tilespmem:$0x17400] =	vst v63  }
0x32: {  	_ =	swait.ge [sflag:s28], $0x1400  }
0x33: {  	[sflag:s28] =	ssyncset.done $0x0  }
0x34: {  	s11 =	rddreg [dreg:$0x7];
	[sflag:s28] =	ssyncadd.s32 $0xFFFFEC00  }
0x35: {  	[spmem:s11] =	stream.linear.scatter [tilespmem:s26], [sflag:$0x2], $0x1400, $0x38;
	[tilespmem:$0x17400] =	vst v63  }
0x36: {  	_ =	swait.ge [sflag:s28], $0x1400  }
0x37: {  	[sflag:s28] =	ssyncset.done $0x0  }
0x38: {  	[sflag:s28] =	ssyncadd.s32 $0xFFFFEC00  }
0x39: {  	[spmem:s12] =	stream.linear.scatter [tilespmem:s26], [sflag:$0x2], $0x1400, $0x38;
	[tilespmem:$0x17400] =	vst v63  }
0x3a: {  	_ =	swait.ge [sflag:s28], $0x1400  }
0x3b: {  	[sflag:s28] =	ssyncset.done $0x0  }
0x3c: {  	[sflag:s28] =	ssyncadd.s32 $0xFFFFEC00  }
0x3d: {  	[spmem:s13] =	stream.linear.scatter [tilespmem:s26], [sflag:$0x2], $0x1400, $0x38;
	[tilespmem:$0x17400] =	vst v63  }
0x3e: {  	_ =	swait.ge [sflag:s28], $0x1400  }
0x3f: {  	[sflag:s28] =	ssyncset.done $0x0  }
0x40: {  	[sflag:s28] =	ssyncadd.s32 $0xFFFFEC00  }
0x41: {  	[spmem:s14] =	stream.linear.scatter [tilespmem:s26], [sflag:$0x2], $0x1400, $0x38;
	[tilespmem:$0x17400] =	vst v63  }
0x42: {  	_ =	swait.ge [sflag:s28], $0x1400  }
0x43: {  	[sflag:s28] =	ssyncset.done $0x0  }
0x44: {  	[sflag:s28] =	ssyncadd.s32 $0xFFFFEC00  }
0x45: {  	[spmem:s15] =	stream.linear.scatter [tilespmem:s26], [sflag:$0x2], $0x1400, $0x38;
	[tilespmem:$0x17400] =	vst v63  }
0x46: {  	_ =	swait.ge [sflag:s28], $0x1400  }
0x47: {  	[sflag:s28] =	ssyncset.done $0x0  }
0x48: {  	[sflag:s28] =	ssyncadd.s32 $0xFFFFEC00  }
0x49: {  	[spmem:s16] =	stream.linear.scatter [tilespmem:s26], [sflag:$0x2], $0x1400, $0x38;
	[tilespmem:$0x17400] =	vst v63  }
0x4a: {  	_ =	swait.ge [sflag:s28], $0x1400  }
0x4b: {  	[sflag:s28] =	ssyncset.done $0x0  }
0x4c: {  	[sflag:s28] =	ssyncadd.s32 $0xFFFFEC00  }
0x4d: {  	[spmem:s17] =	stream.linear.scatter [tilespmem:s26], [sflag:$0x2], $0x1400, $0x38;
	[tilespmem:$0x17400] =	vst v63  }
0x4e: {  	_ =	swait.ge [sflag:s28], $0x1400  }
0x4f: {  	[sflag:s28] =	ssyncset.done $0x0  }
0x50: {  	[sflag:s28] =	ssyncadd.s32 $0xFFFFEC00  }
0x51: {  	[spmem:s18] =	stream.linear.scatter [tilespmem:s26], [sflag:$0x2], $0x1400, $0x38;
	[tilespmem:$0x17400] =	vst v63  }
0x52: {  	_ =	swait.ge [sflag:s28], $0x1400  }
0x53: {  	[sflag:s28] =	ssyncset.done $0x0  }
0x54: {  	[sflag:s28] =	ssyncadd.s32 $0xFFFFEC00  }
0x55: {  	[spmem:s19] =	stream.linear.scatter [tilespmem:s26], [sflag:$0x2], $0x1400, $0x38;
	[tilespmem:$0x17400] =	vst v63  }
0x56: {  	_ =	swait.ge [sflag:s28], $0x1400  }
0x57: {  	[sflag:s28] =	ssyncset.done $0x0  }
0x58: {  	[sflag:s28] =	ssyncadd.s32 $0xFFFFEC00  }
0x59: {  	[spmem:s20] =	stream.linear.scatter [tilespmem:s26], [sflag:$0x2], $0x1400, $0x38;
	[tilespmem:$0x17400] =	vst v63  }
0x5a: {  	_ =	swait.ge [sflag:s28], $0x1400  }
0x5b: {  	[sflag:s28] =	ssyncset.done $0x0  }
0x5c: {  	[sflag:s28] =	ssyncadd.s32 $0xFFFFEC00  }
0x5d: {  	[spmem:s21] =	stream.linear.scatter [tilespmem:s26], [sflag:$0x2], $0x1400, $0x38;
	[tilespmem:$0x17400] =	vst v63  }
0x5e: {  	_ =	swait.ge [sflag:s28], $0x1400  }
0x5f: {  	[sflag:s28] =	ssyncset.done $0x0  }
0x60: {  	[sflag:s28] =	ssyncadd.s32 $0xFFFFEC00  }
0x61: {  	[spmem:s22] =	stream.linear.scatter [tilespmem:s26], [sflag:$0x2], $0x1400, $0x38;
	[tilespmem:$0x17400] =	vst v63  }
0x62: {  	_ =	swait.ge [sflag:s28], $0x1400  }
0x63: {  	[sflag:s28] =	ssyncset.done $0x0  }
0x64: {  	[sflag:s28] =	ssyncadd.s32 $0xFFFFEC00  }
0x65: {  	s0 =	simm.s32 $0x0;
	s3 =	simm.s32 $0x0;
	[bflag:$0x0] =	sbarrier.arrive $0xFFFF  }
.LBB2_4:
0x66: {  	s8 =	sshll.u32 s3, $0xC  }
0x67: {  	s8 =	sadd.s32 s23, s8  }
0x68: {  	s8 =	sshrl.u32 s8, $0x3  }
0x69: {  	s9 =	sadd.s32 s5, s8  }
0x6a: {  	[tilespmem:s0], [sflag:$0x2] =	stream.linear.gather [hbm4b:s9+s0], $0xC80, $0x38;
	[tilespmem:$0x17400] =	vst v63  }
0x6b: {  	_ =	swait.ge [sflag:s28], $0xC80  }
0x6c: {  	[sflag:s28] =	ssyncset.done $0x0  }
0x6d: {  	s8 =	sadd.s32 s6, s8;
	[sflag:s28] =	ssyncadd.s32 $0xFFFFF380  }
0x6e: {  	[tilespmem:s29], [sflag:$0x2] =	stream.linear.gather [hbm4b:s8+s0], $0xC80, $0x38;
	[tilespmem:$0x17400] =	vst v63  }
0x6f: {  	_ =	swait.ge [sflag:s28], $0xC80  }
0x70: {  	[sflag:s28] =	ssyncset.done $0x0  }
0x71: {  	s10 =	simm.s32 $0x0;
	[sflag:s28] =	ssyncadd.s32 $0xFFFFF380  }
0x72: {  	[tilespmem:s26], [sflag:$0x1] =	stream.indirect.gather [hbm4b:s1+s30], $0x80, s10, s30, $0xb8;
	[tilespmem:$0x17400] =	vst v63  }
0x73: {  	_ =	swait.ge [sflag:s31], $0x1400  }
0x74: {  	[sflag:s31] =	ssyncset.done $0x0  }
0x75: {  	s11 =	simm.s32 $0x1000;
	[sflag:s31] =	ssyncadd.s32 $0xFFFFEC00  }
0x76: {  	[spmem:s2] =	stream.indirect.scatter.add.f32 [tilespmem:s26], [sflag:$0x2], $0x80, s11, s30, $0xb8;
	[tilespmem:$0x17400] =	vst v63  }
0x77: {  	_ =	swait.ge [sflag:s28], $0x1400  }
0x78: {  	s9 =	simm.s32 $0x400;
	s8 =	simm.s32 $0x200;
	[sflag:s28] =	ssyncset.done $0x0  }
.LBB2_5:
0x79: {  	s10 =	sshra.s32 s8, $0x2  }
0x7a: {  	[sflag:s28] =	ssyncadd.s32 $0xFFFFEC00;
	s8 =	smov.u32 s9;
	s11 =	sadd.s32 $0x200, s9  }
0x7b: {  	[tilespmem:s26], [sflag:$0x1] =	stream.indirect.gather [hbm4b:s1+s30], $0x80, s10, s30, $0xb8;
	[tilespmem:$0x17400] =	vst v63  }
0x7c: {  	p0 =	sne.s32 s9, $0x3000;
	_ =	swait.ge [sflag:s31], $0x1400  }
.Ltmp1:
0x7d: {  	[sflag:s31] =	ssyncset.done $0x0;
	(pc) =	sbr.rel @p0 .LBB2_5-.Ltmp1, $4  }
0x7e: {  	s9 =	sadd.s32 $0x1000, s10;
	[sflag:s31] =	ssyncadd.s32 $0xFFFFEC00  }
0x7f: {  	[spmem:s2] =	stream.indirect.scatter.add.f32 [tilespmem:s26], [sflag:$0x2], $0x80, s9, s30, $0xb8;
	[tilespmem:$0x17400] =	vst v63  }
0x80: {  	_ =	swait.ge [sflag:s28], $0x1400  }
0x81: {  	s9 =	smov.u32 s11;
	[sflag:s28] =	ssyncset.done $0x0  }
0x82: {  	s8 =	sshra.s32 s8, $0x2;
	[sflag:s28] =	ssyncadd.s32 $0xFFFFEC00  }
0x83: {  	[tilespmem:s26], [sflag:$0x1] =	stream.indirect.gather [hbm4b:s1+s30], $0x80, s8, s30, $0xb8;
	[tilespmem:$0x17400] =	vst v63  }
0x84: {  	s3 =	sadd.s32 $0x1, s3;
	_ =	swait.ge [sflag:s31], $0x1400  }
0x85: {  	p0 =	sne.s32 s3, $0xA;
	[sflag:s31] =	ssyncset.done $0x0  }
.Ltmp2:
0x86: {  	s8 =	sadd.s32 $0x1000, s8;
	[sflag:s31] =	ssyncadd.s32 $0xFFFFEC00;
	(pc) =	sbr.rel @p0 .LBB2_4-.Ltmp2, $4  }
0x87: {  	[spmem:s2] =	stream.indirect.scatter.add.f32 [tilespmem:s26], [sflag:$0x2], $0x80, s8, s30, $0xb8;
	[tilespmem:$0x17400] =	vst v63  }
0x88: {  	_ =	swait.ge [sflag:s28], $0x1400  }
0x89: {  	[sflag:s28] =	ssyncset.done $0x0  }
0x8a: {  	[sflag:s28] =	ssyncadd.s32 $0xFFFFEC00  }
0x8b: {  	s0 =	stileid.u32;
	s4 =	sadd.s32 $0x1, s4  }
0x8c: {  	[bflag:$0x0] =	sbarrier.arrive $0xFFFF;
	s0 =	sshll.u32 s0, $0x6;
	p0 =	sne.s32 s4, s25  }
.Ltmp3:
0x8d: {  	s3 =	sshrl.u32 s7, $0x3;
	s0 =	sor.u32 $0x1C02, s0;
	(pc) =	sbr.rel @p0 .LBB2_1-.Ltmp3, $4  }
0x8e: {  	[hbm:s24], [sflag:s0] =	dma.local [spmem:s3], $0x2800  }
0x8f: {  	_ =	swait.ge [sflag:s28], $0x2800  }
0x90: {  	[sflag:s28] =	ssyncset.done $0x0  }
0x91: {  	[sflag:s28] =	ssyncadd.s32 $0xFFFFD800  }
0x92: {  	_ =	sfence.sel $0x180000  }
0x93: {  	[bflag:$0x0] =	sbarrier.arrive $0xFFFF  }
0x94: {  	_ =	strace $0x90000047  }
0x95: {  	s0 =	stileid.u32;
	[bflag:$0x2] =	sbarrier.arrive $0xFFFF  }
0x96: {  	p0 =	sne.s32 s0, $0x0;
	s0 =	rddreg [dreg:$0x3]  }
0x97: {  	s0 =	sadd.s32 @!p0 $0x100000, s0  }
0x98: {  	[sflag:s0] =	ssyncadd.tile.s32 @!p0 $0x1;
	_ =	shalt  }
.Lfunc_end2:
_tile_overlayer_lowered:
.L_overlay_start_2:
0x99: {  	(tag) =	ssettag $0x2  }
0x9a: {  	s0 =	rddreg [dreg:$0x0];
	s2 =	stileid.u32  }
0x9b: {  	s1 =	rddreg [dreg:$0x1];
	p0 =	sne.s32 s2, $0x0  }
0x9c: {  	s3 =	rddreg [dreg:$0x2];
	[bflag:$0x3] =	sbarrier.arrive $0xFFFF;
	s2 =	simm.s32 @!p0 $0x1C02  }
0x9d: {  	[timem:s3], [sflag:s2] =	dma.local @!p0 [hbm:s0], s1  }
0x9e: {  	s0 =	simm.s32 @!p0 $0x2  }
0x9f: {  	_ =	swait.ge @!p0 [sflag:s0], s1  }
0xa0: {  	s1 =	ssub.s32 @!p0 $0x0, s1;
	[sflag:s0] =	ssyncset.done @!p0 $0x0  }
0xa1: {  	[sflag:s0] =	ssyncadd.s32 @!p0 s1  }
0xa2: {  	[bflag:$0x3] =	sbarrier.arrive $0xFFFF  }
0xa3: {  	_ =	shalt  }

// kernel: kernel.14.cloned.1.call-start
scs
__scs_entry_jumppad:
0x0: {  	(pc) =	sbr.rel $0x88, $3  }
0x1: {  	(tag) =	ssettag $0x0;
	lr =	simm.s32 $0x1  }
0x2: {  	[smem:$0x3F97] =	sst lr;
	_ =	strace $0xD0000000  }
0x3: {  	_ = 	snop  }
0x4: {  	_ = 	snop  }
0x5: {  	_ = 	snop  }
0x6: {  	_ = 	snop  }
0x7: {  	_ = 	snop  }
__scs_overlays_trampoline_lowered:
0x8: {  	[smem:$0x3FA6] =	sst s0  }
0x9: {  	[smem:$0x3FA7] =	sst s1  }
0xa: {  	[smem:$0x3FA8] =	sst s2  }
0xb: {  	[smem:$0x3FA9] =	sst s3  }
0xc: {  	[smem:$0x3FAA] =	sst s4  }
0xd: {  	[smem:$0x3FAB] =	sst s5  }
0xe: {  	[smem:$0x3FAC] =	sst s6  }
0xf: {  	[smem:$0x3FAD] =	sst s7  }
0x10: {  	[smem:$0x3FAE] =	sst s8  }
0x11: {  	[smem:$0x3FAF] =	sst s9;
	s0 =	simm.s32 @!p0 $0x0  }
0x12: {  	s1 =	sld [smem:$0x3F95];
	s0 =	simm.s32 @p0 $0x1  }
0x13: {  	[smem:$0x3FB0] =	sst s0;
	s0 =	simm.s32 @!p1 $0x0  }
0x14: {  	s2 =	sld [smem:$0x3F94];
	s0 =	simm.s32 @p1 $0x1  }
0x15: {  	[smem:$0x3FB1] =	sst s0;
	s0 =	simm.s32 @!p2 $0x0  }
0x16: {  	s3 =	sld [smem:$0x3FDB];
	s0 =	simm.s32 @p2 $0x1  }
0x17: {  	s4 =	simm.s32 $0x1BF5;
	[smem:$0x3FB3] =	sst s0  }
0x18: {  	s0 =	sld [smem:$0x3F96];
	_ =	swait.ge [sflag:s4], $0x0  }
0x19: {  	s7 =	sld [smem:$0x3F97]  }
0x1a: {  	s8 =	sadd.s32 $0xFFFFE003, lr  }
0x1b: {  	s9 =	sadd.s32 $0xFFFFFEF7, lr;
	s5 =	simm.s32 $0xFFFFFFFF;
	p2 =	slt.u32 s8, $0xFFFFF086  }
0x1c: {  	p1 =	slt.u32 s9, $0xF7A;
	s5 =	simm.s32 @!p2 $0x0  }
0x1d: {  	s5 =	simm.s32 @p1 $0x1;
	p0 =	seq.s32 s7, s2  }
0x1e: {  	s7 =	smul.u32 @!p0 $0xF7A, s2;
	p2 =	seq.s32 @!p0 s5, $0x0  }
0x1f: {  	s9 =	smul.u32 $0xF7A, s1;
	s8 =	simm.s32 @!p0 $0x1BF5;
	p2 =	por !p2, p0  }
0x20: {  	[sflag:s8] =	ssyncset.s32 @!p0 $0xFFFFF086;
	s6 =	sadd.s32 @!p0 s3, s7;
	s7 =	simm.s32 @!p0 $0x108  }
0x21: {  	s3 =	sadd.s32 s3, s9;
	s6 =	sadd.s32 @!p0 $0x88, s6;
	s7 =	simm.s32 @p2 $0x1082  }
0x22: {  	[simem:s7], [sflag:s8] =	dma.local @!p0 [hbm:s6], $0xF7A  }
0x23: {  	s9 =	sor.u32 $0xD0000000, s2;
	s6 =	simm.s32 $0x108;
	_ =	swait.ge @!p0 [sflag:s8], $0x0  }
0x24: {  	s3 =	sadd.s32 $0x88, s3;
	s6 =	simm.s32 @!p1 $0x1082;
	[sflag:s4] =	ssyncset.s32 $0xFFFFF086  }
0x25: {  	[simem:s6], [sflag:s4] =	dma.local [hbm:s3], $0xF7A  }
0x26: {  	[smem:$0x3F97] =	sst s1;
	(tag) =	ssettag s2;
	_ =	strace s9  }
0x27: {  	s1 =	sld [smem:$0x3FA7]  }
0x28: {  	s2 =	sld [smem:$0x3FA8]  }
0x29: {  	s4 =	sld [smem:$0x3FAA]  }
0x2a: {  	p0 =	seq.s32 s5, $0x0;
	s5 =	sld [smem:$0x3FAB]  }
0x2b: {  	s6 =	sld [smem:$0x3FAC]  }
0x2c: {  	s7 =	sld [smem:$0x3FAD]  }
0x2d: {  	s3 =	simm.s32 $0x108;
	s8 =	sld [smem:$0x3FAE]  }
0x2e: {  	s3 =	simm.s32 @!p0 $0x1082;
	s9 =	sld [smem:$0x3FAF]  }
0x2f: {  	lr =	sadd.s32 s0, s3;
	s0 =	sld [smem:$0x3FA6]  }
0x30: {  	s3 =	sld [smem:$0x3FA9]  }
0x31: {  	[smem:$0x3FB2] =	sst s10  }
0x32: {  	s10 =	sld [smem:$0x3FB0];
	_ =	sdelay $0x3  }
0x33: {  	p0 =	seq.s32 s10, $0x1;
	s10 =	sld [smem:$0x3FB2];
	_ =	sdelay $0x3  }
0x34: {  	[smem:$0x3FB2] =	sst s10  }
0x35: {  	s10 =	sld [smem:$0x3FB1];
	_ =	sdelay $0x3  }
0x36: {  	p1 =	seq.s32 s10, $0x1;
	s10 =	sld [smem:$0x3FB2];
	_ =	sdelay $0x3  }
0x37: {  	[smem:$0x3FB2] =	sst s10  }
0x38: {  	s10 =	sld [smem:$0x3FB3]  }
0x39: {  	_ = 	snop;
	(pc) =	sbr.ind lr, $3  }
0x3a: {  	_ = 	snop  }
0x3b: {  	_ = 	snop  }
0x3c: {  	p2 =	seq.s32 s10, $0x1;
	s10 =	sld [smem:$0x3FB2]  }
0x3d: {  	_ =	shalt  }
0x3e: {  	_ =	shalt  }
0x3f: {  	_ =	shalt  }
0x40: {  	_ =	shalt  }
0x41: {  	_ =	shalt  }
0x42: {  	_ =	shalt  }
0x43: {  	_ =	shalt  }
0x44: {  	_ =	shalt  }
0x45: {  	_ =	shalt  }
0x46: {  	_ =	shalt  }
0x47: {  	_ =	shalt  }
0x48: {  	_ =	shalt  }
0x49: {  	_ =	shalt  }
0x4a: {  	_ =	shalt  }
0x4b: {  	_ =	shalt  }
0x4c: {  	_ =	shalt  }
0x4d: {  	_ =	shalt  }
0x4e: {  	_ =	shalt  }
0x4f: {  	_ =	shalt  }
0x50: {  	_ =	shalt  }
0x51: {  	_ =	shalt  }
0x52: {  	_ =	shalt  }
0x53: {  	_ =	shalt  }
0x54: {  	_ =	shalt  }
0x55: {  	_ =	shalt  }
0x56: {  	_ =	shalt  }
0x57: {  	_ =	shalt  }
0x58: {  	_ =	shalt  }
0x59: {  	_ =	shalt  }
0x5a: {  	_ =	shalt  }
0x5b: {  	_ =	shalt  }
0x5c: {  	_ =	shalt  }
0x5d: {  	_ =	shalt  }
0x5e: {  	_ =	shalt  }
0x5f: {  	_ =	shalt  }
0x60: {  	_ =	shalt  }
0x61: {  	_ =	shalt  }
0x62: {  	_ =	shalt  }
0x63: {  	_ =	shalt  }
0x64: {  	_ =	shalt  }
0x65: {  	_ =	shalt  }
0x66: {  	_ =	shalt  }
0x67: {  	_ =	shalt  }
0x68: {  	_ =	shalt  }
0x69: {  	_ =	shalt  }
0x6a: {  	_ =	shalt  }
0x6b: {  	_ =	shalt  }
0x6c: {  	_ =	shalt  }
0x6d: {  	_ =	shalt  }
0x6e: {  	_ =	shalt  }
0x6f: {  	_ =	shalt  }
0x70: {  	_ =	shalt  }
0x71: {  	_ =	shalt  }
0x72: {  	_ =	shalt  }
0x73: {  	_ =	shalt  }
0x74: {  	_ =	shalt  }
0x75: {  	_ =	shalt  }
0x76: {  	_ =	shalt  }
0x77: {  	_ =	shalt  }
0x78: {  	_ =	shalt  }
0x79: {  	_ =	shalt  }
0x7a: {  	_ =	shalt  }
0x7b: {  	_ =	shalt  }
0x7c: {  	_ =	shalt  }
0x7d: {  	_ =	shalt  }
0x7e: {  	_ =	shalt  }
0x7f: {  	_ =	shalt  }
0x80: {  	_ =	shalt  }
0x81: {  	_ =	shalt  }
0x82: {  	_ =	shalt  }
0x83: {  	_ =	shalt  }
0x84: {  	_ =	shalt  }
0x85: {  	_ =	shalt  }
0x86: {  	_ =	shalt  }
0x87: {  	_ =	shalt  }
.Lfunc_end0:
.L_simem_size_0:
called_computation.2_lowered:
.L_overlay_start_0:
0x88: {  	s2 =	sld [smem:$0x3FD9]  }
0x89: {  	s3 =	sld [smem:$0x3FFE];
	_ =	sdelay $0x1  }
0x8a: {  	s1 =	srdreg.scid  }
0x8b: {  	s0 =	sand.u32 $0x1, s1  }
0x8c: {  	s16 =	sshll.u32 s0, $0xA;
	s2 =	sadd.s32 s3, s2  }
0x8d: {  	s2 =	sadd.s32 s2, s16  }
0x8e: {  	[smem:$0x3FBE] =	sst s2  }
0x8f: {  	_ = 	snop  }
0x90: {  	(tm) =	ssettm $0x1  }
0x91: {  	s17 =	sld [smem:$0x3FFB];
	_ =	sdelay $0x3  }
0x92: {  	_ =	strace s17  }
0x93: {  	s2 =	sld [smem:$0x3FFC];
	_ =	sdelay $0x3  }
0x94: {  	_ =	strace s2  }
0x95: {  	s2 =	sld [smem:$0x3FFD];
	_ =	sdelay $0x3  }
0x96: {  	_ =	strace s2  }
0x97: {  	_ =	strace $0x8FFFFFFF  }
0x98: {  	s18 =	sld [smem:$0x3FDB];
	_ =	sdelay $0x1  }
0x99: {  	s19 =	simm.s32 $_scs_section_size  }
0x9a: {  	s4 =	simm.s32 $_size__tile_overlayer_lowered;
	s5 =	simm.s32 $_tile_overlayer_lowered  }
0x9b: {  	s22 =	simm.s32 $0x1BFF;
	s21 =	sshll.u32 s5, $0x1;
	s2 =	sadd.s32 s19, s18  }
0x9c: {  	s6 =	simm.s32 $0x0;
	s20 =	sshll.u32 s4, $0x1;
	s4 =	sadd.s32 s21, s2  }
0x9d: {  	[timem:s6], [sflag:s22] =	dma.local [hbm:s4], s20  }
0x9e: {  	_ =	swait.ge [sflag:s22], s20  }
0x9f: {  	s3 =	ssub.s32 $0x0, s20;
	[sflag:s22] =	ssyncset.done $0x0  }
0xa0: {  	[sflag:s22] =	ssyncadd.s32 s3;
	_ =	sdelay $0x1  }
0xa1: {  	s23 =	simm.s32 $0x1B8B  }
0xa2: {  	_ =	swait.ge [sflag:s23], $0x1  }
0xa3: {  	[sflag:s23] =	ssyncset.done $0x0  }
0xa4: {  	s25 =	simm.s32 $0x1B8E;
	s24 =	sld [smem:$0x3FFE];
	[sflag:s23] =	ssyncadd.s32 $0xFFFFFFFF  }
0xa5: {  	s26 =	simm.s32 $execute0_lowered;
	[smem:$0x3FD2] =	sst s25  }
0xa6: {  	s4 =	sshll.u32 s26, $0x1;
	_ =	strace $0x8000004C;
	[dreg:$0x1] =	wrdreg $0xFFFFFFFF  }
0xa7: {  	s28 =	simm.s32 $_size_execute0_lowered;
	s2 =	sadd.s32 s2, s4;
	[dreg:$0x0] =	wrdreg $0x0  }
0xa8: {  	s4 =	sshll.u32 s28, $0x1;
	[dreg:$0x2] =	wrdreg s2  }
0xa9: {  	[dreg:$0x3] =	wrdreg s4  }
0xaa: {  	[dreg:$0x4] =	wrdreg $0xC0  }
0xab: {  	_ =	task [dreg:s6], $0x5FFFF  }
0xac: {  	[dreg:$0x1] =	wrdreg $0xFFFFFFFF  }
0xad: {  	[dreg:$0x0] =	wrdreg $0x60  }
0xae: {  	[dreg:$0x2] =	wrdreg s24  }
0xaf: {  	[dreg:$0x3] =	wrdreg $0x34000  }
0xb0: {  	[dreg:$0x4] =	wrdreg $0x9  }
0xb1: {  	_ =	task.clear_ibuf [dreg:s6], $0x5FFFF;
	_ =	strace $0x9000004C  }
0xb2: {  	s29 =	simm.s32 $0x9;
	_ =	strace $0x8000004E  }
0xb3: {  	_ =	swait.ge [sflag:s29], $0x1  }
0xb4: {  	[sflag:s29] =	ssyncadd.s32 $0xFFFFFFFF  }
0xb5: {  	_ =	strace $0x9000004E  }
0xb6: {  	_ =	sfence  }
0xb7: {  	s30 =	sld [smem:$0x0];
	_ =	sdelay $0x2  }
0xb8: {  	s31 =	sshll.u32 s1, $0xD;
	s1 =	sshrl.u32 s1, $0x2  }
0xb9: {  	s3 =	sand.u32 $0x4000, s31;
	s1 =	sadd.s32 s1, s30  }
0xba: {  	s0 =	sor.u32 s3, s0;
	s1 =	sshll.u32 s1, $0x11  }
0xbb: {  	s0 =	sor.u32 s1, s0  }
0xbc: {  	s0 =	sadd.s32 $0x8F2B, s0  }
0xbd: {  	[sflag:s0] =	ssyncadd.remote.s32 $0x1  }
0xbe: {  	_ =	sfence.sel $0xFFFF  }
0xbf: {  	[dreg:$0x0] =	wrdreg $0xFFFFFFFF;
	(pc) =	sbr.abs _section_cstart, $3  }
0xc0: {  	[dreg:$0x1] =	wrdreg $0xFFFFFFFF  }
0xc1: {  	_ =	task.clear_ibuf [dreg:s6], $0x2FFFF;
	_ =	strace $0x9FFFFFFF  }
0xc2: {  	(tm) =	ssettm $0x7FFFFFFF  }
0xc3: {  	_ =	shalt  }
tec
execute0_lowered:
.L_overlay_start_1:
0x0: {  	(tag) =	ssettag $0x1  }
0x1: {  	s0 =	rddreg [dreg:$0x0]  }
0x2: {  	s1 =	rddreg [dreg:$0x1];
	s2 =	srdreg.scid  }
0x3: {  	s3 =	simm.s32 $0x0;
	s10 =	stileid.u32;
	s28 =	simm.s32 $0x2  }
0x4: {  	s29 =	simm.s32 $0x1000;
	s30 =	simm.s32 $0x28;
	s31 =	simm.s32 $0x1  }
0x5: {  	s2 =	sand.u32 $0x1, s2;
	[smem:$0x7FF] =	sst s3;
	s7 =	smul.u32 $0x14000, s10  }
0x6: {  	s4 =	sadd.s32 $0x2BE00, s0;
	s5 =	sadd.s32 $0x3E00, s0;
	s6 =	smul.u32 $0x140000, s2  }
0x7: {  	s8 =	smul.u32 $0x50000, s10;
	s10 =	sshll.u32 s10, $0x1;
	_ =	strace $0x8000004D  }
0x8: {  	s9 =	ssub.s32 $0x2, s2;
	s2 =	sor.u32 s2, s10;
	s7 =	sadd.s32 s7, s6  }
0x9: {  	s23 =	sshrl.u32 s9, $0x1;
	s8 =	sshrl.u32 s8, $0x2;
	s7 =	sshrl.u32 s7, $0x3  }
0xa: {  	s6 =	sadd.s32 $0x53E00, s0;
	s0 =	sadd.s32 s7, s0;
	s7 =	sadd.s32 s8, s1  }
0xb: {  	s9 =	ssub.s32 s9, s23;
	s23 =	smul.u32 $0xA000, s2;
	s8 =	sadd.s32 $0x1400, s7  }
0xc: {  	s24 =	sadd.s32 $0x2800, s7;
	s25 =	sadd.s32 $0x3C00, s7;
	s26 =	sadd.s32 $0x5000, s7  }
0xd: {  	s12 =	sadd.s32 $0x6400, s7;
	s13 =	sadd.s32 $0x7800, s7;
	s14 =	sadd.s32 $0x8C00, s7  }
0xe: {  	s15 =	sadd.s32 $0xA000, s7;
	s16 =	sadd.s32 $0xB400, s7;
	[dreg:$0x3] =	wrdreg s8  }
0xf: {  	s17 =	sadd.s32 $0xC800, s7;
	s18 =	sadd.s32 $0xDC00, s7;
	[dreg:$0x4] =	wrdreg s24  }
0x10: {  	s19 =	sadd.s32 $0xF000, s7;
	s20 =	sadd.s32 $0x10400, s7;
	[dreg:$0x5] =	wrdreg s25  }
0x11: {  	s21 =	sadd.s32 $0x11800, s7;
	s22 =	sadd.s32 $0x12C00, s7;
	[dreg:$0x6] =	wrdreg s26  }
0x12: {  	v0 =	vimm.f32 $0.0e+00;
	s24 =	sadd.s32 $0xC9400, s0;
	s25 =	smax.u32 s9, $0x1;
	s26 =	simm.s32 $0x2000  }
.LBB2_1:
0x13: {  	s0 =	simm.s32 $0x0;
	s2 =	simm.s32 $0x200  }
.LBB2_2:
0x14: {  	p0 =	sne.s32 s2, $0x4E00;
	[tilespmem:s0+$0x2070] =	vst v0  }
0x15: {  	[tilespmem:s0+$0x2000] =	vst v0  }
0x16: {  	[tilespmem:s0+$0x2010] =	vst v0  }
.Ltmp0:
0x17: {  	[tilespmem:s0+$0x2020] =	vst v0;
	(pc) =	sbr.rel @p0 .LBB2_2-.Ltmp0, $4  }
0x18: {  	[tilespmem:s0+$0x2030] =	vst v0  }
0x19: {  	[tilespmem:s0+$0x2040] =	vst v0  }
0x1a: {  	[tilespmem:s0+$0x2050] =	vst v0  }
0x1b: {  	[tilespmem:s0+$0x2060] =	vst v0;
	s0 =	sshra.s32 s2, $0x2;
	s2 =	sadd.s32 $0x200, s2  }
0x1c: {  	[tilespmem:s0+$0x2070] =	vst v0  }
0x1d: {  	[tilespmem:s0+$0x2000] =	vst v0  }
0x1e: {  	[tilespmem:s0+$0x2010] =	vst v0  }
0x1f: {  	[tilespmem:s0+$0x2020] =	vst v0  }
0x20: {  	[tilespmem:s0+$0x2030] =	vst v0  }
0x21: {  	[tilespmem:s0+$0x2040] =	vst v0  }
0x22: {  	[tilespmem:s0+$0x2050] =	vst v0  }
0x23: {  	[tilespmem:s0+$0x2060] =	vst v0  }
0x24: {  	[spmem:s7] =	stream.linear.scatter [tilespmem:s26], [sflag:$0x2], $0x1400, $0x38;
	[tilespmem:$0x17400] =	vst v63  }
0x25: {  	_ =	swait.ge [sflag:s28], $0x1400  }
0x26: {  	[sflag:s28] =	ssyncset.done $0x0  }
0x27: {  	s8 =	rddreg [dreg:$0x3];
	[sflag:s28] =	ssyncadd.s32 $0xFFFFEC00  }
0x28: {  	[spmem:s8] =	stream.linear.scatter [tilespmem:s26], [sflag:$0x2], $0x1400, $0x38;
	[tilespmem:$0x17400] =	vst v63  }
0x29: {  	_ =	swait.ge [sflag:s28], $0x1400  }
0x2a: {  	[sflag:s28] =	ssyncset.done $0x0  }
0x2b: {  	s9 =	rddreg [dreg:$0x4];
	[sflag:s28] =	ssyncadd.s32 $0xFFFFEC00  }
0x2c: {  	[spmem:s9] =	stream.linear.scatter [tilespmem:s26], [sflag:$0x2], $0x1400, $0x38;
	[tilespmem:$0x17400] =	vst v63  }
0x2d: {  	_ =	swait.ge [sflag:s28], $0x1400  }
0x2e: {  	[sflag:s28] =	ssyncset.done $0x0  }
0x2f: {  	s10 =	rddreg [dreg:$0x5];
	[sflag:s28] =	ssyncadd.s32 $0xFFFFEC00  }
0x30: {  	[spmem:s10] =	stream.linear.scatter [tilespmem:s26], [sflag:$0x2], $0x1400, $0x38;
	[tilespmem:$0x17400] =	vst v63  }
0x31: {  	_ =	swait.ge [sflag:s28], $0x1400  }
0x32: {  	[sflag:s28] =	ssyncset.done $0x0  }
0x33: {  	s11 =	rddreg [dreg:$0x6];
	[sflag:s28] =	ssyncadd.s32 $0xFFFFEC00  }
0x34: {  	[spmem:s11] =	stream.linear.scatter [tilespmem:s26], [sflag:$0x2], $0x1400, $0x38;
	[tilespmem:$0x17400] =	vst v63  }
0x35: {  	_ =	swait.ge [sflag:s28], $0x1400  }
0x36: {  	[sflag:s28] =	ssyncset.done $0x0  }
0x37: {  	[sflag:s28] =	ssyncadd.s32 $0xFFFFEC00  }
0x38: {  	[spmem:s12] =	stream.linear.scatter [tilespmem:s26], [sflag:$0x2], $0x1400, $0x38;
	[tilespmem:$0x17400] =	vst v63  }
0x39: {  	_ =	swait.ge [sflag:s28], $0x1400  }
0x3a: {  	[sflag:s28] =	ssyncset.done $0x0  }
0x3b: {  	[sflag:s28] =	ssyncadd.s32 $0xFFFFEC00  }
0x3c: {  	[spmem:s13] =	stream.linear.scatter [tilespmem:s26], [sflag:$0x2], $0x1400, $0x38;
	[tilespmem:$0x17400] =	vst v63  }
0x3d: {  	_ =	swait.ge [sflag:s28], $0x1400  }
0x3e: {  	[sflag:s28] =	ssyncset.done $0x0  }
0x3f: {  	[sflag:s28] =	ssyncadd.s32 $0xFFFFEC00  }
0x40: {  	[spmem:s14] =	stream.linear.scatter [tilespmem:s26], [sflag:$0x2], $0x1400, $0x38;
	[tilespmem:$0x17400] =	vst v63  }
0x41: {  	_ =	swait.ge [sflag:s28], $0x1400  }
0x42: {  	[sflag:s28] =	ssyncset.done $0x0  }
0x43: {  	[sflag:s28] =	ssyncadd.s32 $0xFFFFEC00  }
0x44: {  	[spmem:s15] =	stream.linear.scatter [tilespmem:s26], [sflag:$0x2], $0x1400, $0x38;
	[tilespmem:$0x17400] =	vst v63  }
0x45: {  	_ =	swait.ge [sflag:s28], $0x1400  }
0x46: {  	[sflag:s28] =	ssyncset.done $0x0  }
0x47: {  	[sflag:s28] =	ssyncadd.s32 $0xFFFFEC00  }
0x48: {  	[spmem:s16] =	stream.linear.scatter [tilespmem:s26], [sflag:$0x2], $0x1400, $0x38;
	[tilespmem:$0x17400] =	vst v63  }
0x49: {  	_ =	swait.ge [sflag:s28], $0x1400  }
0x4a: {  	[sflag:s28] =	ssyncset.done $0x0  }
0x4b: {  	[sflag:s28] =	ssyncadd.s32 $0xFFFFEC00  }
0x4c: {  	[spmem:s17] =	stream.linear.scatter [tilespmem:s26], [sflag:$0x2], $0x1400, $0x38;
	[tilespmem:$0x17400] =	vst v63  }
0x4d: {  	_ =	swait.ge [sflag:s28], $0x1400  }
0x4e: {  	[sflag:s28] =	ssyncset.done $0x0  }
0x4f: {  	[sflag:s28] =	ssyncadd.s32 $0xFFFFEC00  }
0x50: {  	[spmem:s18] =	stream.linear.scatter [tilespmem:s26], [sflag:$0x2], $0x1400, $0x38;
	[tilespmem:$0x17400] =	vst v63  }
0x51: {  	_ =	swait.ge [sflag:s28], $0x1400  }
0x52: {  	[sflag:s28] =	ssyncset.done $0x0  }
0x53: {  	[sflag:s28] =	ssyncadd.s32 $0xFFFFEC00  }
0x54: {  	[spmem:s19] =	stream.linear.scatter [tilespmem:s26], [sflag:$0x2], $0x1400, $0x38;
	[tilespmem:$0x17400] =	vst v63  }
0x55: {  	_ =	swait.ge [sflag:s28], $0x1400  }
0x56: {  	[sflag:s28] =	ssyncset.done $0x0  }
0x57: {  	[sflag:s28] =	ssyncadd.s32 $0xFFFFEC00  }
0x58: {  	[spmem:s20] =	stream.linear.scatter [tilespmem:s26], [sflag:$0x2], $0x1400, $0x38;
	[tilespmem:$0x17400] =	vst v63  }
0x59: {  	_ =	swait.ge [sflag:s28], $0x1400  }
0x5a: {  	[sflag:s28] =	ssyncset.done $0x0  }
0x5b: {  	[sflag:s28] =	ssyncadd.s32 $0xFFFFEC00  }
0x5c: {  	[spmem:s21] =	stream.linear.scatter [tilespmem:s26], [sflag:$0x2], $0x1400, $0x38;
	[tilespmem:$0x17400] =	vst v63  }
0x5d: {  	_ =	swait.ge [sflag:s28], $0x1400  }
0x5e: {  	[sflag:s28] =	ssyncset.done $0x0  }
0x5f: {  	[sflag:s28] =	ssyncadd.s32 $0xFFFFEC00  }
0x60: {  	[spmem:s22] =	stream.linear.scatter [tilespmem:s26], [sflag:$0x2], $0x1400, $0x38;
	[tilespmem:$0x17400] =	vst v63  }
0x61: {  	_ =	swait.ge [sflag:s28], $0x1400  }
0x62: {  	[sflag:s28] =	ssyncset.done $0x0  }
0x63: {  	[sflag:s28] =	ssyncadd.s32 $0xFFFFEC00  }
0x64: {  	s0 =	simm.s32 $0x0;
	s2 =	simm.s32 $0x0;
	[bflag:$0x0] =	sbarrier.arrive $0xFFFF  }
.LBB2_4:
0x65: {  	s8 =	sshll.u32 s2, $0xC  }
0x66: {  	s8 =	sadd.s32 s23, s8  }
0x67: {  	s8 =	sshrl.u32 s8, $0x3  }
0x68: {  	s9 =	sadd.s32 s4, s8  }
0x69: {  	[tilespmem:s0], [sflag:$0x2] =	stream.linear.gather [hbm4b:s9+s0], $0xC80, $0x38;
	[tilespmem:$0x17400] =	vst v63  }
0x6a: {  	_ =	swait.ge [sflag:s28], $0xC80  }
0x6b: {  	[sflag:s28] =	ssyncset.done $0x0  }
0x6c: {  	s8 =	sadd.s32 s5, s8;
	[sflag:s28] =	ssyncadd.s32 $0xFFFFF380  }
0x6d: {  	[tilespmem:s29], [sflag:$0x2] =	stream.linear.gather [hbm4b:s8+s0], $0xC80, $0x38;
	[tilespmem:$0x17400] =	vst v63  }
0x6e: {  	_ =	swait.ge [sflag:s28], $0xC80  }
0x6f: {  	[sflag:s28] =	ssyncset.done $0x0  }
0x70: {  	s10 =	simm.s32 $0x0;
	[sflag:s28] =	ssyncadd.s32 $0xFFFFF380  }
0x71: {  	[tilespmem:s26], [sflag:$0x1] =	stream.indirect.gather [hbm4b:s6+s30], $0x80, s10, s30, $0xb8;
	[tilespmem:$0x17400] =	vst v63  }
0x72: {  	_ =	swait.ge [sflag:s31], $0x1400  }
0x73: {  	[sflag:s31] =	ssyncset.done $0x0  }
0x74: {  	s11 =	simm.s32 $0x1000;
	[sflag:s31] =	ssyncadd.s32 $0xFFFFEC00  }
0x75: {  	[spmem:s1] =	stream.indirect.scatter.add.f32 [tilespmem:s26], [sflag:$0x2], $0x80, s11, s30, $0xb8;
	[tilespmem:$0x17400] =	vst v63  }
0x76: {  	_ =	swait.ge [sflag:s28], $0x1400  }
0x77: {  	s9 =	simm.s32 $0x400;
	s8 =	simm.s32 $0x200;
	[sflag:s28] =	ssyncset.done $0x0  }
.LBB2_5:
0x78: {  	s10 =	sshra.s32 s8, $0x2  }
0x79: {  	[sflag:s28] =	ssyncadd.s32 $0xFFFFEC00;
	s8 =	smov.u32 s9;
	s11 =	sadd.s32 $0x200, s9  }
0x7a: {  	[tilespmem:s26], [sflag:$0x1] =	stream.indirect.gather [hbm4b:s6+s30], $0x80, s10, s30, $0xb8;
	[tilespmem:$0x17400] =	vst v63  }
0x7b: {  	p0 =	sne.s32 s9, $0x3000;
	_ =	swait.ge [sflag:s31], $0x1400  }
.Ltmp1:
0x7c: {  	[sflag:s31] =	ssyncset.done $0x0;
	(pc) =	sbr.rel @p0 .LBB2_5-.Ltmp1, $4  }
0x7d: {  	s9 =	sadd.s32 $0x1000, s10;
	[sflag:s31] =	ssyncadd.s32 $0xFFFFEC00  }
0x7e: {  	[spmem:s1] =	stream.indirect.scatter.add.f32 [tilespmem:s26], [sflag:$0x2], $0x80, s9, s30, $0xb8;
	[tilespmem:$0x17400] =	vst v63  }
0x7f: {  	_ =	swait.ge [sflag:s28], $0x1400  }
0x80: {  	s9 =	smov.u32 s11;
	[sflag:s28] =	ssyncset.done $0x0  }
0x81: {  	s8 =	sshra.s32 s8, $0x2;
	[sflag:s28] =	ssyncadd.s32 $0xFFFFEC00  }
0x82: {  	[tilespmem:s26], [sflag:$0x1] =	stream.indirect.gather [hbm4b:s6+s30], $0x80, s8, s30, $0xb8;
	[tilespmem:$0x17400] =	vst v63  }
0x83: {  	s2 =	sadd.s32 $0x1, s2;
	_ =	swait.ge [sflag:s31], $0x1400  }
0x84: {  	p0 =	sne.s32 s2, $0xA;
	[sflag:s31] =	ssyncset.done $0x0  }
.Ltmp2:
0x85: {  	s8 =	sadd.s32 $0x1000, s8;
	[sflag:s31] =	ssyncadd.s32 $0xFFFFEC00;
	(pc) =	sbr.rel @p0 .LBB2_4-.Ltmp2, $4  }
0x86: {  	[spmem:s1] =	stream.indirect.scatter.add.f32 [tilespmem:s26], [sflag:$0x2], $0x80, s8, s30, $0xb8;
	[tilespmem:$0x17400] =	vst v63  }
0x87: {  	_ =	swait.ge [sflag:s28], $0x1400  }
0x88: {  	[sflag:s28] =	ssyncset.done $0x0  }
0x89: {  	[sflag:s28] =	ssyncadd.s32 $0xFFFFEC00  }
0x8a: {  	s0 =	stileid.u32;
	s3 =	sadd.s32 $0x1, s3  }
0x8b: {  	[bflag:$0x0] =	sbarrier.arrive $0xFFFF;
	s0 =	sshll.u32 s0, $0x6;
	p0 =	sne.s32 s3, s25  }
.Ltmp3:
0x8c: {  	s2 =	sshrl.u32 s7, $0x3;
	s0 =	sor.u32 $0x1C02, s0;
	(pc) =	sbr.rel @p0 .LBB2_1-.Ltmp3, $4  }
0x8d: {  	[hbm:s24], [sflag:s0] =	dma.local [spmem:s2], $0x2800  }
0x8e: {  	_ =	swait.ge [sflag:s28], $0x2800  }
0x8f: {  	[sflag:s28] =	ssyncset.done $0x0  }
0x90: {  	[sflag:s28] =	ssyncadd.s32 $0xFFFFD800  }
0x91: {  	_ =	sfence.sel $0x180000  }
0x92: {  	[bflag:$0x0] =	sbarrier.arrive $0xFFFF  }
0x93: {  	_ =	strace $0x9000004D  }
0x94: {  	s0 =	stileid.u32;
	[bflag:$0x2] =	sbarrier.arrive $0xFFFF  }
0x95: {  	p0 =	sne.s32 s0, $0x0;
	s0 =	rddreg [dreg:$0x2]  }
0x96: {  	s0 =	sadd.s32 @!p0 $0x100000, s0  }
0x97: {  	[sflag:s0] =	ssyncadd.tile.s32 @!p0 $0x1;
	_ =	shalt  }
.Lfunc_end2:
_tile_overlayer_lowered:
.L_overlay_start_2:
0x98: {  	(tag) =	ssettag $0x2  }
0x99: {  	s0 =	rddreg [dreg:$0x0];
	s2 =	stileid.u32  }
0x9a: {  	s1 =	rddreg [dreg:$0x1];
	p0 =	sne.s32 s2, $0x0  }
0x9b: {  	s3 =	rddreg [dreg:$0x2];
	[bflag:$0x3] =	sbarrier.arrive $0xFFFF;
	s2 =	simm.s32 @!p0 $0x1C02  }
0x9c: {  	[timem:s3], [sflag:s2] =	dma.local @!p0 [hbm:s0], s1  }
0x9d: {  	s0 =	simm.s32 @!p0 $0x2  }
0x9e: {  	_ =	swait.ge @!p0 [sflag:s0], s1  }
0x9f: {  	s1 =	ssub.s32 @!p0 $0x0, s1;
	[sflag:s0] =	ssyncset.done @!p0 $0x0  }
0xa0: {  	[sflag:s0] =	ssyncadd.s32 @!p0 s1  }
0xa1: {  	[bflag:$0x3] =	sbarrier.arrive $0xFFFF  }
0xa2: {  	_ =	shalt  }

// kernel: kernel.8.cloned.1.call-start
scs
__scs_entry_jumppad:
0x0: {  	(pc) =	sbr.rel $0x88, $3  }
0x1: {  	(tag) =	ssettag $0x0;
	lr =	simm.s32 $0x1  }
0x2: {  	[smem:$0x3F97] =	sst lr;
	_ =	strace $0xD0000000  }
0x3: {  	_ = 	snop  }
0x4: {  	_ = 	snop  }
0x5: {  	_ = 	snop  }
0x6: {  	_ = 	snop  }
0x7: {  	_ = 	snop  }
__scs_overlays_trampoline_lowered:
0x8: {  	[smem:$0x3FA6] =	sst s0  }
0x9: {  	[smem:$0x3FA7] =	sst s1  }
0xa: {  	[smem:$0x3FA8] =	sst s2  }
0xb: {  	[smem:$0x3FA9] =	sst s3  }
0xc: {  	[smem:$0x3FAA] =	sst s4  }
0xd: {  	[smem:$0x3FAB] =	sst s5  }
0xe: {  	[smem:$0x3FAC] =	sst s6  }
0xf: {  	[smem:$0x3FAD] =	sst s7  }
0x10: {  	[smem:$0x3FAE] =	sst s8  }
0x11: {  	[smem:$0x3FAF] =	sst s9;
	s0 =	simm.s32 @!p0 $0x0  }
0x12: {  	s1 =	sld [smem:$0x3F95];
	s0 =	simm.s32 @p0 $0x1  }
0x13: {  	[smem:$0x3FB0] =	sst s0;
	s0 =	simm.s32 @!p1 $0x0  }
0x14: {  	s2 =	sld [smem:$0x3F94];
	s0 =	simm.s32 @p1 $0x1  }
0x15: {  	[smem:$0x3FB1] =	sst s0;
	s0 =	simm.s32 @!p2 $0x0  }
0x16: {  	s3 =	sld [smem:$0x3FDB];
	s0 =	simm.s32 @p2 $0x1  }
0x17: {  	s4 =	simm.s32 $0x1BF5;
	[smem:$0x3FB3] =	sst s0  }
0x18: {  	s0 =	sld [smem:$0x3F96];
	_ =	swait.ge [sflag:s4], $0x0  }
0x19: {  	s7 =	sld [smem:$0x3F97]  }
0x1a: {  	s8 =	sadd.s32 $0xFFFFE003, lr  }
0x1b: {  	s9 =	sadd.s32 $0xFFFFFEF7, lr;
	s5 =	simm.s32 $0xFFFFFFFF;
	p2 =	slt.u32 s8, $0xFFFFF086  }
0x1c: {  	p1 =	slt.u32 s9, $0xF7A;
	s5 =	simm.s32 @!p2 $0x0  }
0x1d: {  	s5 =	simm.s32 @p1 $0x1;
	p0 =	seq.s32 s7, s2  }
0x1e: {  	s7 =	smul.u32 @!p0 $0xF7A, s2;
	p2 =	seq.s32 @!p0 s5, $0x0  }
0x1f: {  	s9 =	smul.u32 $0xF7A, s1;
	s8 =	simm.s32 @!p0 $0x1BF5;
	p2 =	por !p2, p0  }
0x20: {  	[sflag:s8] =	ssyncset.s32 @!p0 $0xFFFFF086;
	s6 =	sadd.s32 @!p0 s3, s7;
	s7 =	simm.s32 @!p0 $0x108  }
0x21: {  	s3 =	sadd.s32 s3, s9;
	s6 =	sadd.s32 @!p0 $0x88, s6;
	s7 =	simm.s32 @p2 $0x1082  }
0x22: {  	[simem:s7], [sflag:s8] =	dma.local @!p0 [hbm:s6], $0xF7A  }
0x23: {  	s9 =	sor.u32 $0xD0000000, s2;
	s6 =	simm.s32 $0x108;
	_ =	swait.ge @!p0 [sflag:s8], $0x0  }
0x24: {  	s3 =	sadd.s32 $0x88, s3;
	s6 =	simm.s32 @!p1 $0x1082;
	[sflag:s4] =	ssyncset.s32 $0xFFFFF086  }
0x25: {  	[simem:s6], [sflag:s4] =	dma.local [hbm:s3], $0xF7A  }
0x26: {  	[smem:$0x3F97] =	sst s1;
	(tag) =	ssettag s2;
	_ =	strace s9  }
0x27: {  	s1 =	sld [smem:$0x3FA7]  }
0x28: {  	s2 =	sld [smem:$0x3FA8]  }
0x29: {  	s4 =	sld [smem:$0x3FAA]  }
0x2a: {  	p0 =	seq.s32 s5, $0x0;
	s5 =	sld [smem:$0x3FAB]  }
0x2b: {  	s6 =	sld [smem:$0x3FAC]  }
0x2c: {  	s7 =	sld [smem:$0x3FAD]  }
0x2d: {  	s3 =	simm.s32 $0x108;
	s8 =	sld [smem:$0x3FAE]  }
0x2e: {  	s3 =	simm.s32 @!p0 $0x1082;
	s9 =	sld [smem:$0x3FAF]  }
0x2f: {  	lr =	sadd.s32 s0, s3;
	s0 =	sld [smem:$0x3FA6]  }
0x30: {  	s3 =	sld [smem:$0x3FA9]  }
0x31: {  	[smem:$0x3FB2] =	sst s10  }
0x32: {  	s10 =	sld [smem:$0x3FB0];
	_ =	sdelay $0x3  }
0x33: {  	p0 =	seq.s32 s10, $0x1;
	s10 =	sld [smem:$0x3FB2];
	_ =	sdelay $0x3  }
0x34: {  	[smem:$0x3FB2] =	sst s10  }
0x35: {  	s10 =	sld [smem:$0x3FB1];
	_ =	sdelay $0x3  }
0x36: {  	p1 =	seq.s32 s10, $0x1;
	s10 =	sld [smem:$0x3FB2];
	_ =	sdelay $0x3  }
0x37: {  	[smem:$0x3FB2] =	sst s10  }
0x38: {  	s10 =	sld [smem:$0x3FB3]  }
0x39: {  	_ = 	snop;
	(pc) =	sbr.ind lr, $3  }
0x3a: {  	_ = 	snop  }
0x3b: {  	_ = 	snop  }
0x3c: {  	p2 =	seq.s32 s10, $0x1;
	s10 =	sld [smem:$0x3FB2]  }
0x3d: {  	_ =	shalt  }
0x3e: {  	_ =	shalt  }
0x3f: {  	_ =	shalt  }
0x40: {  	_ =	shalt  }
0x41: {  	_ =	shalt  }
0x42: {  	_ =	shalt  }
0x43: {  	_ =	shalt  }
0x44: {  	_ =	shalt  }
0x45: {  	_ =	shalt  }
0x46: {  	_ =	shalt  }
0x47: {  	_ =	shalt  }
0x48: {  	_ =	shalt  }
0x49: {  	_ =	shalt  }
0x4a: {  	_ =	shalt  }
0x4b: {  	_ =	shalt  }
0x4c: {  	_ =	shalt  }
0x4d: {  	_ =	shalt  }
0x4e: {  	_ =	shalt  }
0x4f: {  	_ =	shalt  }
0x50: {  	_ =	shalt  }
0x51: {  	_ =	shalt  }
0x52: {  	_ =	shalt  }
0x53: {  	_ =	shalt  }
0x54: {  	_ =	shalt  }
0x55: {  	_ =	shalt  }
0x56: {  	_ =	shalt  }
0x57: {  	_ =	shalt  }
0x58: {  	_ =	shalt  }
0x59: {  	_ =	shalt  }
0x5a: {  	_ =	shalt  }
0x5b: {  	_ =	shalt  }
0x5c: {  	_ =	shalt  }
0x5d: {  	_ =	shalt  }
0x5e: {  	_ =	shalt  }
0x5f: {  	_ =	shalt  }
0x60: {  	_ =	shalt  }
0x61: {  	_ =	shalt  }
0x62: {  	_ =	shalt  }
0x63: {  	_ =	shalt  }
0x64: {  	_ =	shalt  }
0x65: {  	_ =	shalt  }
0x66: {  	_ =	shalt  }
0x67: {  	_ =	shalt  }
0x68: {  	_ =	shalt  }
0x69: {  	_ =	shalt  }
0x6a: {  	_ =	shalt  }
0x6b: {  	_ =	shalt  }
0x6c: {  	_ =	shalt  }
0x6d: {  	_ =	shalt  }
0x6e: {  	_ =	shalt  }
0x6f: {  	_ =	shalt  }
0x70: {  	_ =	shalt  }
0x71: {  	_ =	shalt  }
0x72: {  	_ =	shalt  }
0x73: {  	_ =	shalt  }
0x74: {  	_ =	shalt  }
0x75: {  	_ =	shalt  }
0x76: {  	_ =	shalt  }
0x77: {  	_ =	shalt  }
0x78: {  	_ =	shalt  }
0x79: {  	_ =	shalt  }
0x7a: {  	_ =	shalt  }
0x7b: {  	_ =	shalt  }
0x7c: {  	_ =	shalt  }
0x7d: {  	_ =	shalt  }
0x7e: {  	_ =	shalt  }
0x7f: {  	_ =	shalt  }
0x80: {  	_ =	shalt  }
0x81: {  	_ =	shalt  }
0x82: {  	_ =	shalt  }
0x83: {  	_ =	shalt  }
0x84: {  	_ =	shalt  }
0x85: {  	_ =	shalt  }
0x86: {  	_ =	shalt  }
0x87: {  	_ =	shalt  }
.Lfunc_end0:
.L_simem_size_0:
called_computation_lowered:
.L_overlay_start_0:
0x88: {  	s2 =	sld [smem:$0x3FD9]  }
0x89: {  	s3 =	sld [smem:$0x3FFE];
	_ =	sdelay $0x1  }
0x8a: {  	s1 =	srdreg.scid  }
0x8b: {  	s0 =	sand.u32 $0x1, s1  }
0x8c: {  	s17 =	sshll.u32 s0, $0xA;
	s2 =	sadd.s32 s3, s2  }
0x8d: {  	s2 =	sadd.s32 s2, s17  }
0x8e: {  	[smem:$0x3FBE] =	sst s2  }
0x8f: {  	_ = 	snop  }
0x90: {  	(tm) =	ssettm $0x1  }
0x91: {  	s18 =	sld [smem:$0x3FFB];
	_ =	sdelay $0x3  }
0x92: {  	_ =	strace s18  }
0x93: {  	s2 =	sld [smem:$0x3FFC];
	_ =	sdelay $0x3  }
0x94: {  	_ =	strace s2  }
0x95: {  	s2 =	sld [smem:$0x3FFD];
	_ =	sdelay $0x3  }
0x96: {  	_ =	strace s2  }
0x97: {  	_ =	strace $0x8FFFFFFF  }
0x98: {  	s19 =	sld [smem:$0x3FDB];
	_ =	sdelay $0x1  }
0x99: {  	s20 =	simm.s32 $_scs_section_size  }
0x9a: {  	s4 =	simm.s32 $_size__tile_overlayer_lowered;
	s5 =	simm.s32 $_tile_overlayer_lowered  }
0x9b: {  	s6 =	simm.s32 $0x1BFF;
	s21 =	sshll.u32 s5, $0x1;
	s3 =	sadd.s32 s20, s19  }
0x9c: {  	s22 =	simm.s32 $0x0;
	s4 =	sshll.u32 s4, $0x1;
	s5 =	sadd.s32 s21, s3  }
0x9d: {  	[timem:s22], [sflag:s6] =	dma.local [hbm:s5], s4  }
0x9e: {  	_ =	swait.ge [sflag:s6], s4  }
0x9f: {  	s4 =	ssub.s32 $0x0, s4;
	[sflag:s6] =	ssyncset.done $0x0  }
0xa0: {  	[sflag:s6] =	ssyncadd.s32 s4;
	_ =	sdelay $0x1  }
0xa1: {  	s23 =	simm.s32 $0x1B8B  }
0xa2: {  	_ =	swait.ge [sflag:s23], $0x1  }
0xa3: {  	[sflag:s23] =	ssyncset.done $0x0  }
0xa4: {  	[sflag:s23] =	ssyncadd.s32 $0xFFFFFFFF  }
0xa5: {  	s4 =	sld [smem:$0x0]  }
0xa6: {  	s5 =	sand.u32 $0xFFFFFFFE, s1  }
0xa7: {  	p0 =	sne.s32 s1, s5  }
0xa8: {  	s5 =	sshll.u32 @p0 s5, $0xE  }
0xa9: {  	s5 =	sadd.s32 @p0 $0x11B8D, s5;
	s6 =	sshll.u32 @p0 s4, $0x11  }
0xaa: {  	s5 =	sor.u32 @p0 s6, s5  }
0xab: {  	[sflag:s5] =	ssyncadd.remote.s32 @p0 $0x1;
	_ =	sdelay $0x1  }
0xac: {  	s5 =	simm.s32 @p0 $0x1B8D  }
0xad: {  	_ =	swait.eq @p0 [sflag:s5], $0x1  }
0xae: {  	[sflag:s5] =	ssyncadd.s32 @p0 $0xFFFFFFFF  }
0xaf: {  	s6 =	sshll.u32 @!p0 s1, $0xE  }
0xb0: {  	s6 =	sor.u32 @!p0 $0x4000, s6;
	s5 =	simm.s32 @!p0 $0x1B8D  }
0xb1: {  	s4 =	sshll.u32 @!p0 s4, $0x11;
	s6 =	sadd.s32 @!p0 $0x11B8D, s6;
	_ =	swait.eq @!p0 [sflag:s5], $0x1  }
0xb2: {  	s4 =	sor.u32 @!p0 s4, s6;
	[sflag:s5] =	ssyncadd.s32 @!p0 $0xFFFFFFFF  }
0xb3: {  	s25 =	simm.s32 $0x1B8E;
	s24 =	sld [smem:$0x3FFE];
	[sflag:s4] =	ssyncadd.remote.s32 @!p0 $0x1  }
0xb4: {  	s26 =	simm.s32 $execute0_lowered;
	[smem:$0x3FD2] =	sst s25  }
0xb5: {  	s5 =	sshll.u32 s26, $0x1;
	_ =	strace $0x80000049;
	[dreg:$0x1] =	wrdreg $0xFFFFFFFF  }
0xb6: {  	s28 =	simm.s32 $_size_execute0_lowered;
	s3 =	sadd.s32 s3, s5;
	[dreg:$0x0] =	wrdreg $0x0  }
0xb7: {  	s5 =	sshll.u32 s28, $0x1;
	[dreg:$0x2] =	wrdreg s3  }
0xb8: {  	[dreg:$0x3] =	wrdreg s5  }
0xb9: {  	[dreg:$0x4] =	wrdreg $0xC0  }
0xba: {  	_ =	task [dreg:s22], $0x5FFFF  }
0xbb: {  	[dreg:$0x1] =	wrdreg $0xFFFFFFFF  }
0xbc: {  	[dreg:$0x0] =	wrdreg $0x60  }
0xbd: {  	[dreg:$0x2] =	wrdreg s24  }
0xbe: {  	[dreg:$0x3] =	wrdreg $0x38000  }
0xbf: {  	[dreg:$0x4] =	wrdreg $0x9  }
0xc0: {  	_ =	task.clear_ibuf [dreg:s22], $0x5FFFF;
	_ =	strace $0x90000049  }
0xc1: {  	s29 =	simm.s32 $0x9;
	_ =	strace $0x8000004B  }
0xc2: {  	_ =	swait.ge [sflag:s29], $0x1  }
0xc3: {  	[sflag:s29] =	ssyncadd.s32 $0xFFFFFFFF  }
0xc4: {  	_ =	strace $0x9000004B  }
0xc5: {  	_ =	sfence  }
0xc6: {  	s30 =	sld [smem:$0x0];
	_ =	sdelay $0x2  }
0xc7: {  	s31 =	sshll.u32 s1, $0xD;
	s1 =	sshrl.u32 s1, $0x2  }
0xc8: {  	s4 =	sand.u32 $0x4000, s31;
	s1 =	sadd.s32 s1, s30  }
0xc9: {  	s0 =	sor.u32 s4, s0;
	s1 =	sshll.u32 s1, $0x11  }
0xca: {  	s0 =	sor.u32 s1, s0  }
0xcb: {  	s0 =	sadd.s32 $0x8F2B, s0  }
0xcc: {  	[sflag:s0] =	ssyncadd.remote.s32 $0x1  }
0xcd: {  	_ =	sfence.sel $0xFFFF  }
0xce: {  	[dreg:$0x0] =	wrdreg $0xFFFFFFFF;
	(pc) =	sbr.abs _section_cstart, $3  }
0xcf: {  	[dreg:$0x1] =	wrdreg $0xFFFFFFFF  }
0xd0: {  	_ =	task.clear_ibuf [dreg:s22], $0x2FFFF;
	_ =	strace $0x9FFFFFFF  }
0xd1: {  	(tm) =	ssettm $0x7FFFFFFF  }
tec
execute0_lowered:
.L_overlay_start_1:
0x0: {  	(tag) =	ssettag $0x1  }
0x1: {  	s0 =	srdreg.scid;
	s5 =	rddreg [dreg:$0x0]  }
0x2: {  	s2 =	rddreg [dreg:$0x1];
	s3 =	simm.s32 $0x0;
	s6 =	sand.u32 $0x1, s0  }
0x3: {  	s24 =	simm.s32 $0x2400;
	s0 =	stileid.u32;
	s4 =	smul.u32 $0x13C000, s6  }
0x4: {  	s25 =	simm.s32 $0x1;
	s26 =	simm.s32 $0x28;
	s7 =	smul.u32 $0x13C00, s0  }
0x5: {  	s28 =	simm.s32 $0x1000;
	[smem:$0x7FF] =	sst s3;
	s8 =	smul.u32 $0x4E200, s0  }
0x6: {  	_ =	strace $0x8000004A;
	s29 =	ssub.s32 $0x2, s6;
	s9 =	sshll.u32 s0, $0x1  }
0x7: {  	s31 =	sshrl.u32 s29, $0x1;
	s21 =	sor.u32 s6, s9;
	s7 =	sadd.s32 s7, s4  }
0x8: {  	s4 =	sadd.s32 $0x3E00, s5;
	s30 =	sshrl.u32 s8, $0x2;
	s7 =	sshrl.u32 s7, $0x3  }
0x9: {  	s23 =	ssub.s32 s29, s31;
	s22 =	sadd.s32 s7, s5;
	s5 =	sadd.s32 s30, s2  }
0xa: {  	s21 =	smul.u32 $0xA000, s21;
	s23 =	smax.u32 s23, $0x1;
	s6 =	sadd.s32 $0x1400, s5  }
0xb: {  	s7 =	sadd.s32 $0x2800, s5;
	s8 =	sadd.s32 $0x3C00, s5;
	s9 =	sadd.s32 $0x5000, s5  }
0xc: {  	s10 =	sadd.s32 $0x6400, s5;
	s11 =	sadd.s32 $0x7800, s5;
	s12 =	sadd.s32 $0x8C00, s5  }
0xd: {  	s13 =	sadd.s32 $0xA000, s5;
	s14 =	sadd.s32 $0xB400, s5;
	s15 =	sadd.s32 $0xC800, s5  }
0xe: {  	s16 =	sadd.s32 $0xDC00, s5;
	s17 =	sadd.s32 $0xF000, s5;
	s18 =	sadd.s32 $0x10400, s5  }
0xf: {  	v0 =	vimm.f32 $0.0e+00;
	v1 =	vimm.f32 $1.000000000e+00;
	s19 =	sadd.s32 $0x11800, s5;
	s20 =	sadd.s32 $0x12C00, s5;
	s22 =	sadd.s32 $0xCB000, s22  }
.LBB2_1:
0x10: {  	s29 =	simm.s32 $0x200;
	s30 =	simm.s32 $0x0  }
.LBB2_2:
0x11: {  	p0 =	sne.s32 s29, $0x4E00;
	[tilespmem:s30+$0x2400] =	vst v0;
	s31 =	smov.u32 s29;
	s29 =	sadd.s32 $0x200, s29  }
.Ltmp0:
0x12: {  	[tilespmem:s30+$0x1000] =	vst v1;
	(pc) =	sbr.rel @p0 .LBB2_2-.Ltmp0, $2  }
0x13: {  	_ =	sdelay $0x2  }
0x14: {  	s30 =	sshra.s32 s31, $0x2  }
0x15: {  	[tilespmem:s30+$0x2400] =	vst v0  }
0x16: {  	[tilespmem:s30+$0x1000] =	vst v1  }
0x17: {  	[spmem:s5] =	stream.linear.scatter [tilespmem:s24], [sflag:$0x1], $0x1400, $0x38;
	[tilespmem:$0x5F10] =	vst v63  }
0x18: {  	_ =	swait.ge [sflag:s25], $0x1400  }
0x19: {  	[sflag:s25] =	ssyncset.done $0x0  }
0x1a: {  	[sflag:s25] =	ssyncadd.s32 $0xFFFFEC00  }
0x1b: {  	[spmem:s6] =	stream.linear.scatter [tilespmem:s24], [sflag:$0x1], $0x1400, $0x38;
	[tilespmem:$0x5F10] =	vst v63  }
0x1c: {  	_ =	swait.ge [sflag:s25], $0x1400  }
0x1d: {  	[sflag:s25] =	ssyncset.done $0x0  }
0x1e: {  	[sflag:s25] =	ssyncadd.s32 $0xFFFFEC00  }
0x1f: {  	[spmem:s7] =	stream.linear.scatter [tilespmem:s24], [sflag:$0x1], $0x1400, $0x38;
	[tilespmem:$0x5F10] =	vst v63  }
0x20: {  	_ =	swait.ge [sflag:s25], $0x1400  }
0x21: {  	[sflag:s25] =	ssyncset.done $0x0  }
0x22: {  	[sflag:s25] =	ssyncadd.s32 $0xFFFFEC00  }
0x23: {  	[spmem:s8] =	stream.linear.scatter [tilespmem:s24], [sflag:$0x1], $0x1400, $0x38;
	[tilespmem:$0x5F10] =	vst v63  }
0x24: {  	_ =	swait.ge [sflag:s25], $0x1400  }
0x25: {  	[sflag:s25] =	ssyncset.done $0x0  }
0x26: {  	[sflag:s25] =	ssyncadd.s32 $0xFFFFEC00  }
0x27: {  	[spmem:s9] =	stream.linear.scatter [tilespmem:s24], [sflag:$0x1], $0x1400, $0x38;
	[tilespmem:$0x5F10] =	vst v63  }
0x28: {  	_ =	swait.ge [sflag:s25], $0x1400  }
0x29: {  	[sflag:s25] =	ssyncset.done $0x0  }
0x2a: {  	[sflag:s25] =	ssyncadd.s32 $0xFFFFEC00  }
0x2b: {  	[spmem:s10] =	stream.linear.scatter [tilespmem:s24], [sflag:$0x1], $0x1400, $0x38;
	[tilespmem:$0x5F10] =	vst v63  }
0x2c: {  	_ =	swait.ge [sflag:s25], $0x1400  }
0x2d: {  	[sflag:s25] =	ssyncset.done $0x0  }
0x2e: {  	[sflag:s25] =	ssyncadd.s32 $0xFFFFEC00  }
0x2f: {  	[spmem:s11] =	stream.linear.scatter [tilespmem:s24], [sflag:$0x1], $0x1400, $0x38;
	[tilespmem:$0x5F10] =	vst v63  }
0x30: {  	_ =	swait.ge [sflag:s25], $0x1400  }
0x31: {  	[sflag:s25] =	ssyncset.done $0x0  }
0x32: {  	[sflag:s25] =	ssyncadd.s32 $0xFFFFEC00  }
0x33: {  	[spmem:s12] =	stream.linear.scatter [tilespmem:s24], [sflag:$0x1], $0x1400, $0x38;
	[tilespmem:$0x5F10] =	vst v63  }
0x34: {  	_ =	swait.ge [sflag:s25], $0x1400  }
0x35: {  	[sflag:s25] =	ssyncset.done $0x0  }
0x36: {  	[sflag:s25] =	ssyncadd.s32 $0xFFFFEC00  }
0x37: {  	[spmem:s13] =	stream.linear.scatter [tilespmem:s24], [sflag:$0x1], $0x1400, $0x38;
	[tilespmem:$0x5F10] =	vst v63  }
0x38: {  	_ =	swait.ge [sflag:s25], $0x1400  }
0x39: {  	[sflag:s25] =	ssyncset.done $0x0  }
0x3a: {  	[sflag:s25] =	ssyncadd.s32 $0xFFFFEC00  }
0x3b: {  	[spmem:s14] =	stream.linear.scatter [tilespmem:s24], [sflag:$0x1], $0x1400, $0x38;
	[tilespmem:$0x5F10] =	vst v63  }
0x3c: {  	_ =	swait.ge [sflag:s25], $0x1400  }
0x3d: {  	[sflag:s25] =	ssyncset.done $0x0  }
0x3e: {  	[sflag:s25] =	ssyncadd.s32 $0xFFFFEC00  }
0x3f: {  	[spmem:s15] =	stream.linear.scatter [tilespmem:s24], [sflag:$0x1], $0x1400, $0x38;
	[tilespmem:$0x5F10] =	vst v63  }
0x40: {  	_ =	swait.ge [sflag:s25], $0x1400  }
0x41: {  	[sflag:s25] =	ssyncset.done $0x0  }
0x42: {  	[sflag:s25] =	ssyncadd.s32 $0xFFFFEC00  }
0x43: {  	[spmem:s16] =	stream.linear.scatter [tilespmem:s24], [sflag:$0x1], $0x1400, $0x38;
	[tilespmem:$0x5F10] =	vst v63  }
0x44: {  	_ =	swait.ge [sflag:s25], $0x1400  }
0x45: {  	[sflag:s25] =	ssyncset.done $0x0  }
0x46: {  	[sflag:s25] =	ssyncadd.s32 $0xFFFFEC00  }
0x47: {  	[spmem:s17] =	stream.linear.scatter [tilespmem:s24], [sflag:$0x1], $0x1400, $0x38;
	[tilespmem:$0x5F10] =	vst v63  }
0x48: {  	_ =	swait.ge [sflag:s25], $0x1400  }
0x49: {  	[sflag:s25] =	ssyncset.done $0x0  }
0x4a: {  	[sflag:s25] =	ssyncadd.s32 $0xFFFFEC00  }
0x4b: {  	[spmem:s18] =	stream.linear.scatter [tilespmem:s24], [sflag:$0x1], $0x1400, $0x38;
	[tilespmem:$0x5F10] =	vst v63  }
0x4c: {  	_ =	swait.ge [sflag:s25], $0x1400  }
0x4d: {  	[sflag:s25] =	ssyncset.done $0x0  }
0x4e: {  	[sflag:s25] =	ssyncadd.s32 $0xFFFFEC00  }
0x4f: {  	[spmem:s19] =	stream.linear.scatter [tilespmem:s24], [sflag:$0x1], $0x1400, $0x38;
	[tilespmem:$0x5F10] =	vst v63  }
0x50: {  	_ =	swait.ge [sflag:s25], $0x1400  }
0x51: {  	[sflag:s25] =	ssyncset.done $0x0  }
0x52: {  	[sflag:s25] =	ssyncadd.s32 $0xFFFFEC00  }
0x53: {  	[spmem:s20] =	stream.linear.scatter [tilespmem:s24], [sflag:$0x1], $0xC80, $0x38;
	[tilespmem:$0x5F10] =	vst v63  }
0x54: {  	_ =	swait.ge [sflag:s25], $0xC80  }
0x55: {  	[sflag:s25] =	ssyncset.done $0x0  }
0x56: {  	[sflag:s25] =	ssyncadd.s32 $0xFFFFF380  }
0x57: {  	s29 =	simm.s32 $0x0;
	s30 =	simm.s32 $0x0;
	[bflag:$0x0] =	sbarrier.arrive $0xFFFF  }
.LBB2_4:
0x58: {  	s31 =	sshll.u32 s30, $0xC  }
0x59: {  	s31 =	sadd.s32 s21, s31  }
0x5a: {  	s31 =	sshrl.u32 s31, $0x3  }
0x5b: {  	s31 =	sadd.s32 s4, s31  }
0x5c: {  	[tilespmem:s29], [sflag:$0x1] =	stream.linear.gather [hbm4b:s31+s29], $0xC80, $0x38;
	[tilespmem:$0x5F10] =	vst v63  }
0x5d: {  	_ =	swait.ge [sflag:s25], $0xC80  }
0x5e: {  	[sflag:s25] =	ssyncset.done $0x0  }
0x5f: {  	s31 =	simm.s32 $0x0;
	[sflag:s25] =	ssyncadd.s32 $0xFFFFF380  }
0x60: {  	[spmem:s2] =	stream.indirect.scatter.add.f32 [tilespmem:s28], [sflag:$0x1], $0x10, s31, s26, $0xb8;
	[tilespmem:$0x5F10] =	vst v63  }
0x61: {  	_ =	swait.ge [sflag:s25], $0x280  }
0x62: {  	s31 =	simm.s32 $0x200;
	[sflag:s25] =	ssyncset.done $0x0  }
.LBB2_5:
0x63: {  	s1 =	sshra.s32 s31, $0x2;
	[sflag:s25] =	ssyncadd.s32 $0xFFFFFD80;
	p0 =	sne.s32 s31, $0x3000  }
0x64: {  	[spmem:s2] =	stream.indirect.scatter.add.f32 [tilespmem:s28], [sflag:$0x1], $0x10, s1, s26, $0xb8;
	[tilespmem:$0x5F10] =	vst v63  }
.Ltmp1:
0x65: {  	_ = 	snop;
	(pc) =	sbr.rel @p0 .LBB2_5-.Ltmp1, $4  }
0x66: {  	_ = 	snop  }
0x67: {  	s31 =	sadd.s32 $0x200, s31  }
0x68: {  	_ =	swait.ge [sflag:s25], $0x280  }
0x69: {  	[sflag:s25] =	ssyncset.done $0x0  }
0x6a: {  	s30 =	sadd.s32 $0x1, s30  }
0x6b: {  	p0 =	sne.s32 s30, $0xA  }
.Ltmp2:
0x6c: {  	_ = 	snop;
	(pc) =	sbr.rel @p0 .LBB2_4-.Ltmp2, $2  }
0x6d: {  	_ =	sdelay $0x2  }
0x6e: {  	[sflag:s25] =	ssyncadd.s32 $0xFFFFFD80  }
0x6f: {  	s3 =	sadd.s32 $0x1, s3  }
0x70: {  	s1 =	sshll.u32 s0, $0x6;
	[bflag:$0x0] =	sbarrier.arrive $0xFFFF;
	p0 =	sne.s32 s3, s23  }
.Ltmp3:
0x71: {  	s29 =	sshrl.u32 s5, $0x3;
	s1 =	sor.u32 $0x1C01, s1;
	(pc) =	sbr.rel @p0 .LBB2_1-.Ltmp3, $4  }
0x72: {  	[hbm:s22], [sflag:s1] =	dma.local [spmem:s29], $0x2710  }
0x73: {  	_ =	swait.ge [sflag:s25], $0x2710  }
0x74: {  	[sflag:s25] =	ssyncset.done $0x0  }
0x75: {  	[sflag:s25] =	ssyncadd.s32 $0xFFFFD8F0  }
0x76: {  	_ =	sfence.sel $0x180000  }
0x77: {  	[bflag:$0x0] =	sbarrier.arrive $0xFFFF  }
0x78: {  	_ =	strace $0x9000004A  }
0x79: {  	[bflag:$0x2] =	sbarrier.arrive $0xFFFF  }
0x7a: {  	p0 =	sne.s32 s0, $0x0;
	s0 =	rddreg [dreg:$0x2]  }
0x7b: {  	s0 =	sadd.s32 @!p0 $0x100000, s0  }
0x7c: {  	[sflag:s0] =	ssyncadd.tile.s32 @!p0 $0x1;
	_ =	shalt  }
.Lfunc_end2:
_tile_overlayer_lowered:
.L_overlay_start_2:
0x7d: {  	(tag) =	ssettag $0x2  }
0x7e: {  	s0 =	rddreg [dreg:$0x0];
	s2 =	stileid.u32  }
0x7f: {  	s1 =	rddreg [dreg:$0x1];
	p0 =	sne.s32 s2, $0x0  }
0x80: {  	s3 =	rddreg [dreg:$0x2];
	[bflag:$0x3] =	sbarrier.arrive $0xFFFF;
	s2 =	simm.s32 @!p0 $0x1C01  }
0x81: {  	[timem:s3], [sflag:s2] =	dma.local @!p0 [hbm:s0], s1  }
0x82: {  	s0 =	simm.s32 @!p0 $0x1  }
0x83: {  	_ =	swait.ge @!p0 [sflag:s0], s1  }
0x84: {  	s1 =	ssub.s32 @!p0 $0x0, s1;
	[sflag:s0] =	ssyncset.done @!p0 $0x0  }
0x85: {  	[sflag:s0] =	ssyncadd.s32 @!p0 s1  }
0x86: {  	[bflag:$0x3] =	sbarrier.arrive $0xFFFF  }
0x87: {  	_ =	shalt  }

</sc_bundles>
